<compile_context>
chip_gen: v7x
topology: tpu7x:2x2x1
jax: 0.10.2.dev20260603
libtpu: 0.0.44.dev20260713+nightly
codegen_flags: <defaults>
</compile_context>

<pallas_src>
import dataclasses
import functools

import jax
import jax.numpy as jnp
from jax import lax
from jax.experimental import pallas as pl
from jax.experimental.pallas import tpu as pltpu
from jax.experimental.pallas import tpu_sc as plsc

N = 10000
E = 320000
D = 128
NC, NS = 2, 16
C = 128
CH = D // NC
NP = 10240
RPT = NP // NS
K = 160
KH = K // NC
ET = K * C
E_PAD = ET * NS
NBUF = 5
BM = 256

_mesh = plsc.VectorSubcoreMesh(
    core_axis_name="c", subcore_axis_name="s", num_cores=NC, num_subcores=NS
)

_cp = dataclasses.replace(pltpu.CompilerParams(), needs_layout_passes=False)
_cp_lin = dataclasses.replace(pltpu.CompilerParams(), use_tc_tiling_on_sc=False)


@functools.partial(
    pl.kernel,
    out_type=jax.ShapeDtypeStruct((NC * NS, NP), jnp.float32),
    mesh=_mesh,
    compiler_params=_cp,
    scratch_types=[
        pltpu.VMEM((KH, C), jnp.int32),
        pltpu.VMEM((NP,), jnp.float32),
    ],
)
def _sc_degree(dstr_hbm, zeros_hbm, out_hbm, didx, cnt_v):
    c = lax.axis_index("c")
    sid = lax.axis_index("s")
    pltpu.sync_copy(zeros_hbm, cnt_v)
    pltpu.sync_copy(dstr_hbm.at[sid, pl.ds(c * KH, KH)], didx)
    ones = jnp.full((16,), 1.0, jnp.float32)

    @pl.loop(0, KH)
    def _(k):
        row = didx.at[k]

        @pl.loop(0, C // 16)
        def _(j):
            idx = row[pl.ds(j * 16, 16)]
            plsc.addupdate_scatter(cnt_v, [idx], ones)

    pltpu.sync_copy(cnt_v, out_hbm.at[c * NS + sid])


@functools.partial(
    pl.kernel,
    out_type=jax.ShapeDtypeStruct((NC, NP, CH), jnp.float32),
    mesh=_mesh,
    compiler_params=_cp_lin,
    scratch_types=[
        pltpu.VMEM((K, C), jnp.int32),
        pltpu.VMEM((K, C), jnp.int32),
        pltpu.VMEM((C, CH), jnp.float32),
        pltpu.VMEM((C, CH), jnp.float32),
        pltpu.VMEM((C, CH), jnp.float32),
        pltpu.VMEM((C, CH), jnp.float32),
        pltpu.VMEM((C, CH), jnp.float32),
        pltpu.VMEM_SHARED((NP, CH), jnp.float32),
        pltpu.SemaphoreType.DMA,
        pltpu.SemaphoreType.DMA,
        pltpu.SemaphoreType.DMA,
        pltpu.SemaphoreType.DMA,
        pltpu.SemaphoreType.DMA,
        pltpu.SemaphoreType.DMA,
        pltpu.SemaphoreType.DMA,
        pltpu.SemaphoreType.DMA,
        pltpu.SemaphoreType.DMA,
        pltpu.SemaphoreType.DMA,
    ],
)
def _sc_aggregate(hs_hbm, srcr_hbm, dstr_hbm, out_hbm, sidx, didx,
                  r0, r1, r2, r3, r4, acc_sh,
                  g0, g1, g2, g3, g4, s0, s1, s2, s3, s4):
    c = lax.axis_index("c")
    sid = lax.axis_index("s")
    rows = pl.ds(sid * RPT, RPT)
    htab = hs_hbm.at[c]
    pltpu.sync_copy(srcr_hbm.at[sid], sidx)
    pltpu.sync_copy(dstr_hbm.at[sid], didx)
    pltpu.sync_copy(htab.at[rows], acc_sh.at[rows])
    plsc.subcore_barrier()
    bufs = (r0, r1, r2, r3, r4)
    gsems = (g0, g1, g2, g3, g4)
    ssems = (s0, s1, s2, s3, s4)
    for b in range(NBUF):
        pltpu.async_copy(htab.at[sidx.at[b]], bufs[b], gsems[b])

    @pl.loop(0, K, step=NBUF)
    def _(k):
        for b in range(NBUF):
            kk = k + b
            pltpu.make_async_copy(htab.at[sidx.at[kk]], bufs[b], gsems[b]).wait()
            pltpu.async_copy(bufs[b], acc_sh.at[didx.at[kk]], ssems[b], add=True)
            pltpu.make_async_copy(bufs[b], acc_sh.at[didx.at[kk]], ssems[b]).wait()

            @pl.when(kk + NBUF < K)
            def _():
                pltpu.async_copy(htab.at[sidx.at[kk + NBUF]], bufs[b], gsems[b])

    plsc.subcore_barrier()
    pltpu.sync_copy(acc_sh.at[rows], out_hbm.at[c, rows])


def _mm(x, W):
    def body(x_ref, w_ref, o_ref):
        o_ref[...] = jax.lax.dot(
            x_ref[...], w_ref[...], precision=jax.lax.Precision.HIGHEST
        )

    return pl.pallas_call(
        body,
        grid=(NP // BM,),
        in_specs=[
            pl.BlockSpec((BM, D), lambda i: (i, 0)),
            pl.BlockSpec((D, D), lambda i: (0, 0)),
        ],
        out_specs=pl.BlockSpec((BM, D), lambda i: (i, 0)),
        out_shape=jax.ShapeDtypeStruct((NP, D), jnp.float32),
    )(x, W)


def _scale(h, degt):
    def body(h_ref, g_ref, hs_ref, dis_ref):
        deg = jnp.sum(g_ref[...], axis=1, keepdims=True) + 1.0
        dis = jax.lax.rsqrt(deg)
        hp = h_ref[...] * dis
        hs_ref[0, :, :] = hp[:, :CH]
        hs_ref[1, :, :] = hp[:, CH:]
        dis_ref[...] = dis

    return pl.pallas_call(
        body,
        grid=(NP // BM,),
        in_specs=[
            pl.BlockSpec((BM, D), lambda i: (i, 0)),
            pl.BlockSpec((BM, NC * NS), lambda i: (i, 0)),
        ],
        out_specs=[
            pl.BlockSpec((NC, BM, CH), lambda i: (0, i, 0)),
            pl.BlockSpec((BM, 1), lambda i: (i, 0)),
        ],
        out_shape=[
            jax.ShapeDtypeStruct((NC, NP, CH), jnp.float32),
            jax.ShapeDtypeStruct((NP, 1), jnp.float32),
        ],
    )(h, degt)


def _combine(acc2, dis, b, W):
    def body(a_ref, dis_ref, b_ref, w_ref, o_ref):
        ssum = jnp.concatenate([a_ref[0], a_ref[1]], axis=1)
        o = dis_ref[...] * ssum + b_ref[...]
        a = jnp.maximum(o, 0.0)
        hn = (
            jax.lax.dot(a, w_ref[...], precision=jax.lax.Precision.HIGHEST)
            * dis_ref[...]
        )
        o_ref[0, :, :] = hn[:, :CH]
        o_ref[1, :, :] = hn[:, CH:]

    return pl.pallas_call(
        body,
        grid=(NP // BM,),
        in_specs=[
            pl.BlockSpec((NC, BM, CH), lambda i: (0, i, 0)),
            pl.BlockSpec((BM, 1), lambda i: (i, 0)),
            pl.BlockSpec((1, D), lambda i: (0, 0)),
            pl.BlockSpec((D, D), lambda i: (0, 0)),
        ],
        out_specs=pl.BlockSpec((NC, BM, CH), lambda i: (0, i, 0)),
        out_shape=jax.ShapeDtypeStruct((NC, NP, CH), jnp.float32),
    )(acc2, dis, b, W)


def _final(acc2, dis, b):
    def body(a_ref, dis_ref, b_ref, o_ref):
        ssum = jnp.concatenate([a_ref[0], a_ref[1]], axis=1)
        o_ref[...] = dis_ref[...] * ssum + b_ref[...]

    return pl.pallas_call(
        body,
        grid=(NP // BM,),
        in_specs=[
            pl.BlockSpec((NC, BM, CH), lambda i: (0, i, 0)),
            pl.BlockSpec((BM, 1), lambda i: (i, 0)),
            pl.BlockSpec((1, D), lambda i: (0, 0)),
        ],
        out_specs=pl.BlockSpec((BM, D), lambda i: (i, 0)),
        out_shape=jax.ShapeDtypeStruct((NP, D), jnp.float32),
    )(acc2, dis, b)


@jax.jit
def kernel(x, edge_index, W1, b1, W2, b2, W3, b3):
    src = edge_index[0].astype(jnp.int32)
    dst = edge_index[1].astype(jnp.int32)
    pad_e = jnp.full((E_PAD - E,), N, jnp.int32)
    src_p = jnp.concatenate([src, pad_e]).reshape(NS, K, C)
    dst_p = jnp.concatenate([dst, pad_e]).reshape(NS, K, C)
    x_p = jnp.zeros((NP, D), jnp.float32).at[:N].set(x)
    zeros1 = jnp.zeros((NP,), jnp.float32)

    degp = _sc_degree(dst_p, zeros1)
    h1 = _mm(x_p, W1)
    h1s, dis = _scale(h1, degp.T)
    acc1 = _sc_aggregate(h1s, src_p, dst_p)
    h2s = _combine(acc1, dis, b1.reshape(1, D), W2)
    acc2 = _sc_aggregate(h2s, src_p, dst_p)
    h3s = _combine(acc2, dis, b2.reshape(1, D), W3)
    acc3 = _sc_aggregate(h3s, src_p, dst_p)
    out = _final(acc3, dis, b3.reshape(1, D))
    return out[:N]

# --- scband reference (transcript-rebuilt; emitter-appended) ---
"""Pipeline reference for scband-gcn-33054068310403 (READ-ONLY COPY).

The authoritative reference and input builder live on the scoring server;
editing this copy changes nothing except your own understanding.
"""

import jax, jax.numpy as jnp
import numpy as np

N_NODES = 10000
N_EDGES = 320000
D_IN = 128
D_HID = 128
D_OUT = 128


def gcn_conv(x, edge_index, W, b):
    # PyG GCNConv: linear transform, add self-loops, symmetric normalization, scatter-add, bias
    n = x.shape[0]
    h = x @ W
    src = edge_index[0]
    dst = edge_index[1]
    loop = jnp.arange(n, dtype=edge_index.dtype)
    src = jnp.concatenate([src, loop])
    dst = jnp.concatenate([dst, loop])
    deg = jnp.zeros((n,), dtype=h.dtype).at[dst].add(1.0)
    deg_inv_sqrt = jnp.where(deg > 0, 1.0 / jnp.sqrt(deg), 0.0)
    norm = deg_inv_sqrt[src] * deg_inv_sqrt[dst]
    msg = h[src] * norm[:, None]
    out = jnp.zeros_like(h).at[dst].add(msg)
    return out + b


def setup_inputs(seed: int = 0) -> dict:
    key = jax.random.key(seed)
    ks = jax.random.split(key, 8)
    x = jax.random.normal(ks[0], (N_NODES, D_IN), dtype=jnp.float32)
    edge_index = jax.random.randint(ks[1], (2, N_EDGES), 0, N_NODES, dtype=jnp.int64)
    s1 = 1.0 / np.sqrt(D_IN)
    s2 = 1.0 / np.sqrt(D_HID)
    W1 = jax.random.uniform(ks[2], (D_IN, D_HID), jnp.float32, -s1, s1)
    b1 = jnp.zeros((D_HID,), jnp.float32)
    W2 = jax.random.uniform(ks[3], (D_HID, D_HID), jnp.float32, -s2, s2)
    b2 = jnp.zeros((D_HID,), jnp.float32)
    W3 = jax.random.uniform(ks[4], (D_HID, D_OUT), jnp.float32, -s2, s2)
    b3 = jnp.zeros((D_OUT,), jnp.float32)
    return {"x": x, "edge_index": edge_index, "W1": W1, "b1": b1, "W2": W2, "b2": b2, "W3": W3, "b3": b3}


def reference(x, edge_index, W1, b1, W2, b2, W3, b3):
    # eval mode: dropout is identity
    h = gcn_conv(x, edge_index, W1, b1)
    h = jax.nn.relu(h)
    h = gcn_conv(h, edge_index, W2, b2)
    h = jax.nn.relu(h)
    h = gcn_conv(h, edge_index, W3, b3)
    return h

if __name__ == "__main__":
    import jax
    _d = setup_inputs()
    print(jax.jit(kernel)(*tuple(_d.values())))

</pallas_src>

<mosaic_0001>
#map = affine_map<(d0, d1) -> (0, 0, 0)>
#map1 = affine_map<(d0, d1) -> (0)>
#map2 = affine_map<(d0, d1) -> (0, 0)>
module attributes {stable_mosaic.version = 14 : i64} {
  func.func @_sc_degree(%arg0: i32, %arg1: i32, %arg2: memref<16x160x128xi32, #tpu.memory_space<hbm>>, %arg3: memref<10240xf32, #tpu.memory_space<hbm>>, %arg4: memref<32x10240xf32, #tpu.memory_space<hbm>>, %arg5: memref<80x128xi32, #tpu.memory_space<vmem>>, %arg6: memref<10240xf32, #tpu.memory_space<vmem>>) attributes {dimension_semantics = [#tpu.dimension_semantics<core_parallel>, #tpu.dimension_semantics<subcore_parallel>], iteration_bounds = array<i64: 2, 16>, scalar_prefetch = 0 : i64, scratch_operands = 2 : i64, tpu.core_type = #tpu.core_type<sc_vector_subcore>, window_params = [{transform_indices = #map}, {transform_indices = #map1}, {transform_indices = #map2}]} {
    "tpu.region"() ({
      %run_scoped3A = tpu.sem_alloc : memref<!tpu.dma_semaphore, #tpu.memory_space<semaphore_mem>>
      tpu.enqueue_dma source(%arg3 : memref<10240xf32, #tpu.memory_space<hbm>>) target(%arg6 : memref<10240xf32, #tpu.memory_space<vmem>>) target_semaphore(%run_scoped3A : memref<!tpu.dma_semaphore, #tpu.memory_space<semaphore_mem>>)
      tpu.wait_dma2 semaphore(%run_scoped3A : memref<!tpu.dma_semaphore, #tpu.memory_space<semaphore_mem>>) src(%arg3 : memref<10240xf32, #tpu.memory_space<hbm>>) dst(%arg6 : memref<10240xf32, #tpu.memory_space<vmem>>)
      tpu.yield
    }) : () -> ()
    %mul3A = arith.constant 80 : i32
    %mul3A_0 = arith.muli %arg0, %mul3A : i32
    "tpu.region"() ({
      %run_scoped3A = tpu.sem_alloc : memref<!tpu.dma_semaphore, #tpu.memory_space<semaphore_mem>>
      %dma_start3A = arith.constant 0 : i32
      %dma_start3A_8 = tpu.memref_slice %arg2[%arg1, %mul3A_0, %dma_start3A] : memref<16x160x128xi32, #tpu.memory_space<hbm>> -> memref<1x80x128xi32, #tpu.memory_space<hbm>>
      %dma_start3A_9 = tpu.memref_squeeze %dma_start3A_8 : memref<1x80x128xi32, #tpu.memory_space<hbm>> -> memref<80x128xi32, #tpu.memory_space<hbm>>
      %dma_start3A_10 = arith.constant 0 : i32
      %dma_start3A_11 = tpu.memref_slice %arg2[%arg1, %mul3A_0, %dma_start3A_10] : memref<16x160x128xi32, #tpu.memory_space<hbm>> -> memref<1x80x128xi32, #tpu.memory_space<hbm>>
      %dma_start3A_12 = tpu.memref_squeeze %dma_start3A_11 : memref<1x80x128xi32, #tpu.memory_space<hbm>> -> memref<80x128xi32, #tpu.memory_space<hbm>>
      tpu.enqueue_dma source(%dma_start3A_12 : memref<80x128xi32, #tpu.memory_space<hbm>>) target(%arg5 : memref<80x128xi32, #tpu.memory_space<vmem>>) target_semaphore(%run_scoped3A : memref<!tpu.dma_semaphore, #tpu.memory_space<semaphore_mem>>)
      %dma_wait3A = arith.constant 0 : i32
      %dma_wait3A_13 = tpu.memref_slice %arg2[%arg1, %mul3A_0, %dma_wait3A] : memref<16x160x128xi32, #tpu.memory_space<hbm>> -> memref<1x80x128xi32, #tpu.memory_space<hbm>>
      %dma_wait3A_14 = tpu.memref_squeeze %dma_wait3A_13 : memref<1x80x128xi32, #tpu.memory_space<hbm>> -> memref<80x128xi32, #tpu.memory_space<hbm>>
      %dma_wait3A_15 = arith.constant 0 : i32
      %dma_wait3A_16 = tpu.memref_slice %arg2[%arg1, %mul3A_0, %dma_wait3A_15] : memref<16x160x128xi32, #tpu.memory_space<hbm>> -> memref<1x80x128xi32, #tpu.memory_space<hbm>>
      %dma_wait3A_17 = tpu.memref_squeeze %dma_wait3A_16 : memref<1x80x128xi32, #tpu.memory_space<hbm>> -> memref<80x128xi32, #tpu.memory_space<hbm>>
      tpu.wait_dma2 semaphore(%run_scoped3A : memref<!tpu.dma_semaphore, #tpu.memory_space<semaphore_mem>>) src(%dma_wait3A_17 : memref<80x128xi32, #tpu.memory_space<hbm>>) dst(%arg5 : memref<80x128xi32, #tpu.memory_space<vmem>>)
      tpu.yield
    }) : () -> ()
    %broadcast_in_dim3A = arith.constant 1.000000e+00 : f32
    %broadcast_in_dim3A_1 = vector.broadcast %broadcast_in_dim3A : f32 to vector<16xf32>
    %scan3A = arith.constant 0 : i32
    %scan3A_2 = arith.constant 80 : i32
    %scan3A_3 = arith.addi %scan3A, %scan3A_2 : i32
    %scan3A_4 = arith.constant 1 : i32
    scf.for %scan3A_8 = %scan3A to %scan3A_3 step %scan3A_4  : i32 {
      %mul3A_9 = arith.constant 1 : i32
      %mul3A_10 = arith.muli %scan3A_8, %mul3A_9 : i32
      %add3A_11 = arith.constant 0 : i32
      %add3A_12 = arith.addi %add3A_11, %mul3A_10 : i32
      %scan3A_13 = arith.constant 0 : i32
      %scan3A_14 = arith.constant 8 : i32
      %scan3A_15 = arith.addi %scan3A_13, %scan3A_14 : i32
      %scan3A_16 = arith.constant 1 : i32
      scf.for %scan3A_18 = %scan3A_13 to %scan3A_15 step %scan3A_16  : i32 {
        %mul3A_19 = arith.constant 1 : i32
        %mul3A_20 = arith.muli %scan3A_18, %mul3A_19 : i32
        %add3A_21 = arith.constant 0 : i32
        %add3A_22 = arith.addi %add3A_21, %mul3A_20 : i32
        %mul3A_23 = arith.constant 16 : i32
        %mul3A_24 = arith.muli %add3A_22, %mul3A_23 : i32
        %get3A = arith.constant 0 : i32
        %get3A_25 = tpu.memref_slice %arg5[%add3A_12, %get3A] : memref<80x128xi32, #tpu.memory_space<vmem>> -> memref<1x128xi32, #tpu.memory_space<vmem>>
        %get3A_26 = tpu.memref_squeeze %get3A_25 : memref<1x128xi32, #tpu.memory_space<vmem>> -> memref<128xi32, #tpu.memory_space<vmem>>
        %get3A_27 = arith.index_cast %mul3A_24 : i32 to index
        %get3A_28 = tpu.vector_load %get3A_26[%get3A_27] {strides = array<i32>} : memref<128xi32, #tpu.memory_space<vmem>>, vector<16xi32>,
        tpu.vector_store_idx %arg6[%get3A_28], %broadcast_in_dim3A_1 {add = true} : memref<10240xf32, #tpu.memory_space<vmem>>[vector<16xi32>], vector<16xf32>,
      }
      %scan3A_17 = arith.constant 8 : i32
    }
    %scan3A_5 = arith.constant 80 : i32
    %mul3A_6 = arith.constant 16 : i32
    %mul3A_7 = arith.muli %arg0, %mul3A_6 : i32
    %add3A = arith.addi %mul3A_7, %arg1 : i32
    "tpu.region"() ({
      %run_scoped3A = tpu.sem_alloc : memref<!tpu.dma_semaphore, #tpu.memory_space<semaphore_mem>>
      %dma_start3A = arith.constant 0 : i32
      %dma_start3A_8 = tpu.memref_slice %arg4[%add3A, %dma_start3A] : memref<32x10240xf32, #tpu.memory_space<hbm>> -> memref<1x10240xf32, #tpu.memory_space<hbm>>
      %dma_start3A_9 = tpu.memref_squeeze %dma_start3A_8 : memref<1x10240xf32, #tpu.memory_space<hbm>> -> memref<10240xf32, #tpu.memory_space<hbm>>
      %dma_start3A_10 = arith.constant 0 : i32
      %dma_start3A_11 = tpu.memref_slice %arg4[%add3A, %dma_start3A_10] : memref<32x10240xf32, #tpu.memory_space<hbm>> -> memref<1x10240xf32, #tpu.memory_space<hbm>>
      %dma_start3A_12 = tpu.memref_squeeze %dma_start3A_11 : memref<1x10240xf32, #tpu.memory_space<hbm>> -> memref<10240xf32, #tpu.memory_space<hbm>>
      tpu.enqueue_dma source(%arg6 : memref<10240xf32, #tpu.memory_space<vmem>>) target(%dma_start3A_12 : memref<10240xf32, #tpu.memory_space<hbm>>) target_semaphore(%run_scoped3A : memref<!tpu.dma_semaphore, #tpu.memory_space<semaphore_mem>>)
      %dma_wait3A = arith.constant 0 : i32
      %dma_wait3A_13 = tpu.memref_slice %arg4[%add3A, %dma_wait3A] : memref<32x10240xf32, #tpu.memory_space<hbm>> -> memref<1x10240xf32, #tpu.memory_space<hbm>>
      %dma_wait3A_14 = tpu.memref_squeeze %dma_wait3A_13 : memref<1x10240xf32, #tpu.memory_space<hbm>> -> memref<10240xf32, #tpu.memory_space<hbm>>
      %dma_wait3A_15 = arith.constant 0 : i32
      %dma_wait3A_16 = tpu.memref_slice %arg4[%add3A, %dma_wait3A_15] : memref<32x10240xf32, #tpu.memory_space<hbm>> -> memref<1x10240xf32, #tpu.memory_space<hbm>>
      %dma_wait3A_17 = tpu.memref_squeeze %dma_wait3A_16 : memref<1x10240xf32, #tpu.memory_space<hbm>> -> memref<10240xf32, #tpu.memory_space<hbm>>
      tpu.wait_dma2 semaphore(%run_scoped3A : memref<!tpu.dma_semaphore, #tpu.memory_space<semaphore_mem>>) src(%arg6 : memref<10240xf32, #tpu.memory_space<vmem>>) dst(%dma_wait3A_17 : memref<10240xf32, #tpu.memory_space<hbm>>)
      tpu.yield
    }) : () -> ()
    return
  }
}

#map = affine_map<(d0, d1) -> (0, 0, 0)>
module attributes {stable_mosaic.version = 14 : i64} {
  func.func @_sc_aggregate(%arg0: i32, %arg1: i32, %arg2: memref<2x10240x64xf32, #tpu.memory_space<hbm>>, %arg3: memref<16x160x128xi32, #tpu.memory_space<hbm>>, %arg4: memref<16x160x128xi32, #tpu.memory_space<hbm>>, %arg5: memref<2x10240x64xf32, #tpu.memory_space<hbm>>, %arg6: memref<160x128xi32, #tpu.memory_space<vmem>>, %arg7: memref<160x128xi32, #tpu.memory_space<vmem>>, %arg8: memref<128x64xf32, #tpu.memory_space<vmem>>, %arg9: memref<128x64xf32, #tpu.memory_space<vmem>>, %arg10: memref<128x64xf32, #tpu.memory_space<vmem>>, %arg11: memref<128x64xf32, #tpu.memory_space<vmem>>, %arg12: memref<128x64xf32, #tpu.memory_space<vmem>>, %arg13: memref<10240x64xf32, #tpu.memory_space<vmem_shared>>, %arg14: memref<!tpu.dma_semaphore, #tpu.memory_space<semaphore_mem>>, %arg15: memref<!tpu.dma_semaphore, #tpu.memory_space<semaphore_mem>>, %arg16: memref<!tpu.dma_semaphore, #tpu.memory_space<semaphore_mem>>, %arg17: memref<!tpu.dma_semaphore, #tpu.memory_space<semaphore_mem>>, %arg18: memref<!tpu.dma_semaphore, #tpu.memory_space<semaphore_mem>>, %arg19: memref<!tpu.dma_semaphore, #tpu.memory_space<semaphore_mem>>, %arg20: memref<!tpu.dma_semaphore, #tpu.memory_space<semaphore_mem>>, %arg21: memref<!tpu.dma_semaphore, #tpu.memory_space<semaphore_mem>>, %arg22: memref<!tpu.dma_semaphore, #tpu.memory_space<semaphore_mem>>, %arg23: memref<!tpu.dma_semaphore, #tpu.memory_space<semaphore_mem>>) attributes {dimension_semantics = [#tpu.dimension_semantics<core_parallel>, #tpu.dimension_semantics<subcore_parallel>], iteration_bounds = array<i64: 2, 16>, scalar_prefetch = 0 : i64, scratch_operands = 18 : i64, tpu.core_type = #tpu.core_type<sc_vector_subcore>, window_params = [{transform_indices = #map}, {transform_indices = #map}, {transform_indices = #map}, {transform_indices = #map}]} {
    %mul3A = arith.constant 640 : i32
    %mul3A_0 = arith.muli %arg1, %mul3A : i32
    "tpu.region"() ({
      %run_scoped3A = tpu.sem_alloc : memref<!tpu.dma_semaphore, #tpu.memory_space<semaphore_mem>>
      %dma_start3A_60 = arith.constant 0 : i32
      %dma_start3A_61 = arith.constant 0 : i32
      %dma_start3A_62 = tpu.memref_slice %arg3[%arg1, %dma_start3A_60, %dma_start3A_61] : memref<16x160x128xi32, #tpu.memory_space<hbm>> -> memref<1x160x128xi32, #tpu.memory_space<hbm>>
      %dma_start3A_63 = tpu.memref_squeeze %dma_start3A_62 : memref<1x160x128xi32, #tpu.memory_space<hbm>> -> memref<160x128xi32, #tpu.memory_space<hbm>>
      %dma_start3A_64 = arith.constant 0 : i32
      %dma_start3A_65 = arith.constant 0 : i32
      %dma_start3A_66 = tpu.memref_slice %arg3[%arg1, %dma_start3A_64, %dma_start3A_65] : memref<16x160x128xi32, #tpu.memory_space<hbm>> -> memref<1x160x128xi32, #tpu.memory_space<hbm>>
      %dma_start3A_67 = tpu.memref_squeeze %dma_start3A_66 : memref<1x160x128xi32, #tpu.memory_space<hbm>> -> memref<160x128xi32, #tpu.memory_space<hbm>>
      tpu.enqueue_dma source(%dma_start3A_67 : memref<160x128xi32, #tpu.memory_space<hbm>>) target(%arg6 : memref<160x128xi32, #tpu.memory_space<vmem>>) target_semaphore(%run_scoped3A : memref<!tpu.dma_semaphore, #tpu.memory_space<semaphore_mem>>)
      %dma_wait3A = arith.constant 0 : i32
      %dma_wait3A_68 = arith.constant 0 : i32
      %dma_wait3A_69 = tpu.memref_slice %arg3[%arg1, %dma_wait3A, %dma_wait3A_68] : memref<16x160x128xi32, #tpu.memory_space<hbm>> -> memref<1x160x128xi32, #tpu.memory_space<hbm>>
      %dma_wait3A_70 = tpu.memref_squeeze %dma_wait3A_69 : memref<1x160x128xi32, #tpu.memory_space<hbm>> -> memref<160x128xi32, #tpu.memory_space<hbm>>
      %dma_wait3A_71 = arith.constant 0 : i32
      %dma_wait3A_72 = arith.constant 0 : i32
      %dma_wait3A_73 = tpu.memref_slice %arg3[%arg1, %dma_wait3A_71, %dma_wait3A_72] : memref<16x160x128xi32, #tpu.memory_space<hbm>> -> memref<1x160x128xi32, #tpu.memory_space<hbm>>
      %dma_wait3A_74 = tpu.memref_squeeze %dma_wait3A_73 : memref<1x160x128xi32, #tpu.memory_space<hbm>> -> memref<160x128xi32, #tpu.memory_space<hbm>>
      tpu.wait_dma2 semaphore(%run_scoped3A : memref<!tpu.dma_semaphore, #tpu.memory_space<semaphore_mem>>) src(%dma_wait3A_74 : memref<160x128xi32, #tpu.memory_space<hbm>>) dst(%arg6 : memref<160x128xi32, #tpu.memory_space<vmem>>)
      tpu.yield
    }) : () -> ()
    "tpu.region"() ({
      %run_scoped3A = tpu.sem_alloc : memref<!tpu.dma_semaphore, #tpu.memory_space<semaphore_mem>>
      %dma_start3A_60 = arith.constant 0 : i32
      %dma_start3A_61 = arith.constant 0 : i32
      %dma_start3A_62 = tpu.memref_slice %arg4[%arg1, %dma_start3A_60, %dma_start3A_61] : memref<16x160x128xi32, #tpu.memory_space<hbm>> -> memref<1x160x128xi32, #tpu.memory_space<hbm>>
      %dma_start3A_63 = tpu.memref_squeeze %dma_start3A_62 : memref<1x160x128xi32, #tpu.memory_space<hbm>> -> memref<160x128xi32, #tpu.memory_space<hbm>>
      %dma_start3A_64 = arith.constant 0 : i32
      %dma_start3A_65 = arith.constant 0 : i32
      %dma_start3A_66 = tpu.memref_slice %arg4[%arg1, %dma_start3A_64, %dma_start3A_65] : memref<16x160x128xi32, #tpu.memory_space<hbm>> -> memref<1x160x128xi32, #tpu.memory_space<hbm>>
      %dma_start3A_67 = tpu.memref_squeeze %dma_start3A_66 : memref<1x160x128xi32, #tpu.memory_space<hbm>> -> memref<160x128xi32, #tpu.memory_space<hbm>>
      tpu.enqueue_dma source(%dma_start3A_67 : memref<160x128xi32, #tpu.memory_space<hbm>>) target(%arg7 : memref<160x128xi32, #tpu.memory_space<vmem>>) target_semaphore(%run_scoped3A : memref<!tpu.dma_semaphore, #tpu.memory_space<semaphore_mem>>)
      %dma_wait3A = arith.constant 0 : i32
      %dma_wait3A_68 = arith.constant 0 : i32
      %dma_wait3A_69 = tpu.memref_slice %arg4[%arg1, %dma_wait3A, %dma_wait3A_68] : memref<16x160x128xi32, #tpu.memory_space<hbm>> -> memref<1x160x128xi32, #tpu.memory_space<hbm>>
      %dma_wait3A_70 = tpu.memref_squeeze %dma_wait3A_69 : memref<1x160x128xi32, #tpu.memory_space<hbm>> -> memref<160x128xi32, #tpu.memory_space<hbm>>
      %dma_wait3A_71 = arith.constant 0 : i32
      %dma_wait3A_72 = arith.constant 0 : i32
      %dma_wait3A_73 = tpu.memref_slice %arg4[%arg1, %dma_wait3A_71, %dma_wait3A_72] : memref<16x160x128xi32, #tpu.memory_space<hbm>> -> memref<1x160x128xi32, #tpu.memory_space<hbm>>
      %dma_wait3A_74 = tpu.memref_squeeze %dma_wait3A_73 : memref<1x160x128xi32, #tpu.memory_space<hbm>> -> memref<160x128xi32, #tpu.memory_space<hbm>>
      tpu.wait_dma2 semaphore(%run_scoped3A : memref<!tpu.dma_semaphore, #tpu.memory_space<semaphore_mem>>) src(%dma_wait3A_74 : memref<160x128xi32, #tpu.memory_space<hbm>>) dst(%arg7 : memref<160x128xi32, #tpu.memory_space<vmem>>)
      tpu.yield
    }) : () -> ()
    "tpu.region"() ({
      %run_scoped3A = tpu.sem_alloc : memref<!tpu.dma_semaphore, #tpu.memory_space<semaphore_mem>>
      %dma_start3A_60 = arith.constant 0 : i32
      %dma_start3A_61 = tpu.memref_slice %arg13[%mul3A_0, %dma_start3A_60] : memref<10240x64xf32, #tpu.memory_space<vmem_shared>> -> memref<640x64xf32, #tpu.memory_space<vmem_shared>>
      %dma_start3A_62 = arith.constant 0 : i32
      %dma_start3A_63 = arith.constant 0 : i32
      %dma_start3A_64 = tpu.memref_slice %arg2[%arg0, %dma_start3A_62, %dma_start3A_63] : memref<2x10240x64xf32, #tpu.memory_space<hbm>> -> memref<1x10240x64xf32, #tpu.memory_space<hbm>>
      %dma_start3A_65 = tpu.memref_squeeze %dma_start3A_64 : memref<1x10240x64xf32, #tpu.memory_space<hbm>> -> memref<10240x64xf32, #tpu.memory_space<hbm>>
      %dma_start3A_66 = arith.constant 0 : i32
      %dma_start3A_67 = tpu.memref_slice %dma_start3A_65[%mul3A_0, %dma_start3A_66] : memref<10240x64xf32, #tpu.memory_space<hbm>> -> memref<640x64xf32, #tpu.memory_space<hbm>>
      tpu.enqueue_dma source(%dma_start3A_67 : memref<640x64xf32, #tpu.memory_space<hbm>>) target(%dma_start3A_61 : memref<640x64xf32, #tpu.memory_space<vmem_shared>>) target_semaphore(%run_scoped3A : memref<!tpu.dma_semaphore, #tpu.memory_space<semaphore_mem>>)
      %dma_wait3A = arith.constant 0 : i32
      %dma_wait3A_68 = tpu.memref_slice %arg13[%mul3A_0, %dma_wait3A] : memref<10240x64xf32, #tpu.memory_space<vmem_shared>> -> memref<640x64xf32, #tpu.memory_space<vmem_shared>>
      %dma_wait3A_69 = arith.constant 0 : i32
      %dma_wait3A_70 = arith.constant 0 : i32
      %dma_wait3A_71 = tpu.memref_slice %arg2[%arg0, %dma_wait3A_69, %dma_wait3A_70] : memref<2x10240x64xf32, #tpu.memory_space<hbm>> -> memref<1x10240x64xf32, #tpu.memory_space<hbm>>
      %dma_wait3A_72 = tpu.memref_squeeze %dma_wait3A_71 : memref<1x10240x64xf32, #tpu.memory_space<hbm>> -> memref<10240x64xf32, #tpu.memory_space<hbm>>
      %dma_wait3A_73 = arith.constant 0 : i32
      %dma_wait3A_74 = tpu.memref_slice %dma_wait3A_72[%mul3A_0, %dma_wait3A_73] : memref<10240x64xf32, #tpu.memory_space<hbm>> -> memref<640x64xf32, #tpu.memory_space<hbm>>
      tpu.wait_dma2 semaphore(%run_scoped3A : memref<!tpu.dma_semaphore, #tpu.memory_space<semaphore_mem>>) src(%dma_wait3A_74 : memref<640x64xf32, #tpu.memory_space<hbm>>) dst(%dma_wait3A_68 : memref<640x64xf32, #tpu.memory_space<vmem_shared>>)
      tpu.yield
    }) : () -> ()
    %barrier3A = arith.constant 0 : index
    tpu.barrier barrier_id(%barrier3A)
    %dma_start3A = arith.constant 0 : i32
    %dma_start3A_1 = arith.constant 0 : i32
    %dma_start3A_2 = tpu.memref_slice %arg6[%dma_start3A, %dma_start3A_1] : memref<160x128xi32, #tpu.memory_space<vmem>> -> memref<1x128xi32, #tpu.memory_space<vmem>>
    %dma_start3A_3 = tpu.memref_squeeze %dma_start3A_2 : memref<1x128xi32, #tpu.memory_space<vmem>> -> memref<128xi32, #tpu.memory_space<vmem>>
    %dma_start3A_4 = arith.constant 0 : i32
    %dma_start3A_5 = arith.constant 0 : i32
    %dma_start3A_6 = tpu.memref_slice %arg2[%arg0, %dma_start3A_4, %dma_start3A_5] : memref<2x10240x64xf32, #tpu.memory_space<hbm>> -> memref<1x10240x64xf32, #tpu.memory_space<hbm>>
    %dma_start3A_7 = tpu.memref_squeeze %dma_start3A_6 : memref<1x10240x64xf32, #tpu.memory_space<hbm>> -> memref<10240x64xf32, #tpu.memory_space<hbm>>
    %dma_start3A_8 = arith.constant 0 : i32
    %dma_start3A_9 = arith.constant 0 : i32
    %dma_start3A_10 = tpu.memref_slice %dma_start3A_7[%dma_start3A_8, %dma_start3A_9] : memref<10240x64xf32, #tpu.memory_space<hbm>> -> memref<10240x64xf32, #tpu.memory_space<hbm>>
    tpu.enqueue_indirect_dma source(%dma_start3A_10 : memref<10240x64xf32, #tpu.memory_space<hbm>>) target(%arg8 : memref<128x64xf32, #tpu.memory_space<vmem>>) offsets(%dma_start3A_3 : memref<128xi32, #tpu.memory_space<vmem>>) semaphore(%arg14 : memref<!tpu.dma_semaphore, #tpu.memory_space<semaphore_mem>>)
    %dma_start3A_11 = arith.constant 1 : i32
    %dma_start3A_12 = arith.constant 0 : i32
    %dma_start3A_13 = tpu.memref_slice %arg6[%dma_start3A_11, %dma_start3A_12] : memref<160x128xi32, #tpu.memory_space<vmem>> -> memref<1x128xi32, #tpu.memory_space<vmem>>
    %dma_start3A_14 = tpu.memref_squeeze %dma_start3A_13 : memref<1x128xi32, #tpu.memory_space<vmem>> -> memref<128xi32, #tpu.memory_space<vmem>>
    %dma_start3A_15 = arith.constant 0 : i32
    %dma_start3A_16 = arith.constant 0 : i32
    %dma_start3A_17 = tpu.memref_slice %arg2[%arg0, %dma_start3A_15, %dma_start3A_16] : memref<2x10240x64xf32, #tpu.memory_space<hbm>> -> memref<1x10240x64xf32, #tpu.memory_space<hbm>>
    %dma_start3A_18 = tpu.memref_squeeze %dma_start3A_17 : memref<1x10240x64xf32, #tpu.memory_space<hbm>> -> memref<10240x64xf32, #tpu.memory_space<hbm>>
    %dma_start3A_19 = arith.constant 0 : i32
    %dma_start3A_20 = arith.constant 0 : i32
    %dma_start3A_21 = tpu.memref_slice %dma_start3A_18[%dma_start3A_19, %dma_start3A_20] : memref<10240x64xf32, #tpu.memory_space<hbm>> -> memref<10240x64xf32, #tpu.memory_space<hbm>>
    tpu.enqueue_indirect_dma source(%dma_start3A_21 : memref<10240x64xf32, #tpu.memory_space<hbm>>) target(%arg9 : memref<128x64xf32, #tpu.memory_space<vmem>>) offsets(%dma_start3A_14 : memref<128xi32, #tpu.memory_space<vmem>>) semaphore(%arg15 : memref<!tpu.dma_semaphore, #tpu.memory_space<semaphore_mem>>)
    %dma_start3A_22 = arith.constant 2 : i32
    %dma_start3A_23 = arith.constant 0 : i32
    %dma_start3A_24 = tpu.memref_slice %arg6[%dma_start3A_22, %dma_start3A_23] : memref<160x128xi32, #tpu.memory_space<vmem>> -> memref<1x128xi32, #tpu.memory_space<vmem>>
    %dma_start3A_25 = tpu.memref_squeeze %dma_start3A_24 : memref<1x128xi32, #tpu.memory_space<vmem>> -> memref<128xi32, #tpu.memory_space<vmem>>
    %dma_start3A_26 = arith.constant 0 : i32
    %dma_start3A_27 = arith.constant 0 : i32
    %dma_start3A_28 = tpu.memref_slice %arg2[%arg0, %dma_start3A_26, %dma_start3A_27] : memref<2x10240x64xf32, #tpu.memory_space<hbm>> -> memref<1x10240x64xf32, #tpu.memory_space<hbm>>
    %dma_start3A_29 = tpu.memref_squeeze %dma_start3A_28 : memref<1x10240x64xf32, #tpu.memory_space<hbm>> -> memref<10240x64xf32, #tpu.memory_space<hbm>>
    %dma_start3A_30 = arith.constant 0 : i32
    %dma_start3A_31 = arith.constant 0 : i32
    %dma_start3A_32 = tpu.memref_slice %dma_start3A_29[%dma_start3A_30, %dma_start3A_31] : memref<10240x64xf32, #tpu.memory_space<hbm>> -> memref<10240x64xf32, #tpu.memory_space<hbm>>
    tpu.enqueue_indirect_dma source(%dma_start3A_32 : memref<10240x64xf32, #tpu.memory_space<hbm>>) target(%arg10 : memref<128x64xf32, #tpu.memory_space<vmem>>) offsets(%dma_start3A_25 : memref<128xi32, #tpu.memory_space<vmem>>) semaphore(%arg16 : memref<!tpu.dma_semaphore, #tpu.memory_space<semaphore_mem>>)
    %dma_start3A_33 = arith.constant 3 : i32
    %dma_start3A_34 = arith.constant 0 : i32
    %dma_start3A_35 = tpu.memref_slice %arg6[%dma_start3A_33, %dma_start3A_34] : memref<160x128xi32, #tpu.memory_space<vmem>> -> memref<1x128xi32, #tpu.memory_space<vmem>>
    %dma_start3A_36 = tpu.memref_squeeze %dma_start3A_35 : memref<1x128xi32, #tpu.memory_space<vmem>> -> memref<128xi32, #tpu.memory_space<vmem>>
    %dma_start3A_37 = arith.constant 0 : i32
    %dma_start3A_38 = arith.constant 0 : i32
    %dma_start3A_39 = tpu.memref_slice %arg2[%arg0, %dma_start3A_37, %dma_start3A_38] : memref<2x10240x64xf32, #tpu.memory_space<hbm>> -> memref<1x10240x64xf32, #tpu.memory_space<hbm>>
    %dma_start3A_40 = tpu.memref_squeeze %dma_start3A_39 : memref<1x10240x64xf32, #tpu.memory_space<hbm>> -> memref<10240x64xf32, #tpu.memory_space<hbm>>
    %dma_start3A_41 = arith.constant 0 : i32
    %dma_start3A_42 = arith.constant 0 : i32
    %dma_start3A_43 = tpu.memref_slice %dma_start3A_40[%dma_start3A_41, %dma_start3A_42] : memref<10240x64xf32, #tpu.memory_space<hbm>> -> memref<10240x64xf32, #tpu.memory_space<hbm>>
    tpu.enqueue_indirect_dma source(%dma_start3A_43 : memref<10240x64xf32, #tpu.memory_space<hbm>>) target(%arg11 : memref<128x64xf32, #tpu.memory_space<vmem>>) offsets(%dma_start3A_36 : memref<128xi32, #tpu.memory_space<vmem>>) semaphore(%arg17 : memref<!tpu.dma_semaphore, #tpu.memory_space<semaphore_mem>>)
    %dma_start3A_44 = arith.constant 4 : i32
    %dma_start3A_45 = arith.constant 0 : i32
    %dma_start3A_46 = tpu.memref_slice %arg6[%dma_start3A_44, %dma_start3A_45] : memref<160x128xi32, #tpu.memory_space<vmem>> -> memref<1x128xi32, #tpu.memory_space<vmem>>
    %dma_start3A_47 = tpu.memref_squeeze %dma_start3A_46 : memref<1x128xi32, #tpu.memory_space<vmem>> -> memref<128xi32, #tpu.memory_space<vmem>>
    %dma_start3A_48 = arith.constant 0 : i32
    %dma_start3A_49 = arith.constant 0 : i32
    %dma_start3A_50 = tpu.memref_slice %arg2[%arg0, %dma_start3A_48, %dma_start3A_49] : memref<2x10240x64xf32, #tpu.memory_space<hbm>> -> memref<1x10240x64xf32, #tpu.memory_space<hbm>>
    %dma_start3A_51 = tpu.memref_squeeze %dma_start3A_50 : memref<1x10240x64xf32, #tpu.memory_space<hbm>> -> memref<10240x64xf32, #tpu.memory_space<hbm>>
    %dma_start3A_52 = arith.constant 0 : i32
    %dma_start3A_53 = arith.constant 0 : i32
    %dma_start3A_54 = tpu.memref_slice %dma_start3A_51[%dma_start3A_52, %dma_start3A_53] : memref<10240x64xf32, #tpu.memory_space<hbm>> -> memref<10240x64xf32, #tpu.memory_space<hbm>>
    tpu.enqueue_indirect_dma source(%dma_start3A_54 : memref<10240x64xf32, #tpu.memory_space<hbm>>) target(%arg12 : memref<128x64xf32, #tpu.memory_space<vmem>>) offsets(%dma_start3A_47 : memref<128xi32, #tpu.memory_space<vmem>>) semaphore(%arg18 : memref<!tpu.dma_semaphore, #tpu.memory_space<semaphore_mem>>)
    %scan3A = arith.constant 0 : i32
    %scan3A_55 = arith.constant 32 : i32
    %scan3A_56 = arith.addi %scan3A, %scan3A_55 : i32
    %scan3A_57 = arith.constant 1 : i32
    scf.for %scan3A_60 = %scan3A to %scan3A_56 step %scan3A_57  : i32 {
      %mul3A_61 = arith.constant 5 : i32
      %mul3A_62 = arith.muli %scan3A_60, %mul3A_61 : i32
      %add3A = arith.constant 0 : i32
      %add3A_63 = arith.addi %add3A, %mul3A_62 : i32
      %add3A_64 = arith.constant 0 : i32
      %add3A_65 = arith.addi %add3A_63, %add3A_64 : i32
      %dma_wait3A = arith.constant 0 : i32
      %dma_wait3A_66 = tpu.memref_slice %arg6[%add3A_65, %dma_wait3A] : memref<160x128xi32, #tpu.memory_space<vmem>> -> memref<1x128xi32, #tpu.memory_space<vmem>>
      %dma_wait3A_67 = tpu.memref_squeeze %dma_wait3A_66 : memref<1x128xi32, #tpu.memory_space<vmem>> -> memref<128xi32, #tpu.memory_space<vmem>>
      %dma_wait3A_68 = arith.constant 0 : i32
      %dma_wait3A_69 = arith.constant 0 : i32
      %dma_wait3A_70 = tpu.memref_slice %arg2[%arg0, %dma_wait3A_68, %dma_wait3A_69] : memref<2x10240x64xf32, #tpu.memory_space<hbm>> -> memref<1x10240x64xf32, #tpu.memory_space<hbm>>
      %dma_wait3A_71 = tpu.memref_squeeze %dma_wait3A_70 : memref<1x10240x64xf32, #tpu.memory_space<hbm>> -> memref<10240x64xf32, #tpu.memory_space<hbm>>
      %dma_wait3A_72 = arith.constant 0 : i32
      %dma_wait3A_73 = arith.constant 0 : i32
      %dma_wait3A_74 = tpu.memref_slice %dma_wait3A_71[%dma_wait3A_72, %dma_wait3A_73] : memref<10240x64xf32, #tpu.memory_space<hbm>> -> memref<10240x64xf32, #tpu.memory_space<hbm>>
      tpu.wait_indirect_dma semaphore(%arg14 : memref<!tpu.dma_semaphore, #tpu.memory_space<semaphore_mem>>) src(%dma_wait3A_74 : memref<10240x64xf32, #tpu.memory_space<hbm>>) dst(%arg8 : memref<128x64xf32, #tpu.memory_space<vmem>>)
      %dma_start3A_75 = arith.constant 0 : i32
      %dma_start3A_76 = tpu.memref_slice %arg7[%add3A_65, %dma_start3A_75] : memref<160x128xi32, #tpu.memory_space<vmem>> -> memref<1x128xi32, #tpu.memory_space<vmem>>
      %dma_start3A_77 = tpu.memref_squeeze %dma_start3A_76 : memref<1x128xi32, #tpu.memory_space<vmem>> -> memref<128xi32, #tpu.memory_space<vmem>>
      %dma_start3A_78 = arith.constant 0 : i32
      %dma_start3A_79 = arith.constant 0 : i32
      %dma_start3A_80 = tpu.memref_slice %arg13[%dma_start3A_78, %dma_start3A_79] : memref<10240x64xf32, #tpu.memory_space<vmem_shared>> -> memref<10240x64xf32, #tpu.memory_space<vmem_shared>>
      tpu.enqueue_indirect_dma source(%arg8 : memref<128x64xf32, #tpu.memory_space<vmem>>) target(%dma_start3A_80 : memref<10240x64xf32, #tpu.memory_space<vmem_shared>>) offsets(%dma_start3A_77 : memref<128xi32, #tpu.memory_space<vmem>>) semaphore(%arg19 : memref<!tpu.dma_semaphore, #tpu.memory_space<semaphore_mem>>) {add = true}
      %dma_wait3A_81 = arith.constant 0 : i32
      %dma_wait3A_82 = tpu.memref_slice %arg7[%add3A_65, %dma_wait3A_81] : memref<160x128xi32, #tpu.memory_space<vmem>> -> memref<1x128xi32, #tpu.memory_space<vmem>>
      %dma_wait3A_83 = tpu.memref_squeeze %dma_wait3A_82 : memref<1x128xi32, #tpu.memory_space<vmem>> -> memref<128xi32, #tpu.memory_space<vmem>>
      %dma_wait3A_84 = arith.constant 0 : i32
      %dma_wait3A_85 = arith.constant 0 : i32
      %dma_wait3A_86 = tpu.memref_slice %arg13[%dma_wait3A_84, %dma_wait3A_85] : memref<10240x64xf32, #tpu.memory_space<vmem_shared>> -> memref<10240x64xf32, #tpu.memory_space<vmem_shared>>
      tpu.wait_indirect_dma semaphore(%arg19 : memref<!tpu.dma_semaphore, #tpu.memory_space<semaphore_mem>>) src(%arg8 : memref<128x64xf32, #tpu.memory_space<vmem>>) dst(%dma_wait3A_86 : memref<10240x64xf32, #tpu.memory_space<vmem_shared>>)
      %add3A_87 = arith.constant 5 : i32
      %add3A_88 = arith.addi %add3A_65, %add3A_87 : i32
      %lt3A = arith.constant 160 : i32
      %lt3A_89 = arith.cmpi slt, %add3A_88, %lt3A : i32
      %convert_element_type3A = arith.extui %lt3A_89 : i1 to i32
      %cond3A = arith.constant 0 : i32
      %cond3A_90 = arith.cmpi ne, %convert_element_type3A, %cond3A : i32
      scf.if %cond3A_90 {
        %add3A_215 = arith.constant 5 : i32
        %add3A_216 = arith.addi %add3A_65, %add3A_215 : i32
        %dma_start3A_217 = arith.constant 0 : i32
        %dma_start3A_218 = tpu.memref_slice %arg6[%add3A_216, %dma_start3A_217] : memref<160x128xi32, #tpu.memory_space<vmem>> -> memref<1x128xi32, #tpu.memory_space<vmem>>
        %dma_start3A_219 = tpu.memref_squeeze %dma_start3A_218 : memref<1x128xi32, #tpu.memory_space<vmem>> -> memref<128xi32, #tpu.memory_space<vmem>>
        %dma_start3A_220 = arith.constant 0 : i32
        %dma_start3A_221 = arith.constant 0 : i32
        %dma_start3A_222 = tpu.memref_slice %arg2[%arg0, %dma_start3A_220, %dma_start3A_221] : memref<2x10240x64xf32, #tpu.memory_space<hbm>> -> memref<1x10240x64xf32, #tpu.memory_space<hbm>>
        %dma_start3A_223 = tpu.memref_squeeze %dma_start3A_222 : memref<1x10240x64xf32, #tpu.memory_space<hbm>> -> memref<10240x64xf32, #tpu.memory_space<hbm>>
        %dma_start3A_224 = arith.constant 0 : i32
        %dma_start3A_225 = arith.constant 0 : i32
        %dma_start3A_226 = tpu.memref_slice %dma_start3A_223[%dma_start3A_224, %dma_start3A_225] : memref<10240x64xf32, #tpu.memory_space<hbm>> -> memref<10240x64xf32, #tpu.memory_space<hbm>>
        tpu.enqueue_indirect_dma source(%dma_start3A_226 : memref<10240x64xf32, #tpu.memory_space<hbm>>) target(%arg8 : memref<128x64xf32, #tpu.memory_space<vmem>>) offsets(%dma_start3A_219 : memref<128xi32, #tpu.memory_space<vmem>>) semaphore(%arg14 : memref<!tpu.dma_semaphore, #tpu.memory_space<semaphore_mem>>)
      } else {
      }
      %add3A_91 = arith.constant 1 : i32
      %add3A_92 = arith.addi %add3A_63, %add3A_91 : i32
      %dma_wait3A_93 = arith.constant 0 : i32
      %dma_wait3A_94 = tpu.memref_slice %arg6[%add3A_92, %dma_wait3A_93] : memref<160x128xi32, #tpu.memory_space<vmem>> -> memref<1x128xi32, #tpu.memory_space<vmem>>
      %dma_wait3A_95 = tpu.memref_squeeze %dma_wait3A_94 : memref<1x128xi32, #tpu.memory_space<vmem>> -> memref<128xi32, #tpu.memory_space<vmem>>
      %dma_wait3A_96 = arith.constant 0 : i32
      %dma_wait3A_97 = arith.constant 0 : i32
      %dma_wait3A_98 = tpu.memref_slice %arg2[%arg0, %dma_wait3A_96, %dma_wait3A_97] : memref<2x10240x64xf32, #tpu.memory_space<hbm>> -> memref<1x10240x64xf32, #tpu.memory_space<hbm>>
      %dma_wait3A_99 = tpu.memref_squeeze %dma_wait3A_98 : memref<1x10240x64xf32, #tpu.memory_space<hbm>> -> memref<10240x64xf32, #tpu.memory_space<hbm>>
      %dma_wait3A_100 = arith.constant 0 : i32
      %dma_wait3A_101 = arith.constant 0 : i32
      %dma_wait3A_102 = tpu.memref_slice %dma_wait3A_99[%dma_wait3A_100, %dma_wait3A_101] : memref<10240x64xf32, #tpu.memory_space<hbm>> -> memref<10240x64xf32, #tpu.memory_space<hbm>>
      tpu.wait_indirect_dma semaphore(%arg15 : memref<!tpu.dma_semaphore, #tpu.memory_space<semaphore_mem>>) src(%dma_wait3A_102 : memref<10240x64xf32, #tpu.memory_space<hbm>>) dst(%arg9 : memref<128x64xf32, #tpu.memory_space<vmem>>)
      %dma_start3A_103 = arith.constant 0 : i32
      %dma_start3A_104 = tpu.memref_slice %arg7[%add3A_92, %dma_start3A_103] : memref<160x128xi32, #tpu.memory_space<vmem>> -> memref<1x128xi32, #tpu.memory_space<vmem>>
      %dma_start3A_105 = tpu.memref_squeeze %dma_start3A_104 : memref<1x128xi32, #tpu.memory_space<vmem>> -> memref<128xi32, #tpu.memory_space<vmem>>
      %dma_start3A_106 = arith.constant 0 : i32
      %dma_start3A_107 = arith.constant 0 : i32
      %dma_start3A_108 = tpu.memref_slice %arg13[%dma_start3A_106, %dma_start3A_107] : memref<10240x64xf32, #tpu.memory_space<vmem_shared>> -> memref<10240x64xf32, #tpu.memory_space<vmem_shared>>
      tpu.enqueue_indirect_dma source(%arg9 : memref<128x64xf32, #tpu.memory_space<vmem>>) target(%dma_start3A_108 : memref<10240x64xf32, #tpu.memory_space<vmem_shared>>) offsets(%dma_start3A_105 : memref<128xi32, #tpu.memory_space<vmem>>) semaphore(%arg20 : memref<!tpu.dma_semaphore, #tpu.memory_space<semaphore_mem>>) {add = true}
      %dma_wait3A_109 = arith.constant 0 : i32
      %dma_wait3A_110 = tpu.memref_slice %arg7[%add3A_92, %dma_wait3A_109] : memref<160x128xi32, #tpu.memory_space<vmem>> -> memref<1x128xi32, #tpu.memory_space<vmem>>
      %dma_wait3A_111 = tpu.memref_squeeze %dma_wait3A_110 : memref<1x128xi32, #tpu.memory_space<vmem>> -> memref<128xi32, #tpu.memory_space<vmem>>
      %dma_wait3A_112 = arith.constant 0 : i32
      %dma_wait3A_113 = arith.constant 0 : i32
      %dma_wait3A_114 = tpu.memref_slice %arg13[%dma_wait3A_112, %dma_wait3A_113] : memref<10240x64xf32, #tpu.memory_space<vmem_shared>> -> memref<10240x64xf32, #tpu.memory_space<vmem_shared>>
      tpu.wait_indirect_dma semaphore(%arg20 : memref<!tpu.dma_semaphore, #tpu.memory_space<semaphore_mem>>) src(%arg9 : memref<128x64xf32, #tpu.memory_space<vmem>>) dst(%dma_wait3A_114 : memref<10240x64xf32, #tpu.memory_space<vmem_shared>>)
      %add3A_115 = arith.constant 5 : i32
      %add3A_116 = arith.addi %add3A_92, %add3A_115 : i32
      %lt3A_117 = arith.constant 160 : i32
      %lt3A_118 = arith.cmpi slt, %add3A_116, %lt3A_117 : i32
      %convert_element_type3A_119 = arith.extui %lt3A_118 : i1 to i32
      %cond3A_120 = arith.constant 0 : i32
      %cond3A_121 = arith.cmpi ne, %convert_element_type3A_119, %cond3A_120 : i32
      scf.if %cond3A_121 {
        %add3A_215 = arith.constant 5 : i32
        %add3A_216 = arith.addi %add3A_92, %add3A_215 : i32
        %dma_start3A_217 = arith.constant 0 : i32
        %dma_start3A_218 = tpu.memref_slice %arg6[%add3A_216, %dma_start3A_217] : memref<160x128xi32, #tpu.memory_space<vmem>> -> memref<1x128xi32, #tpu.memory_space<vmem>>
        %dma_start3A_219 = tpu.memref_squeeze %dma_start3A_218 : memref<1x128xi32, #tpu.memory_space<vmem>> -> memref<128xi32, #tpu.memory_space<vmem>>
        %dma_start3A_220 = arith.constant 0 : i32
        %dma_start3A_221 = arith.constant 0 : i32
        %dma_start3A_222 = tpu.memref_slice %arg2[%arg0, %dma_start3A_220, %dma_start3A_221] : memref<2x10240x64xf32, #tpu.memory_space<hbm>> -> memref<1x10240x64xf32, #tpu.memory_space<hbm>>
        %dma_start3A_223 = tpu.memref_squeeze %dma_start3A_222 : memref<1x10240x64xf32, #tpu.memory_space<hbm>> -> memref<10240x64xf32, #tpu.memory_space<hbm>>
        %dma_start3A_224 = arith.constant 0 : i32
        %dma_start3A_225 = arith.constant 0 : i32
        %dma_start3A_226 = tpu.memref_slice %dma_start3A_223[%dma_start3A_224, %dma_start3A_225] : memref<10240x64xf32, #tpu.memory_space<hbm>> -> memref<10240x64xf32, #tpu.memory_space<hbm>>
        tpu.enqueue_indirect_dma source(%dma_start3A_226 : memref<10240x64xf32, #tpu.memory_space<hbm>>) target(%arg9 : memref<128x64xf32, #tpu.memory_space<vmem>>) offsets(%dma_start3A_219 : memref<128xi32, #tpu.memory_space<vmem>>) semaphore(%arg15 : memref<!tpu.dma_semaphore, #tpu.memory_space<semaphore_mem>>)
      } else {
      }
      %add3A_122 = arith.constant 2 : i32
      %add3A_123 = arith.addi %add3A_63, %add3A_122 : i32
      %dma_wait3A_124 = arith.constant 0 : i32
      %dma_wait3A_125 = tpu.memref_slice %arg6[%add3A_123, %dma_wait3A_124] : memref<160x128xi32, #tpu.memory_space<vmem>> -> memref<1x128xi32, #tpu.memory_space<vmem>>
      %dma_wait3A_126 = tpu.memref_squeeze %dma_wait3A_125 : memref<1x128xi32, #tpu.memory_space<vmem>> -> memref<128xi32, #tpu.memory_space<vmem>>
      %dma_wait3A_127 = arith.constant 0 : i32
      %dma_wait3A_128 = arith.constant 0 : i32
      %dma_wait3A_129 = tpu.memref_slice %arg2[%arg0, %dma_wait3A_127, %dma_wait3A_128] : memref<2x10240x64xf32, #tpu.memory_space<hbm>> -> memref<1x10240x64xf32, #tpu.memory_space<hbm>>
      %dma_wait3A_130 = tpu.memref_squeeze %dma_wait3A_129 : memref<1x10240x64xf32, #tpu.memory_space<hbm>> -> memref<10240x64xf32, #tpu.memory_space<hbm>>
      %dma_wait3A_131 = arith.constant 0 : i32
      %dma_wait3A_132 = arith.constant 0 : i32
      %dma_wait3A_133 = tpu.memref_slice %dma_wait3A_130[%dma_wait3A_131, %dma_wait3A_132] : memref<10240x64xf32, #tpu.memory_space<hbm>> -> memref<10240x64xf32, #tpu.memory_space<hbm>>
      tpu.wait_indirect_dma semaphore(%arg16 : memref<!tpu.dma_semaphore, #tpu.memory_space<semaphore_mem>>) src(%dma_wait3A_133 : memref<10240x64xf32, #tpu.memory_space<hbm>>) dst(%arg10 : memref<128x64xf32, #tpu.memory_space<vmem>>)
      %dma_start3A_134 = arith.constant 0 : i32
      %dma_start3A_135 = tpu.memref_slice %arg7[%add3A_123, %dma_start3A_134] : memref<160x128xi32, #tpu.memory_space<vmem>> -> memref<1x128xi32, #tpu.memory_space<vmem>>
      %dma_start3A_136 = tpu.memref_squeeze %dma_start3A_135 : memref<1x128xi32, #tpu.memory_space<vmem>> -> memref<128xi32, #tpu.memory_space<vmem>>
      %dma_start3A_137 = arith.constant 0 : i32
      %dma_start3A_138 = arith.constant 0 : i32
      %dma_start3A_139 = tpu.memref_slice %arg13[%dma_start3A_137, %dma_start3A_138] : memref<10240x64xf32, #tpu.memory_space<vmem_shared>> -> memref<10240x64xf32, #tpu.memory_space<vmem_shared>>
      tpu.enqueue_indirect_dma source(%arg10 : memref<128x64xf32, #tpu.memory_space<vmem>>) target(%dma_start3A_139 : memref<10240x64xf32, #tpu.memory_space<vmem_shared>>) offsets(%dma_start3A_136 : memref<128xi32, #tpu.memory_space<vmem>>) semaphore(%arg21 : memref<!tpu.dma_semaphore, #tpu.memory_space<semaphore_mem>>) {add = true}
      %dma_wait3A_140 = arith.constant 0 : i32
      %dma_wait3A_141 = tpu.memref_slice %arg7[%add3A_123, %dma_wait3A_140] : memref<160x128xi32, #tpu.memory_space<vmem>> -> memref<1x128xi32, #tpu.memory_space<vmem>>
      %dma_wait3A_142 = tpu.memref_squeeze %dma_wait3A_141 : memref<1x128xi32, #tpu.memory_space<vmem>> -> memref<128xi32, #tpu.memory_space<vmem>>
      %dma_wait3A_143 = arith.constant 0 : i32
      %dma_wait3A_144 = arith.constant 0 : i32
      %dma_wait3A_145 = tpu.memref_slice %arg13[%dma_wait3A_143, %dma_wait3A_144] : memref<10240x64xf32, #tpu.memory_space<vmem_shared>> -> memref<10240x64xf32, #tpu.memory_space<vmem_shared>>
      tpu.wait_indirect_dma semaphore(%arg21 : memref<!tpu.dma_semaphore, #tpu.memory_space<semaphore_mem>>) src(%arg10 : memref<128x64xf32, #tpu.memory_space<vmem>>) dst(%dma_wait3A_145 : memref<10240x64xf32, #tpu.memory_space<vmem_shared>>)
      %add3A_146 = arith.constant 5 : i32
      %add3A_147 = arith.addi %add3A_123, %add3A_146 : i32
      %lt3A_148 = arith.constant 160 : i32
      %lt3A_149 = arith.cmpi slt, %add3A_147, %lt3A_148 : i32
      %convert_element_type3A_150 = arith.extui %lt3A_149 : i1 to i32
      %cond3A_151 = arith.constant 0 : i32
      %cond3A_152 = arith.cmpi ne, %convert_element_type3A_150, %cond3A_151 : i32
      scf.if %cond3A_152 {
        %add3A_215 = arith.constant 5 : i32
        %add3A_216 = arith.addi %add3A_123, %add3A_215 : i32
        %dma_start3A_217 = arith.constant 0 : i32
        %dma_start3A_218 = tpu.memref_slice %arg6[%add3A_216, %dma_start3A_217] : memref<160x128xi32, #tpu.memory_space<vmem>> -> memref<1x128xi32, #tpu.memory_space<vmem>>
        %dma_start3A_219 = tpu.memref_squeeze %dma_start3A_218 : memref<1x128xi32, #tpu.memory_space<vmem>> -> memref<128xi32, #tpu.memory_space<vmem>>
        %dma_start3A_220 = arith.constant 0 : i32
        %dma_start3A_221 = arith.constant 0 : i32
        %dma_start3A_222 = tpu.memref_slice %arg2[%arg0, %dma_start3A_220, %dma_start3A_221] : memref<2x10240x64xf32, #tpu.memory_space<hbm>> -> memref<1x10240x64xf32, #tpu.memory_space<hbm>>
        %dma_start3A_223 = tpu.memref_squeeze %dma_start3A_222 : memref<1x10240x64xf32, #tpu.memory_space<hbm>> -> memref<10240x64xf32, #tpu.memory_space<hbm>>
        %dma_start3A_224 = arith.constant 0 : i32
        %dma_start3A_225 = arith.constant 0 : i32
        %dma_start3A_226 = tpu.memref_slice %dma_start3A_223[%dma_start3A_224, %dma_start3A_225] : memref<10240x64xf32, #tpu.memory_space<hbm>> -> memref<10240x64xf32, #tpu.memory_space<hbm>>
        tpu.enqueue_indirect_dma source(%dma_start3A_226 : memref<10240x64xf32, #tpu.memory_space<hbm>>) target(%arg10 : memref<128x64xf32, #tpu.memory_space<vmem>>) offsets(%dma_start3A_219 : memref<128xi32, #tpu.memory_space<vmem>>) semaphore(%arg16 : memref<!tpu.dma_semaphore, #tpu.memory_space<semaphore_mem>>)
      } else {
      }
      %add3A_153 = arith.constant 3 : i32
      %add3A_154 = arith.addi %add3A_63, %add3A_153 : i32
      %dma_wait3A_155 = arith.constant 0 : i32
      %dma_wait3A_156 = tpu.memref_slice %arg6[%add3A_154, %dma_wait3A_155] : memref<160x128xi32, #tpu.memory_space<vmem>> -> memref<1x128xi32, #tpu.memory_space<vmem>>
      %dma_wait3A_157 = tpu.memref_squeeze %dma_wait3A_156 : memref<1x128xi32, #tpu.memory_space<vmem>> -> memref<128xi32, #tpu.memory_space<vmem>>
      %dma_wait3A_158 = arith.constant 0 : i32
      %dma_wait3A_159 = arith.constant 0 : i32
      %dma_wait3A_160 = tpu.memref_slice %arg2[%arg0, %dma_wait3A_158, %dma_wait3A_159] : memref<2x10240x64xf32, #tpu.memory_space<hbm>> -> memref<1x10240x64xf32, #tpu.memory_space<hbm>>
      %dma_wait3A_161 = tpu.memref_squeeze %dma_wait3A_160 : memref<1x10240x64xf32, #tpu.memory_space<hbm>> -> memref<10240x64xf32, #tpu.memory_space<hbm>>
      %dma_wait3A_162 = arith.constant 0 : i32
      %dma_wait3A_163 = arith.constant 0 : i32
      %dma_wait3A_164 = tpu.memref_slice %dma_wait3A_161[%dma_wait3A_162, %dma_wait3A_163] : memref<10240x64xf32, #tpu.memory_space<hbm>> -> memref<10240x64xf32, #tpu.memory_space<hbm>>
      tpu.wait_indirect_dma semaphore(%arg17 : memref<!tpu.dma_semaphore, #tpu.memory_space<semaphore_mem>>) src(%dma_wait3A_164 : memref<10240x64xf32, #tpu.memory_space<hbm>>) dst(%arg11 : memref<128x64xf32, #tpu.memory_space<vmem>>)
      %dma_start3A_165 = arith.constant 0 : i32
      %dma_start3A_166 = tpu.memref_slice %arg7[%add3A_154, %dma_start3A_165] : memref<160x128xi32, #tpu.memory_space<vmem>> -> memref<1x128xi32, #tpu.memory_space<vmem>>
      %dma_start3A_167 = tpu.memref_squeeze %dma_start3A_166 : memref<1x128xi32, #tpu.memory_space<vmem>> -> memref<128xi32, #tpu.memory_space<vmem>>
      %dma_start3A_168 = arith.constant 0 : i32
      %dma_start3A_169 = arith.constant 0 : i32
      %dma_start3A_170 = tpu.memref_slice %arg13[%dma_start3A_168, %dma_start3A_169] : memref<10240x64xf32, #tpu.memory_space<vmem_shared>> -> memref<10240x64xf32, #tpu.memory_space<vmem_shared>>
      tpu.enqueue_indirect_dma source(%arg11 : memref<128x64xf32, #tpu.memory_space<vmem>>) target(%dma_start3A_170 : memref<10240x64xf32, #tpu.memory_space<vmem_shared>>) offsets(%dma_start3A_167 : memref<128xi32, #tpu.memory_space<vmem>>) semaphore(%arg22 : memref<!tpu.dma_semaphore, #tpu.memory_space<semaphore_mem>>) {add = true}
      %dma_wait3A_171 = arith.constant 0 : i32
      %dma_wait3A_172 = tpu.memref_slice %arg7[%add3A_154, %dma_wait3A_171] : memref<160x128xi32, #tpu.memory_space<vmem>> -> memref<1x128xi32, #tpu.memory_space<vmem>>
      %dma_wait3A_173 = tpu.memref_squeeze %dma_wait3A_172 : memref<1x128xi32, #tpu.memory_space<vmem>> -> memref<128xi32, #tpu.memory_space<vmem>>
      %dma_wait3A_174 = arith.constant 0 : i32
      %dma_wait3A_175 = arith.constant 0 : i32
      %dma_wait3A_176 = tpu.memref_slice %arg13[%dma_wait3A_174, %dma_wait3A_175] : memref<10240x64xf32, #tpu.memory_space<vmem_shared>> -> memref<10240x64xf32, #tpu.memory_space<vmem_shared>>
      tpu.wait_indirect_dma semaphore(%arg22 : memref<!tpu.dma_semaphore, #tpu.memory_space<semaphore_mem>>) src(%arg11 : memref<128x64xf32, #tpu.memory_space<vmem>>) dst(%dma_wait3A_176 : memref<10240x64xf32, #tpu.memory_space<vmem_shared>>)
      %add3A_177 = arith.constant 5 : i32
      %add3A_178 = arith.addi %add3A_154, %add3A_177 : i32
      %lt3A_179 = arith.constant 160 : i32
      %lt3A_180 = arith.cmpi slt, %add3A_178, %lt3A_179 : i32
      %convert_element_type3A_181 = arith.extui %lt3A_180 : i1 to i32
      %cond3A_182 = arith.constant 0 : i32
      %cond3A_183 = arith.cmpi ne, %convert_element_type3A_181, %cond3A_182 : i32
      scf.if %cond3A_183 {
        %add3A_215 = arith.constant 5 : i32
        %add3A_216 = arith.addi %add3A_154, %add3A_215 : i32
        %dma_start3A_217 = arith.constant 0 : i32
        %dma_start3A_218 = tpu.memref_slice %arg6[%add3A_216, %dma_start3A_217] : memref<160x128xi32, #tpu.memory_space<vmem>> -> memref<1x128xi32, #tpu.memory_space<vmem>>
        %dma_start3A_219 = tpu.memref_squeeze %dma_start3A_218 : memref<1x128xi32, #tpu.memory_space<vmem>> -> memref<128xi32, #tpu.memory_space<vmem>>
        %dma_start3A_220 = arith.constant 0 : i32
        %dma_start3A_221 = arith.constant 0 : i32
        %dma_start3A_222 = tpu.memref_slice %arg2[%arg0, %dma_start3A_220, %dma_start3A_221] : memref<2x10240x64xf32, #tpu.memory_space<hbm>> -> memref<1x10240x64xf32, #tpu.memory_space<hbm>>
        %dma_start3A_223 = tpu.memref_squeeze %dma_start3A_222 : memref<1x10240x64xf32, #tpu.memory_space<hbm>> -> memref<10240x64xf32, #tpu.memory_space<hbm>>
        %dma_start3A_224 = arith.constant 0 : i32
        %dma_start3A_225 = arith.constant 0 : i32
        %dma_start3A_226 = tpu.memref_slice %dma_start3A_223[%dma_start3A_224, %dma_start3A_225] : memref<10240x64xf32, #tpu.memory_space<hbm>> -> memref<10240x64xf32, #tpu.memory_space<hbm>>
        tpu.enqueue_indirect_dma source(%dma_start3A_226 : memref<10240x64xf32, #tpu.memory_space<hbm>>) target(%arg11 : memref<128x64xf32, #tpu.memory_space<vmem>>) offsets(%dma_start3A_219 : memref<128xi32, #tpu.memory_space<vmem>>) semaphore(%arg17 : memref<!tpu.dma_semaphore, #tpu.memory_space<semaphore_mem>>)
      } else {
      }
      %add3A_184 = arith.constant 4 : i32
      %add3A_185 = arith.addi %add3A_63, %add3A_184 : i32
      %dma_wait3A_186 = arith.constant 0 : i32
      %dma_wait3A_187 = tpu.memref_slice %arg6[%add3A_185, %dma_wait3A_186] : memref<160x128xi32, #tpu.memory_space<vmem>> -> memref<1x128xi32, #tpu.memory_space<vmem>>
      %dma_wait3A_188 = tpu.memref_squeeze %dma_wait3A_187 : memref<1x128xi32, #tpu.memory_space<vmem>> -> memref<128xi32, #tpu.memory_space<vmem>>
      %dma_wait3A_189 = arith.constant 0 : i32
      %dma_wait3A_190 = arith.constant 0 : i32
      %dma_wait3A_191 = tpu.memref_slice %arg2[%arg0, %dma_wait3A_189, %dma_wait3A_190] : memref<2x10240x64xf32, #tpu.memory_space<hbm>> -> memref<1x10240x64xf32, #tpu.memory_space<hbm>>
      %dma_wait3A_192 = tpu.memref_squeeze %dma_wait3A_191 : memref<1x10240x64xf32, #tpu.memory_space<hbm>> -> memref<10240x64xf32, #tpu.memory_space<hbm>>
      %dma_wait3A_193 = arith.constant 0 : i32
      %dma_wait3A_194 = arith.constant 0 : i32
      %dma_wait3A_195 = tpu.memref_slice %dma_wait3A_192[%dma_wait3A_193, %dma_wait3A_194] : memref<10240x64xf32, #tpu.memory_space<hbm>> -> memref<10240x64xf32, #tpu.memory_space<hbm>>
      tpu.wait_indirect_dma semaphore(%arg18 : memref<!tpu.dma_semaphore, #tpu.memory_space<semaphore_mem>>) src(%dma_wait3A_195 : memref<10240x64xf32, #tpu.memory_space<hbm>>) dst(%arg12 : memref<128x64xf32, #tpu.memory_space<vmem>>)
      %dma_start3A_196 = arith.constant 0 : i32
      %dma_start3A_197 = tpu.memref_slice %arg7[%add3A_185, %dma_start3A_196] : memref<160x128xi32, #tpu.memory_space<vmem>> -> memref<1x128xi32, #tpu.memory_space<vmem>>
      %dma_start3A_198 = tpu.memref_squeeze %dma_start3A_197 : memref<1x128xi32, #tpu.memory_space<vmem>> -> memref<128xi32, #tpu.memory_space<vmem>>
      %dma_start3A_199 = arith.constant 0 : i32
      %dma_start3A_200 = arith.constant 0 : i32
      %dma_start3A_201 = tpu.memref_slice %arg13[%dma_start3A_199, %dma_start3A_200] : memref<10240x64xf32, #tpu.memory_space<vmem_shared>> -> memref<10240x64xf32, #tpu.memory_space<vmem_shared>>
      tpu.enqueue_indirect_dma source(%arg12 : memref<128x64xf32, #tpu.memory_space<vmem>>) target(%dma_start3A_201 : memref<10240x64xf32, #tpu.memory_space<vmem_shared>>) offsets(%dma_start3A_198 : memref<128xi32, #tpu.memory_space<vmem>>) semaphore(%arg23 : memref<!tpu.dma_semaphore, #tpu.memory_space<semaphore_mem>>) {add = true}
      %dma_wait3A_202 = arith.constant 0 : i32
      %dma_wait3A_203 = tpu.memref_slice %arg7[%add3A_185, %dma_wait3A_202] : memref<160x128xi32, #tpu.memory_space<vmem>> -> memref<1x128xi32, #tpu.memory_space<vmem>>
      %dma_wait3A_204 = tpu.memref_squeeze %dma_wait3A_203 : memref<1x128xi32, #tpu.memory_space<vmem>> -> memref<128xi32, #tpu.memory_space<vmem>>
      %dma_wait3A_205 = arith.constant 0 : i32
      %dma_wait3A_206 = arith.constant 0 : i32
      %dma_wait3A_207 = tpu.memref_slice %arg13[%dma_wait3A_205, %dma_wait3A_206] : memref<10240x64xf32, #tpu.memory_space<vmem_shared>> -> memref<10240x64xf32, #tpu.memory_space<vmem_shared>>
      tpu.wait_indirect_dma semaphore(%arg23 : memref<!tpu.dma_semaphore, #tpu.memory_space<semaphore_mem>>) src(%arg12 : memref<128x64xf32, #tpu.memory_space<vmem>>) dst(%dma_wait3A_207 : memref<10240x64xf32, #tpu.memory_space<vmem_shared>>)
      %add3A_208 = arith.constant 5 : i32
      %add3A_209 = arith.addi %add3A_185, %add3A_208 : i32
      %lt3A_210 = arith.constant 160 : i32
      %lt3A_211 = arith.cmpi slt, %add3A_209, %lt3A_210 : i32
      %convert_element_type3A_212 = arith.extui %lt3A_211 : i1 to i32
      %cond3A_213 = arith.constant 0 : i32
      %cond3A_214 = arith.cmpi ne, %convert_element_type3A_212, %cond3A_213 : i32
      scf.if %cond3A_214 {
        %add3A_215 = arith.constant 5 : i32
        %add3A_216 = arith.addi %add3A_185, %add3A_215 : i32
        %dma_start3A_217 = arith.constant 0 : i32
        %dma_start3A_218 = tpu.memref_slice %arg6[%add3A_216, %dma_start3A_217] : memref<160x128xi32, #tpu.memory_space<vmem>> -> memref<1x128xi32, #tpu.memory_space<vmem>>
        %dma_start3A_219 = tpu.memref_squeeze %dma_start3A_218 : memref<1x128xi32, #tpu.memory_space<vmem>> -> memref<128xi32, #tpu.memory_space<vmem>>
        %dma_start3A_220 = arith.constant 0 : i32
        %dma_start3A_221 = arith.constant 0 : i32
        %dma_start3A_222 = tpu.memref_slice %arg2[%arg0, %dma_start3A_220, %dma_start3A_221] : memref<2x10240x64xf32, #tpu.memory_space<hbm>> -> memref<1x10240x64xf32, #tpu.memory_space<hbm>>
        %dma_start3A_223 = tpu.memref_squeeze %dma_start3A_222 : memref<1x10240x64xf32, #tpu.memory_space<hbm>> -> memref<10240x64xf32, #tpu.memory_space<hbm>>
        %dma_start3A_224 = arith.constant 0 : i32
        %dma_start3A_225 = arith.constant 0 : i32
        %dma_start3A_226 = tpu.memref_slice %dma_start3A_223[%dma_start3A_224, %dma_start3A_225] : memref<10240x64xf32, #tpu.memory_space<hbm>> -> memref<10240x64xf32, #tpu.memory_space<hbm>>
        tpu.enqueue_indirect_dma source(%dma_start3A_226 : memref<10240x64xf32, #tpu.memory_space<hbm>>) target(%arg12 : memref<128x64xf32, #tpu.memory_space<vmem>>) offsets(%dma_start3A_219 : memref<128xi32, #tpu.memory_space<vmem>>) semaphore(%arg18 : memref<!tpu.dma_semaphore, #tpu.memory_space<semaphore_mem>>)
      } else {
      }
    }
    %scan3A_58 = arith.constant 32 : i32
    %barrier3A_59 = arith.constant 0 : index
    tpu.barrier barrier_id(%barrier3A_59)
    "tpu.region"() ({
      %run_scoped3A = tpu.sem_alloc : memref<!tpu.dma_semaphore, #tpu.memory_space<semaphore_mem>>
      %dma_start3A_60 = arith.constant 0 : i32
      %dma_start3A_61 = tpu.memref_slice %arg5[%arg0, %mul3A_0, %dma_start3A_60] : memref<2x10240x64xf32, #tpu.memory_space<hbm>> -> memref<1x640x64xf32, #tpu.memory_space<hbm>>
      %dma_start3A_62 = tpu.memref_squeeze %dma_start3A_61 : memref<1x640x64xf32, #tpu.memory_space<hbm>> -> memref<640x64xf32, #tpu.memory_space<hbm>>
      %dma_start3A_63 = arith.constant 0 : i32
      %dma_start3A_64 = tpu.memref_slice %arg13[%mul3A_0, %dma_start3A_63] : memref<10240x64xf32, #tpu.memory_space<vmem_shared>> -> memref<640x64xf32, #tpu.memory_space<vmem_shared>>
      tpu.enqueue_dma source(%dma_start3A_64 : memref<640x64xf32, #tpu.memory_space<vmem_shared>>) target(%dma_start3A_62 : memref<640x64xf32, #tpu.memory_space<hbm>>) target_semaphore(%run_scoped3A : memref<!tpu.dma_semaphore, #tpu.memory_space<semaphore_mem>>)
      %dma_wait3A = arith.constant 0 : i32
      %dma_wait3A_65 = tpu.memref_slice %arg5[%arg0, %mul3A_0, %dma_wait3A] : memref<2x10240x64xf32, #tpu.memory_space<hbm>> -> memref<1x640x64xf32, #tpu.memory_space<hbm>>
      %dma_wait3A_66 = tpu.memref_squeeze %dma_wait3A_65 : memref<1x640x64xf32, #tpu.memory_space<hbm>> -> memref<640x64xf32, #tpu.memory_space<hbm>>
      %dma_wait3A_67 = arith.constant 0 : i32
      %dma_wait3A_68 = tpu.memref_slice %arg13[%mul3A_0, %dma_wait3A_67] : memref<10240x64xf32, #tpu.memory_space<vmem_shared>> -> memref<640x64xf32, #tpu.memory_space<vmem_shared>>
      tpu.wait_dma2 semaphore(%run_scoped3A : memref<!tpu.dma_semaphore, #tpu.memory_space<semaphore_mem>>) src(%dma_wait3A_68 : memref<640x64xf32, #tpu.memory_space<vmem_shared>>) dst(%dma_wait3A_66 : memref<640x64xf32, #tpu.memory_space<hbm>>)
      tpu.yield
    }) : () -> ()
    return
  }
}

#map = affine_map<(d0, d1) -> (0, 0, 0)>
module attributes {stable_mosaic.version = 14 : i64} {
  func.func @_sc_aggregate(%arg0: i32, %arg1: i32, %arg2: memref<2x10240x64xf32, #tpu.memory_space<hbm>>, %arg3: memref<16x160x128xi32, #tpu.memory_space<hbm>>, %arg4: memref<16x160x128xi32, #tpu.memory_space<hbm>>, %arg5: memref<2x10240x64xf32, #tpu.memory_space<hbm>>, %arg6: memref<160x128xi32, #tpu.memory_space<vmem>>, %arg7: memref<160x128xi32, #tpu.memory_space<vmem>>, %arg8: memref<128x64xf32, #tpu.memory_space<vmem>>, %arg9: memref<128x64xf32, #tpu.memory_space<vmem>>, %arg10: memref<128x64xf32, #tpu.memory_space<vmem>>, %arg11: memref<128x64xf32, #tpu.memory_space<vmem>>, %arg12: memref<128x64xf32, #tpu.memory_space<vmem>>, %arg13: memref<10240x64xf32, #tpu.memory_space<vmem_shared>>, %arg14: memref<!tpu.dma_semaphore, #tpu.memory_space<semaphore_mem>>, %arg15: memref<!tpu.dma_semaphore, #tpu.memory_space<semaphore_mem>>, %arg16: memref<!tpu.dma_semaphore, #tpu.memory_space<semaphore_mem>>, %arg17: memref<!tpu.dma_semaphore, #tpu.memory_space<semaphore_mem>>, %arg18: memref<!tpu.dma_semaphore, #tpu.memory_space<semaphore_mem>>, %arg19: memref<!tpu.dma_semaphore, #tpu.memory_space<semaphore_mem>>, %arg20: memref<!tpu.dma_semaphore, #tpu.memory_space<semaphore_mem>>, %arg21: memref<!tpu.dma_semaphore, #tpu.memory_space<semaphore_mem>>, %arg22: memref<!tpu.dma_semaphore, #tpu.memory_space<semaphore_mem>>, %arg23: memref<!tpu.dma_semaphore, #tpu.memory_space<semaphore_mem>>) attributes {dimension_semantics = [#tpu.dimension_semantics<core_parallel>, #tpu.dimension_semantics<subcore_parallel>], iteration_bounds = array<i64: 2, 16>, scalar_prefetch = 0 : i64, scratch_operands = 18 : i64, tpu.core_type = #tpu.core_type<sc_vector_subcore>, window_params = [{transform_indices = #map}, {transform_indices = #map}, {transform_indices = #map}, {transform_indices = #map}]} {
    %mul3A = arith.constant 640 : i32
    %mul3A_0 = arith.muli %arg1, %mul3A : i32
    "tpu.region"() ({
      %run_scoped3A = tpu.sem_alloc : memref<!tpu.dma_semaphore, #tpu.memory_space<semaphore_mem>>
      %dma_start3A_60 = arith.constant 0 : i32
      %dma_start3A_61 = arith.constant 0 : i32
      %dma_start3A_62 = tpu.memref_slice %arg3[%arg1, %dma_start3A_60, %dma_start3A_61] : memref<16x160x128xi32, #tpu.memory_space<hbm>> -> memref<1x160x128xi32, #tpu.memory_space<hbm>>
      %dma_start3A_63 = tpu.memref_squeeze %dma_start3A_62 : memref<1x160x128xi32, #tpu.memory_space<hbm>> -> memref<160x128xi32, #tpu.memory_space<hbm>>
      %dma_start3A_64 = arith.constant 0 : i32
      %dma_start3A_65 = arith.constant 0 : i32
      %dma_start3A_66 = tpu.memref_slice %arg3[%arg1, %dma_start3A_64, %dma_start3A_65] : memref<16x160x128xi32, #tpu.memory_space<hbm>> -> memref<1x160x128xi32, #tpu.memory_space<hbm>>
      %dma_start3A_67 = tpu.memref_squeeze %dma_start3A_66 : memref<1x160x128xi32, #tpu.memory_space<hbm>> -> memref<160x128xi32, #tpu.memory_space<hbm>>
      tpu.enqueue_dma source(%dma_start3A_67 : memref<160x128xi32, #tpu.memory_space<hbm>>) target(%arg6 : memref<160x128xi32, #tpu.memory_space<vmem>>) target_semaphore(%run_scoped3A : memref<!tpu.dma_semaphore, #tpu.memory_space<semaphore_mem>>)
      %dma_wait3A = arith.constant 0 : i32
      %dma_wait3A_68 = arith.constant 0 : i32
      %dma_wait3A_69 = tpu.memref_slice %arg3[%arg1, %dma_wait3A, %dma_wait3A_68] : memref<16x160x128xi32, #tpu.memory_space<hbm>> -> memref<1x160x128xi32, #tpu.memory_space<hbm>>
      %dma_wait3A_70 = tpu.memref_squeeze %dma_wait3A_69 : memref<1x160x128xi32, #tpu.memory_space<hbm>> -> memref<160x128xi32, #tpu.memory_space<hbm>>
      %dma_wait3A_71 = arith.constant 0 : i32
      %dma_wait3A_72 = arith.constant 0 : i32
      %dma_wait3A_73 = tpu.memref_slice %arg3[%arg1, %dma_wait3A_71, %dma_wait3A_72] : memref<16x160x128xi32, #tpu.memory_space<hbm>> -> memref<1x160x128xi32, #tpu.memory_space<hbm>>
      %dma_wait3A_74 = tpu.memref_squeeze %dma_wait3A_73 : memref<1x160x128xi32, #tpu.memory_space<hbm>> -> memref<160x128xi32, #tpu.memory_space<hbm>>
      tpu.wait_dma2 semaphore(%run_scoped3A : memref<!tpu.dma_semaphore, #tpu.memory_space<semaphore_mem>>) src(%dma_wait3A_74 : memref<160x128xi32, #tpu.memory_space<hbm>>) dst(%arg6 : memref<160x128xi32, #tpu.memory_space<vmem>>)
      tpu.yield
    }) : () -> ()
    "tpu.region"() ({
      %run_scoped3A = tpu.sem_alloc : memref<!tpu.dma_semaphore, #tpu.memory_space<semaphore_mem>>
      %dma_start3A_60 = arith.constant 0 : i32
      %dma_start3A_61 = arith.constant 0 : i32
      %dma_start3A_62 = tpu.memref_slice %arg4[%arg1, %dma_start3A_60, %dma_start3A_61] : memref<16x160x128xi32, #tpu.memory_space<hbm>> -> memref<1x160x128xi32, #tpu.memory_space<hbm>>
      %dma_start3A_63 = tpu.memref_squeeze %dma_start3A_62 : memref<1x160x128xi32, #tpu.memory_space<hbm>> -> memref<160x128xi32, #tpu.memory_space<hbm>>
      %dma_start3A_64 = arith.constant 0 : i32
      %dma_start3A_65 = arith.constant 0 : i32
      %dma_start3A_66 = tpu.memref_slice %arg4[%arg1, %dma_start3A_64, %dma_start3A_65] : memref<16x160x128xi32, #tpu.memory_space<hbm>> -> memref<1x160x128xi32, #tpu.memory_space<hbm>>
      %dma_start3A_67 = tpu.memref_squeeze %dma_start3A_66 : memref<1x160x128xi32, #tpu.memory_space<hbm>> -> memref<160x128xi32, #tpu.memory_space<hbm>>
      tpu.enqueue_dma source(%dma_start3A_67 : memref<160x128xi32, #tpu.memory_space<hbm>>) target(%arg7 : memref<160x128xi32, #tpu.memory_space<vmem>>) target_semaphore(%run_scoped3A : memref<!tpu.dma_semaphore, #tpu.memory_space<semaphore_mem>>)
      %dma_wait3A = arith.constant 0 : i32
      %dma_wait3A_68 = arith.constant 0 : i32
      %dma_wait3A_69 = tpu.memref_slice %arg4[%arg1, %dma_wait3A, %dma_wait3A_68] : memref<16x160x128xi32, #tpu.memory_space<hbm>> -> memref<1x160x128xi32, #tpu.memory_space<hbm>>
      %dma_wait3A_70 = tpu.memref_squeeze %dma_wait3A_69 : memref<1x160x128xi32, #tpu.memory_space<hbm>> -> memref<160x128xi32, #tpu.memory_space<hbm>>
      %dma_wait3A_71 = arith.constant 0 : i32
      %dma_wait3A_72 = arith.constant 0 : i32
      %dma_wait3A_73 = tpu.memref_slice %arg4[%arg1, %dma_wait3A_71, %dma_wait3A_72] : memref<16x160x128xi32, #tpu.memory_space<hbm>> -> memref<1x160x128xi32, #tpu.memory_space<hbm>>
      %dma_wait3A_74 = tpu.memref_squeeze %dma_wait3A_73 : memref<1x160x128xi32, #tpu.memory_space<hbm>> -> memref<160x128xi32, #tpu.memory_space<hbm>>
      tpu.wait_dma2 semaphore(%run_scoped3A : memref<!tpu.dma_semaphore, #tpu.memory_space<semaphore_mem>>) src(%dma_wait3A_74 : memref<160x128xi32, #tpu.memory_space<hbm>>) dst(%arg7 : memref<160x128xi32, #tpu.memory_space<vmem>>)
      tpu.yield
    }) : () -> ()
    "tpu.region"() ({
      %run_scoped3A = tpu.sem_alloc : memref<!tpu.dma_semaphore, #tpu.memory_space<semaphore_mem>>
      %dma_start3A_60 = arith.constant 0 : i32
      %dma_start3A_61 = tpu.memref_slice %arg13[%mul3A_0, %dma_start3A_60] : memref<10240x64xf32, #tpu.memory_space<vmem_shared>> -> memref<640x64xf32, #tpu.memory_space<vmem_shared>>
      %dma_start3A_62 = arith.constant 0 : i32
      %dma_start3A_63 = arith.constant 0 : i32
      %dma_start3A_64 = tpu.memref_slice %arg2[%arg0, %dma_start3A_62, %dma_start3A_63] : memref<2x10240x64xf32, #tpu.memory_space<hbm>> -> memref<1x10240x64xf32, #tpu.memory_space<hbm>>
      %dma_start3A_65 = tpu.memref_squeeze %dma_start3A_64 : memref<1x10240x64xf32, #tpu.memory_space<hbm>> -> memref<10240x64xf32, #tpu.memory_space<hbm>>
      %dma_start3A_66 = arith.constant 0 : i32
      %dma_start3A_67 = tpu.memref_slice %dma_start3A_65[%mul3A_0, %dma_start3A_66] : memref<10240x64xf32, #tpu.memory_space<hbm>> -> memref<640x64xf32, #tpu.memory_space<hbm>>
      tpu.enqueue_dma source(%dma_start3A_67 : memref<640x64xf32, #tpu.memory_space<hbm>>) target(%dma_start3A_61 : memref<640x64xf32, #tpu.memory_space<vmem_shared>>) target_semaphore(%run_scoped3A : memref<!tpu.dma_semaphore, #tpu.memory_space<semaphore_mem>>)
      %dma_wait3A = arith.constant 0 : i32
      %dma_wait3A_68 = tpu.memref_slice %arg13[%mul3A_0, %dma_wait3A] : memref<10240x64xf32, #tpu.memory_space<vmem_shared>> -> memref<640x64xf32, #tpu.memory_space<vmem_shared>>
      %dma_wait3A_69 = arith.constant 0 : i32
      %dma_wait3A_70 = arith.constant 0 : i32
      %dma_wait3A_71 = tpu.memref_slice %arg2[%arg0, %dma_wait3A_69, %dma_wait3A_70] : memref<2x10240x64xf32, #tpu.memory_space<hbm>> -> memref<1x10240x64xf32, #tpu.memory_space<hbm>>
      %dma_wait3A_72 = tpu.memref_squeeze %dma_wait3A_71 : memref<1x10240x64xf32, #tpu.memory_space<hbm>> -> memref<10240x64xf32, #tpu.memory_space<hbm>>
      %dma_wait3A_73 = arith.constant 0 : i32
      %dma_wait3A_74 = tpu.memref_slice %dma_wait3A_72[%mul3A_0, %dma_wait3A_73] : memref<10240x64xf32, #tpu.memory_space<hbm>> -> memref<640x64xf32, #tpu.memory_space<hbm>>
      tpu.wait_dma2 semaphore(%run_scoped3A : memref<!tpu.dma_semaphore, #tpu.memory_space<semaphore_mem>>) src(%dma_wait3A_74 : memref<640x64xf32, #tpu.memory_space<hbm>>) dst(%dma_wait3A_68 : memref<640x64xf32, #tpu.memory_space<vmem_shared>>)
      tpu.yield
    }) : () -> ()
    %barrier3A = arith.constant 0 : index
    tpu.barrier barrier_id(%barrier3A)
    %dma_start3A = arith.constant 0 : i32
    %dma_start3A_1 = arith.constant 0 : i32
    %dma_start3A_2 = tpu.memref_slice %arg6[%dma_start3A, %dma_start3A_1] : memref<160x128xi32, #tpu.memory_space<vmem>> -> memref<1x128xi32, #tpu.memory_space<vmem>>
    %dma_start3A_3 = tpu.memref_squeeze %dma_start3A_2 : memref<1x128xi32, #tpu.memory_space<vmem>> -> memref<128xi32, #tpu.memory_space<vmem>>
    %dma_start3A_4 = arith.constant 0 : i32
    %dma_start3A_5 = arith.constant 0 : i32
    %dma_start3A_6 = tpu.memref_slice %arg2[%arg0, %dma_start3A_4, %dma_start3A_5] : memref<2x10240x64xf32, #tpu.memory_space<hbm>> -> memref<1x10240x64xf32, #tpu.memory_space<hbm>>
    %dma_start3A_7 = tpu.memref_squeeze %dma_start3A_6 : memref<1x10240x64xf32, #tpu.memory_space<hbm>> -> memref<10240x64xf32, #tpu.memory_space<hbm>>
    %dma_start3A_8 = arith.constant 0 : i32
    %dma_start3A_9 = arith.constant 0 : i32
    %dma_start3A_10 = tpu.memref_slice %dma_start3A_7[%dma_start3A_8, %dma_start3A_9] : memref<10240x64xf32, #tpu.memory_space<hbm>> -> memref<10240x64xf32, #tpu.memory_space<hbm>>
    tpu.enqueue_indirect_dma source(%dma_start3A_10 : memref<10240x64xf32, #tpu.memory_space<hbm>>) target(%arg8 : memref<128x64xf32, #tpu.memory_space<vmem>>) offsets(%dma_start3A_3 : memref<128xi32, #tpu.memory_space<vmem>>) semaphore(%arg14 : memref<!tpu.dma_semaphore, #tpu.memory_space<semaphore_mem>>)
    %dma_start3A_11 = arith.constant 1 : i32
    %dma_start3A_12 = arith.constant 0 : i32
    %dma_start3A_13 = tpu.memref_slice %arg6[%dma_start3A_11, %dma_start3A_12] : memref<160x128xi32, #tpu.memory_space<vmem>> -> memref<1x128xi32, #tpu.memory_space<vmem>>
    %dma_start3A_14 = tpu.memref_squeeze %dma_start3A_13 : memref<1x128xi32, #tpu.memory_space<vmem>> -> memref<128xi32, #tpu.memory_space<vmem>>
    %dma_start3A_15 = arith.constant 0 : i32
    %dma_start3A_16 = arith.constant 0 : i32
    %dma_start3A_17 = tpu.memref_slice %arg2[%arg0, %dma_start3A_15, %dma_start3A_16] : memref<2x10240x64xf32, #tpu.memory_space<hbm>> -> memref<1x10240x64xf32, #tpu.memory_space<hbm>>
    %dma_start3A_18 = tpu.memref_squeeze %dma_start3A_17 : memref<1x10240x64xf32, #tpu.memory_space<hbm>> -> memref<10240x64xf32, #tpu.memory_space<hbm>>
    %dma_start3A_19 = arith.constant 0 : i32
    %dma_start3A_20 = arith.constant 0 : i32
    %dma_start3A_21 = tpu.memref_slice %dma_start3A_18[%dma_start3A_19, %dma_start3A_20] : memref<10240x64xf32, #tpu.memory_space<hbm>> -> memref<10240x64xf32, #tpu.memory_space<hbm>>
    tpu.enqueue_indirect_dma source(%dma_start3A_21 : memref<10240x64xf32, #tpu.memory_space<hbm>>) target(%arg9 : memref<128x64xf32, #tpu.memory_space<vmem>>) offsets(%dma_start3A_14 : memref<128xi32, #tpu.memory_space<vmem>>) semaphore(%arg15 : memref<!tpu.dma_semaphore, #tpu.memory_space<semaphore_mem>>)
    %dma_start3A_22 = arith.constant 2 : i32
    %dma_start3A_23 = arith.constant 0 : i32
    %dma_start3A_24 = tpu.memref_slice %arg6[%dma_start3A_22, %dma_start3A_23] : memref<160x128xi32, #tpu.memory_space<vmem>> -> memref<1x128xi32, #tpu.memory_space<vmem>>
    %dma_start3A_25 = tpu.memref_squeeze %dma_start3A_24 : memref<1x128xi32, #tpu.memory_space<vmem>> -> memref<128xi32, #tpu.memory_space<vmem>>
    %dma_start3A_26 = arith.constant 0 : i32
    %dma_start3A_27 = arith.constant 0 : i32
    %dma_start3A_28 = tpu.memref_slice %arg2[%arg0, %dma_start3A_26, %dma_start3A_27] : memref<2x10240x64xf32, #tpu.memory_space<hbm>> -> memref<1x10240x64xf32, #tpu.memory_space<hbm>>
    %dma_start3A_29 = tpu.memref_squeeze %dma_start3A_28 : memref<1x10240x64xf32, #tpu.memory_space<hbm>> -> memref<10240x64xf32, #tpu.memory_space<hbm>>
    %dma_start3A_30 = arith.constant 0 : i32
    %dma_start3A_31 = arith.constant 0 : i32
    %dma_start3A_32 = tpu.memref_slice %dma_start3A_29[%dma_start3A_30, %dma_start3A_31] : memref<10240x64xf32, #tpu.memory_space<hbm>> -> memref<10240x64xf32, #tpu.memory_space<hbm>>
    tpu.enqueue_indirect_dma source(%dma_start3A_32 : memref<10240x64xf32, #tpu.memory_space<hbm>>) target(%arg10 : memref<128x64xf32, #tpu.memory_space<vmem>>) offsets(%dma_start3A_25 : memref<128xi32, #tpu.memory_space<vmem>>) semaphore(%arg16 : memref<!tpu.dma_semaphore, #tpu.memory_space<semaphore_mem>>)
    %dma_start3A_33 = arith.constant 3 : i32
    %dma_start3A_34 = arith.constant 0 : i32
    %dma_start3A_35 = tpu.memref_slice %arg6[%dma_start3A_33, %dma_start3A_34] : memref<160x128xi32, #tpu.memory_space<vmem>> -> memref<1x128xi32, #tpu.memory_space<vmem>>
    %dma_start3A_36 = tpu.memref_squeeze %dma_start3A_35 : memref<1x128xi32, #tpu.memory_space<vmem>> -> memref<128xi32, #tpu.memory_space<vmem>>
    %dma_start3A_37 = arith.constant 0 : i32
    %dma_start3A_38 = arith.constant 0 : i32
    %dma_start3A_39 = tpu.memref_slice %arg2[%arg0, %dma_start3A_37, %dma_start3A_38] : memref<2x10240x64xf32, #tpu.memory_space<hbm>> -> memref<1x10240x64xf32, #tpu.memory_space<hbm>>
    %dma_start3A_40 = tpu.memref_squeeze %dma_start3A_39 : memref<1x10240x64xf32, #tpu.memory_space<hbm>> -> memref<10240x64xf32, #tpu.memory_space<hbm>>
    %dma_start3A_41 = arith.constant 0 : i32
    %dma_start3A_42 = arith.constant 0 : i32
    %dma_start3A_43 = tpu.memref_slice %dma_start3A_40[%dma_start3A_41, %dma_start3A_42] : memref<10240x64xf32, #tpu.memory_space<hbm>> -> memref<10240x64xf32, #tpu.memory_space<hbm>>
    tpu.enqueue_indirect_dma source(%dma_start3A_43 : memref<10240x64xf32, #tpu.memory_space<hbm>>) target(%arg11 : memref<128x64xf32, #tpu.memory_space<vmem>>) offsets(%dma_start3A_36 : memref<128xi32, #tpu.memory_space<vmem>>) semaphore(%arg17 : memref<!tpu.dma_semaphore, #tpu.memory_space<semaphore_mem>>)
    %dma_start3A_44 = arith.constant 4 : i32
    %dma_start3A_45 = arith.constant 0 : i32
    %dma_start3A_46 = tpu.memref_slice %arg6[%dma_start3A_44, %dma_start3A_45] : memref<160x128xi32, #tpu.memory_space<vmem>> -> memref<1x128xi32, #tpu.memory_space<vmem>>
    %dma_start3A_47 = tpu.memref_squeeze %dma_start3A_46 : memref<1x128xi32, #tpu.memory_space<vmem>> -> memref<128xi32, #tpu.memory_space<vmem>>
    %dma_start3A_48 = arith.constant 0 : i32
    %dma_start3A_49 = arith.constant 0 : i32
    %dma_start3A_50 = tpu.memref_slice %arg2[%arg0, %dma_start3A_48, %dma_start3A_49] : memref<2x10240x64xf32, #tpu.memory_space<hbm>> -> memref<1x10240x64xf32, #tpu.memory_space<hbm>>
    %dma_start3A_51 = tpu.memref_squeeze %dma_start3A_50 : memref<1x10240x64xf32, #tpu.memory_space<hbm>> -> memref<10240x64xf32, #tpu.memory_space<hbm>>
    %dma_start3A_52 = arith.constant 0 : i32
    %dma_start3A_53 = arith.constant 0 : i32
    %dma_start3A_54 = tpu.memref_slice %dma_start3A_51[%dma_start3A_52, %dma_start3A_53] : memref<10240x64xf32, #tpu.memory_space<hbm>> -> memref<10240x64xf32, #tpu.memory_space<hbm>>
    tpu.enqueue_indirect_dma source(%dma_start3A_54 : memref<10240x64xf32, #tpu.memory_space<hbm>>) target(%arg12 : memref<128x64xf32, #tpu.memory_space<vmem>>) offsets(%dma_start3A_47 : memref<128xi32, #tpu.memory_space<vmem>>) semaphore(%arg18 : memref<!tpu.dma_semaphore, #tpu.memory_space<semaphore_mem>>)
    %scan3A = arith.constant 0 : i32
    %scan3A_55 = arith.constant 32 : i32
    %scan3A_56 = arith.addi %scan3A, %scan3A_55 : i32
    %scan3A_57 = arith.constant 1 : i32
    scf.for %scan3A_60 = %scan3A to %scan3A_56 step %scan3A_57  : i32 {
      %mul3A_61 = arith.constant 5 : i32
      %mul3A_62 = arith.muli %scan3A_60, %mul3A_61 : i32
      %add3A = arith.constant 0 : i32
      %add3A_63 = arith.addi %add3A, %mul3A_62 : i32
      %add3A_64 = arith.constant 0 : i32
      %add3A_65 = arith.addi %add3A_63, %add3A_64 : i32
      %dma_wait3A = arith.constant 0 : i32
      %dma_wait3A_66 = tpu.memref_slice %arg6[%add3A_65, %dma_wait3A] : memref<160x128xi32, #tpu.memory_space<vmem>> -> memref<1x128xi32, #tpu.memory_space<vmem>>
      %dma_wait3A_67 = tpu.memref_squeeze %dma_wait3A_66 : memref<1x128xi32, #tpu.memory_space<vmem>> -> memref<128xi32, #tpu.memory_space<vmem>>
      %dma_wait3A_68 = arith.constant 0 : i32
      %dma_wait3A_69 = arith.constant 0 : i32
      %dma_wait3A_70 = tpu.memref_slice %arg2[%arg0, %dma_wait3A_68, %dma_wait3A_69] : memref<2x10240x64xf32, #tpu.memory_space<hbm>> -> memref<1x10240x64xf32, #tpu.memory_space<hbm>>
      %dma_wait3A_71 = tpu.memref_squeeze %dma_wait3A_70 : memref<1x10240x64xf32, #tpu.memory_space<hbm>> -> memref<10240x64xf32, #tpu.memory_space<hbm>>
      %dma_wait3A_72 = arith.constant 0 : i32
      %dma_wait3A_73 = arith.constant 0 : i32
      %dma_wait3A_74 = tpu.memref_slice %dma_wait3A_71[%dma_wait3A_72, %dma_wait3A_73] : memref<10240x64xf32, #tpu.memory_space<hbm>> -> memref<10240x64xf32, #tpu.memory_space<hbm>>
      tpu.wait_indirect_dma semaphore(%arg14 : memref<!tpu.dma_semaphore, #tpu.memory_space<semaphore_mem>>) src(%dma_wait3A_74 : memref<10240x64xf32, #tpu.memory_space<hbm>>) dst(%arg8 : memref<128x64xf32, #tpu.memory_space<vmem>>)
      %dma_start3A_75 = arith.constant 0 : i32
      %dma_start3A_76 = tpu.memref_slice %arg7[%add3A_65, %dma_start3A_75] : memref<160x128xi32, #tpu.memory_space<vmem>> -> memref<1x128xi32, #tpu.memory_space<vmem>>
      %dma_start3A_77 = tpu.memref_squeeze %dma_start3A_76 : memref<1x128xi32, #tpu.memory_space<vmem>> -> memref<128xi32, #tpu.memory_space<vmem>>
      %dma_start3A_78 = arith.constant 0 : i32
      %dma_start3A_79 = arith.constant 0 : i32
      %dma_start3A_80 = tpu.memref_slice %arg13[%dma_start3A_78, %dma_start3A_79] : memref<10240x64xf32, #tpu.memory_space<vmem_shared>> -> memref<10240x64xf32, #tpu.memory_space<vmem_shared>>
      tpu.enqueue_indirect_dma source(%arg8 : memref<128x64xf32, #tpu.memory_space<vmem>>) target(%dma_start3A_80 : memref<10240x64xf32, #tpu.memory_space<vmem_shared>>) offsets(%dma_start3A_77 : memref<128xi32, #tpu.memory_space<vmem>>) semaphore(%arg19 : memref<!tpu.dma_semaphore, #tpu.memory_space<semaphore_mem>>) {add = true}
      %dma_wait3A_81 = arith.constant 0 : i32
      %dma_wait3A_82 = tpu.memref_slice %arg7[%add3A_65, %dma_wait3A_81] : memref<160x128xi32, #tpu.memory_space<vmem>> -> memref<1x128xi32, #tpu.memory_space<vmem>>
      %dma_wait3A_83 = tpu.memref_squeeze %dma_wait3A_82 : memref<1x128xi32, #tpu.memory_space<vmem>> -> memref<128xi32, #tpu.memory_space<vmem>>
      %dma_wait3A_84 = arith.constant 0 : i32
      %dma_wait3A_85 = arith.constant 0 : i32
      %dma_wait3A_86 = tpu.memref_slice %arg13[%dma_wait3A_84, %dma_wait3A_85] : memref<10240x64xf32, #tpu.memory_space<vmem_shared>> -> memref<10240x64xf32, #tpu.memory_space<vmem_shared>>
      tpu.wait_indirect_dma semaphore(%arg19 : memref<!tpu.dma_semaphore, #tpu.memory_space<semaphore_mem>>) src(%arg8 : memref<128x64xf32, #tpu.memory_space<vmem>>) dst(%dma_wait3A_86 : memref<10240x64xf32, #tpu.memory_space<vmem_shared>>)
      %add3A_87 = arith.constant 5 : i32
      %add3A_88 = arith.addi %add3A_65, %add3A_87 : i32
      %lt3A = arith.constant 160 : i32
      %lt3A_89 = arith.cmpi slt, %add3A_88, %lt3A : i32
      %convert_element_type3A = arith.extui %lt3A_89 : i1 to i32
      %cond3A = arith.constant 0 : i32
      %cond3A_90 = arith.cmpi ne, %convert_element_type3A, %cond3A : i32
      scf.if %cond3A_90 {
        %add3A_215 = arith.constant 5 : i32
        %add3A_216 = arith.addi %add3A_65, %add3A_215 : i32
        %dma_start3A_217 = arith.constant 0 : i32
        %dma_start3A_218 = tpu.memref_slice %arg6[%add3A_216, %dma_start3A_217] : memref<160x128xi32, #tpu.memory_space<vmem>> -> memref<1x128xi32, #tpu.memory_space<vmem>>
        %dma_start3A_219 = tpu.memref_squeeze %dma_start3A_218 : memref<1x128xi32, #tpu.memory_space<vmem>> -> memref<128xi32, #tpu.memory_space<vmem>>
        %dma_start3A_220 = arith.constant 0 : i32
        %dma_start3A_221 = arith.constant 0 : i32
        %dma_start3A_222 = tpu.memref_slice %arg2[%arg0, %dma_start3A_220, %dma_start3A_221] : memref<2x10240x64xf32, #tpu.memory_space<hbm>> -> memref<1x10240x64xf32, #tpu.memory_space<hbm>>
        %dma_start3A_223 = tpu.memref_squeeze %dma_start3A_222 : memref<1x10240x64xf32, #tpu.memory_space<hbm>> -> memref<10240x64xf32, #tpu.memory_space<hbm>>
        %dma_start3A_224 = arith.constant 0 : i32
        %dma_start3A_225 = arith.constant 0 : i32
        %dma_start3A_226 = tpu.memref_slice %dma_start3A_223[%dma_start3A_224, %dma_start3A_225] : memref<10240x64xf32, #tpu.memory_space<hbm>> -> memref<10240x64xf32, #tpu.memory_space<hbm>>
        tpu.enqueue_indirect_dma source(%dma_start3A_226 : memref<10240x64xf32, #tpu.memory_space<hbm>>) target(%arg8 : memref<128x64xf32, #tpu.memory_space<vmem>>) offsets(%dma_start3A_219 : memref<128xi32, #tpu.memory_space<vmem>>) semaphore(%arg14 : memref<!tpu.dma_semaphore, #tpu.memory_space<semaphore_mem>>)
      } else {
      }
      %add3A_91 = arith.constant 1 : i32
      %add3A_92 = arith.addi %add3A_63, %add3A_91 : i32
      %dma_wait3A_93 = arith.constant 0 : i32
      %dma_wait3A_94 = tpu.memref_slice %arg6[%add3A_92, %dma_wait3A_93] : memref<160x128xi32, #tpu.memory_space<vmem>> -> memref<1x128xi32, #tpu.memory_space<vmem>>
      %dma_wait3A_95 = tpu.memref_squeeze %dma_wait3A_94 : memref<1x128xi32, #tpu.memory_space<vmem>> -> memref<128xi32, #tpu.memory_space<vmem>>
      %dma_wait3A_96 = arith.constant 0 : i32
      %dma_wait3A_97 = arith.constant 0 : i32
      %dma_wait3A_98 = tpu.memref_slice %arg2[%arg0, %dma_wait3A_96, %dma_wait3A_97] : memref<2x10240x64xf32, #tpu.memory_space<hbm>> -> memref<1x10240x64xf32, #tpu.memory_space<hbm>>
      %dma_wait3A_99 = tpu.memref_squeeze %dma_wait3A_98 : memref<1x10240x64xf32, #tpu.memory_space<hbm>> -> memref<10240x64xf32, #tpu.memory_space<hbm>>
      %dma_wait3A_100 = arith.constant 0 : i32
      %dma_wait3A_101 = arith.constant 0 : i32
      %dma_wait3A_102 = tpu.memref_slice %dma_wait3A_99[%dma_wait3A_100, %dma_wait3A_101] : memref<10240x64xf32, #tpu.memory_space<hbm>> -> memref<10240x64xf32, #tpu.memory_space<hbm>>
      tpu.wait_indirect_dma semaphore(%arg15 : memref<!tpu.dma_semaphore, #tpu.memory_space<semaphore_mem>>) src(%dma_wait3A_102 : memref<10240x64xf32, #tpu.memory_space<hbm>>) dst(%arg9 : memref<128x64xf32, #tpu.memory_space<vmem>>)
      %dma_start3A_103 = arith.constant 0 : i32
      %dma_start3A_104 = tpu.memref_slice %arg7[%add3A_92, %dma_start3A_103] : memref<160x128xi32, #tpu.memory_space<vmem>> -> memref<1x128xi32, #tpu.memory_space<vmem>>
      %dma_start3A_105 = tpu.memref_squeeze %dma_start3A_104 : memref<1x128xi32, #tpu.memory_space<vmem>> -> memref<128xi32, #tpu.memory_space<vmem>>
      %dma_start3A_106 = arith.constant 0 : i32
      %dma_start3A_107 = arith.constant 0 : i32
      %dma_start3A_108 = tpu.memref_slice %arg13[%dma_start3A_106, %dma_start3A_107] : memref<10240x64xf32, #tpu.memory_space<vmem_shared>> -> memref<10240x64xf32, #tpu.memory_space<vmem_shared>>
      tpu.enqueue_indirect_dma source(%arg9 : memref<128x64xf32, #tpu.memory_space<vmem>>) target(%dma_start3A_108 : memref<10240x64xf32, #tpu.memory_space<vmem_shared>>) offsets(%dma_start3A_105 : memref<128xi32, #tpu.memory_space<vmem>>) semaphore(%arg20 : memref<!tpu.dma_semaphore, #tpu.memory_space<semaphore_mem>>) {add = true}
      %dma_wait3A_109 = arith.constant 0 : i32
      %dma_wait3A_110 = tpu.memref_slice %arg7[%add3A_92, %dma_wait3A_109] : memref<160x128xi32, #tpu.memory_space<vmem>> -> memref<1x128xi32, #tpu.memory_space<vmem>>
      %dma_wait3A_111 = tpu.memref_squeeze %dma_wait3A_110 : memref<1x128xi32, #tpu.memory_space<vmem>> -> memref<128xi32, #tpu.memory_space<vmem>>
      %dma_wait3A_112 = arith.constant 0 : i32
      %dma_wait3A_113 = arith.constant 0 : i32
      %dma_wait3A_114 = tpu.memref_slice %arg13[%dma_wait3A_112, %dma_wait3A_113] : memref<10240x64xf32, #tpu.memory_space<vmem_shared>> -> memref<10240x64xf32, #tpu.memory_space<vmem_shared>>
      tpu.wait_indirect_dma semaphore(%arg20 : memref<!tpu.dma_semaphore, #tpu.memory_space<semaphore_mem>>) src(%arg9 : memref<128x64xf32, #tpu.memory_space<vmem>>) dst(%dma_wait3A_114 : memref<10240x64xf32, #tpu.memory_space<vmem_shared>>)
      %add3A_115 = arith.constant 5 : i32
      %add3A_116 = arith.addi %add3A_92, %add3A_115 : i32
      %lt3A_117 = arith.constant 160 : i32
      %lt3A_118 = arith.cmpi slt, %add3A_116, %lt3A_117 : i32
      %convert_element_type3A_119 = arith.extui %lt3A_118 : i1 to i32
      %cond3A_120 = arith.constant 0 : i32
      %cond3A_121 = arith.cmpi ne, %convert_element_type3A_119, %cond3A_120 : i32
      scf.if %cond3A_121 {
        %add3A_215 = arith.constant 5 : i32
        %add3A_216 = arith.addi %add3A_92, %add3A_215 : i32
        %dma_start3A_217 = arith.constant 0 : i32
        %dma_start3A_218 = tpu.memref_slice %arg6[%add3A_216, %dma_start3A_217] : memref<160x128xi32, #tpu.memory_space<vmem>> -> memref<1x128xi32, #tpu.memory_space<vmem>>
        %dma_start3A_219 = tpu.memref_squeeze %dma_start3A_218 : memref<1x128xi32, #tpu.memory_space<vmem>> -> memref<128xi32, #tpu.memory_space<vmem>>
        %dma_start3A_220 = arith.constant 0 : i32
        %dma_start3A_221 = arith.constant 0 : i32
        %dma_start3A_222 = tpu.memref_slice %arg2[%arg0, %dma_start3A_220, %dma_start3A_221] : memref<2x10240x64xf32, #tpu.memory_space<hbm>> -> memref<1x10240x64xf32, #tpu.memory_space<hbm>>
        %dma_start3A_223 = tpu.memref_squeeze %dma_start3A_222 : memref<1x10240x64xf32, #tpu.memory_space<hbm>> -> memref<10240x64xf32, #tpu.memory_space<hbm>>
        %dma_start3A_224 = arith.constant 0 : i32
        %dma_start3A_225 = arith.constant 0 : i32
        %dma_start3A_226 = tpu.memref_slice %dma_start3A_223[%dma_start3A_224, %dma_start3A_225] : memref<10240x64xf32, #tpu.memory_space<hbm>> -> memref<10240x64xf32, #tpu.memory_space<hbm>>
        tpu.enqueue_indirect_dma source(%dma_start3A_226 : memref<10240x64xf32, #tpu.memory_space<hbm>>) target(%arg9 : memref<128x64xf32, #tpu.memory_space<vmem>>) offsets(%dma_start3A_219 : memref<128xi32, #tpu.memory_space<vmem>>) semaphore(%arg15 : memref<!tpu.dma_semaphore, #tpu.memory_space<semaphore_mem>>)
      } else {
      }
      %add3A_122 = arith.constant 2 : i32
      %add3A_123 = arith.addi %add3A_63, %add3A_122 : i32
      %dma_wait3A_124 = arith.constant 0 : i32
      %dma_wait3A_125 = tpu.memref_slice %arg6[%add3A_123, %dma_wait3A_124] : memref<160x128xi32, #tpu.memory_space<vmem>> -> memref<1x128xi32, #tpu.memory_space<vmem>>
      %dma_wait3A_126 = tpu.memref_squeeze %dma_wait3A_125 : memref<1x128xi32, #tpu.memory_space<vmem>> -> memref<128xi32, #tpu.memory_space<vmem>>
      %dma_wait3A_127 = arith.constant 0 : i32
      %dma_wait3A_128 = arith.constant 0 : i32
      %dma_wait3A_129 = tpu.memref_slice %arg2[%arg0, %dma_wait3A_127, %dma_wait3A_128] : memref<2x10240x64xf32, #tpu.memory_space<hbm>> -> memref<1x10240x64xf32, #tpu.memory_space<hbm>>
      %dma_wait3A_130 = tpu.memref_squeeze %dma_wait3A_129 : memref<1x10240x64xf32, #tpu.memory_space<hbm>> -> memref<10240x64xf32, #tpu.memory_space<hbm>>
      %dma_wait3A_131 = arith.constant 0 : i32
      %dma_wait3A_132 = arith.constant 0 : i32
      %dma_wait3A_133 = tpu.memref_slice %dma_wait3A_130[%dma_wait3A_131, %dma_wait3A_132] : memref<10240x64xf32, #tpu.memory_space<hbm>> -> memref<10240x64xf32, #tpu.memory_space<hbm>>
      tpu.wait_indirect_dma semaphore(%arg16 : memref<!tpu.dma_semaphore, #tpu.memory_space<semaphore_mem>>) src(%dma_wait3A_133 : memref<10240x64xf32, #tpu.memory_space<hbm>>) dst(%arg10 : memref<128x64xf32, #tpu.memory_space<vmem>>)
      %dma_start3A_134 = arith.constant 0 : i32
      %dma_start3A_135 = tpu.memref_slice %arg7[%add3A_123, %dma_start3A_134] : memref<160x128xi32, #tpu.memory_space<vmem>> -> memref<1x128xi32, #tpu.memory_space<vmem>>
      %dma_start3A_136 = tpu.memref_squeeze %dma_start3A_135 : memref<1x128xi32, #tpu.memory_space<vmem>> -> memref<128xi32, #tpu.memory_space<vmem>>
      %dma_start3A_137 = arith.constant 0 : i32
      %dma_start3A_138 = arith.constant 0 : i32
      %dma_start3A_139 = tpu.memref_slice %arg13[%dma_start3A_137, %dma_start3A_138] : memref<10240x64xf32, #tpu.memory_space<vmem_shared>> -> memref<10240x64xf32, #tpu.memory_space<vmem_shared>>
      tpu.enqueue_indirect_dma source(%arg10 : memref<128x64xf32, #tpu.memory_space<vmem>>) target(%dma_start3A_139 : memref<10240x64xf32, #tpu.memory_space<vmem_shared>>) offsets(%dma_start3A_136 : memref<128xi32, #tpu.memory_space<vmem>>) semaphore(%arg21 : memref<!tpu.dma_semaphore, #tpu.memory_space<semaphore_mem>>) {add = true}
      %dma_wait3A_140 = arith.constant 0 : i32
      %dma_wait3A_141 = tpu.memref_slice %arg7[%add3A_123, %dma_wait3A_140] : memref<160x128xi32, #tpu.memory_space<vmem>> -> memref<1x128xi32, #tpu.memory_space<vmem>>
      %dma_wait3A_142 = tpu.memref_squeeze %dma_wait3A_141 : memref<1x128xi32, #tpu.memory_space<vmem>> -> memref<128xi32, #tpu.memory_space<vmem>>
      %dma_wait3A_143 = arith.constant 0 : i32
      %dma_wait3A_144 = arith.constant 0 : i32
      %dma_wait3A_145 = tpu.memref_slice %arg13[%dma_wait3A_143, %dma_wait3A_144] : memref<10240x64xf32, #tpu.memory_space<vmem_shared>> -> memref<10240x64xf32, #tpu.memory_space<vmem_shared>>
      tpu.wait_indirect_dma semaphore(%arg21 : memref<!tpu.dma_semaphore, #tpu.memory_space<semaphore_mem>>) src(%arg10 : memref<128x64xf32, #tpu.memory_space<vmem>>) dst(%dma_wait3A_145 : memref<10240x64xf32, #tpu.memory_space<vmem_shared>>)
      %add3A_146 = arith.constant 5 : i32
      %add3A_147 = arith.addi %add3A_123, %add3A_146 : i32
      %lt3A_148 = arith.constant 160 : i32
      %lt3A_149 = arith.cmpi slt, %add3A_147, %lt3A_148 : i32
      %convert_element_type3A_150 = arith.extui %lt3A_149 : i1 to i32
      %cond3A_151 = arith.constant 0 : i32
      %cond3A_152 = arith.cmpi ne, %convert_element_type3A_150, %cond3A_151 : i32
      scf.if %cond3A_152 {
        %add3A_215 = arith.constant 5 : i32
        %add3A_216 = arith.addi %add3A_123, %add3A_215 : i32
        %dma_start3A_217 = arith.constant 0 : i32
        %dma_start3A_218 = tpu.memref_slice %arg6[%add3A_216, %dma_start3A_217] : memref<160x128xi32, #tpu.memory_space<vmem>> -> memref<1x128xi32, #tpu.memory_space<vmem>>
        %dma_start3A_219 = tpu.memref_squeeze %dma_start3A_218 : memref<1x128xi32, #tpu.memory_space<vmem>> -> memref<128xi32, #tpu.memory_space<vmem>>
        %dma_start3A_220 = arith.constant 0 : i32
        %dma_start3A_221 = arith.constant 0 : i32
        %dma_start3A_222 = tpu.memref_slice %arg2[%arg0, %dma_start3A_220, %dma_start3A_221] : memref<2x10240x64xf32, #tpu.memory_space<hbm>> -> memref<1x10240x64xf32, #tpu.memory_space<hbm>>
        %dma_start3A_223 = tpu.memref_squeeze %dma_start3A_222 : memref<1x10240x64xf32, #tpu.memory_space<hbm>> -> memref<10240x64xf32, #tpu.memory_space<hbm>>
        %dma_start3A_224 = arith.constant 0 : i32
        %dma_start3A_225 = arith.constant 0 : i32
        %dma_start3A_226 = tpu.memref_slice %dma_start3A_223[%dma_start3A_224, %dma_start3A_225] : memref<10240x64xf32, #tpu.memory_space<hbm>> -> memref<10240x64xf32, #tpu.memory_space<hbm>>
        tpu.enqueue_indirect_dma source(%dma_start3A_226 : memref<10240x64xf32, #tpu.memory_space<hbm>>) target(%arg10 : memref<128x64xf32, #tpu.memory_space<vmem>>) offsets(%dma_start3A_219 : memref<128xi32, #tpu.memory_space<vmem>>) semaphore(%arg16 : memref<!tpu.dma_semaphore, #tpu.memory_space<semaphore_mem>>)
      } else {
      }
      %add3A_153 = arith.constant 3 : i32
      %add3A_154 = arith.addi %add3A_63, %add3A_153 : i32
      %dma_wait3A_155 = arith.constant 0 : i32
      %dma_wait3A_156 = tpu.memref_slice %arg6[%add3A_154, %dma_wait3A_155] : memref<160x128xi32, #tpu.memory_space<vmem>> -> memref<1x128xi32, #tpu.memory_space<vmem>>
      %dma_wait3A_157 = tpu.memref_squeeze %dma_wait3A_156 : memref<1x128xi32, #tpu.memory_space<vmem>> -> memref<128xi32, #tpu.memory_space<vmem>>
      %dma_wait3A_158 = arith.constant 0 : i32
      %dma_wait3A_159 = arith.constant 0 : i32
      %dma_wait3A_160 = tpu.memref_slice %arg2[%arg0, %dma_wait3A_158, %dma_wait3A_159] : memref<2x10240x64xf32, #tpu.memory_space<hbm>> -> memref<1x10240x64xf32, #tpu.memory_space<hbm>>
      %dma_wait3A_161 = tpu.memref_squeeze %dma_wait3A_160 : memref<1x10240x64xf32, #tpu.memory_space<hbm>> -> memref<10240x64xf32, #tpu.memory_space<hbm>>
      %dma_wait3A_162 = arith.constant 0 : i32
      %dma_wait3A_163 = arith.constant 0 : i32
      %dma_wait3A_164 = tpu.memref_slice %dma_wait3A_161[%dma_wait3A_162, %dma_wait3A_163] : memref<10240x64xf32, #tpu.memory_space<hbm>> -> memref<10240x64xf32, #tpu.memory_space<hbm>>
      tpu.wait_indirect_dma semaphore(%arg17 : memref<!tpu.dma_semaphore, #tpu.memory_space<semaphore_mem>>) src(%dma_wait3A_164 : memref<10240x64xf32, #tpu.memory_space<hbm>>) dst(%arg11 : memref<128x64xf32, #tpu.memory_space<vmem>>)
      %dma_start3A_165 = arith.constant 0 : i32
      %dma_start3A_166 = tpu.memref_slice %arg7[%add3A_154, %dma_start3A_165] : memref<160x128xi32, #tpu.memory_space<vmem>> -> memref<1x128xi32, #tpu.memory_space<vmem>>
      %dma_start3A_167 = tpu.memref_squeeze %dma_start3A_166 : memref<1x128xi32, #tpu.memory_space<vmem>> -> memref<128xi32, #tpu.memory_space<vmem>>
      %dma_start3A_168 = arith.constant 0 : i32
      %dma_start3A_169 = arith.constant 0 : i32
      %dma_start3A_170 = tpu.memref_slice %arg13[%dma_start3A_168, %dma_start3A_169] : memref<10240x64xf32, #tpu.memory_space<vmem_shared>> -> memref<10240x64xf32, #tpu.memory_space<vmem_shared>>
      tpu.enqueue_indirect_dma source(%arg11 : memref<128x64xf32, #tpu.memory_space<vmem>>) target(%dma_start3A_170 : memref<10240x64xf32, #tpu.memory_space<vmem_shared>>) offsets(%dma_start3A_167 : memref<128xi32, #tpu.memory_space<vmem>>) semaphore(%arg22 : memref<!tpu.dma_semaphore, #tpu.memory_space<semaphore_mem>>) {add = true}
      %dma_wait3A_171 = arith.constant 0 : i32
      %dma_wait3A_172 = tpu.memref_slice %arg7[%add3A_154, %dma_wait3A_171] : memref<160x128xi32, #tpu.memory_space<vmem>> -> memref<1x128xi32, #tpu.memory_space<vmem>>
      %dma_wait3A_173 = tpu.memref_squeeze %dma_wait3A_172 : memref<1x128xi32, #tpu.memory_space<vmem>> -> memref<128xi32, #tpu.memory_space<vmem>>
      %dma_wait3A_174 = arith.constant 0 : i32
      %dma_wait3A_175 = arith.constant 0 : i32
      %dma_wait3A_176 = tpu.memref_slice %arg13[%dma_wait3A_174, %dma_wait3A_175] : memref<10240x64xf32, #tpu.memory_space<vmem_shared>> -> memref<10240x64xf32, #tpu.memory_space<vmem_shared>>
      tpu.wait_indirect_dma semaphore(%arg22 : memref<!tpu.dma_semaphore, #tpu.memory_space<semaphore_mem>>) src(%arg11 : memref<128x64xf32, #tpu.memory_space<vmem>>) dst(%dma_wait3A_176 : memref<10240x64xf32, #tpu.memory_space<vmem_shared>>)
      %add3A_177 = arith.constant 5 : i32
      %add3A_178 = arith.addi %add3A_154, %add3A_177 : i32
      %lt3A_179 = arith.constant 160 : i32
      %lt3A_180 = arith.cmpi slt, %add3A_178, %lt3A_179 : i32
      %convert_element_type3A_181 = arith.extui %lt3A_180 : i1 to i32
      %cond3A_182 = arith.constant 0 : i32
      %cond3A_183 = arith.cmpi ne, %convert_element_type3A_181, %cond3A_182 : i32
      scf.if %cond3A_183 {
        %add3A_215 = arith.constant 5 : i32
        %add3A_216 = arith.addi %add3A_154, %add3A_215 : i32
        %dma_start3A_217 = arith.constant 0 : i32
        %dma_start3A_218 = tpu.memref_slice %arg6[%add3A_216, %dma_start3A_217] : memref<160x128xi32, #tpu.memory_space<vmem>> -> memref<1x128xi32, #tpu.memory_space<vmem>>
        %dma_start3A_219 = tpu.memref_squeeze %dma_start3A_218 : memref<1x128xi32, #tpu.memory_space<vmem>> -> memref<128xi32, #tpu.memory_space<vmem>>
        %dma_start3A_220 = arith.constant 0 : i32
        %dma_start3A_221 = arith.constant 0 : i32
        %dma_start3A_222 = tpu.memref_slice %arg2[%arg0, %dma_start3A_220, %dma_start3A_221] : memref<2x10240x64xf32, #tpu.memory_space<hbm>> -> memref<1x10240x64xf32, #tpu.memory_space<hbm>>
        %dma_start3A_223 = tpu.memref_squeeze %dma_start3A_222 : memref<1x10240x64xf32, #tpu.memory_space<hbm>> -> memref<10240x64xf32, #tpu.memory_space<hbm>>
        %dma_start3A_224 = arith.constant 0 : i32
        %dma_start3A_225 = arith.constant 0 : i32
        %dma_start3A_226 = tpu.memref_slice %dma_start3A_223[%dma_start3A_224, %dma_start3A_225] : memref<10240x64xf32, #tpu.memory_space<hbm>> -> memref<10240x64xf32, #tpu.memory_space<hbm>>
        tpu.enqueue_indirect_dma source(%dma_start3A_226 : memref<10240x64xf32, #tpu.memory_space<hbm>>) target(%arg11 : memref<128x64xf32, #tpu.memory_space<vmem>>) offsets(%dma_start3A_219 : memref<128xi32, #tpu.memory_space<vmem>>) semaphore(%arg17 : memref<!tpu.dma_semaphore, #tpu.memory_space<semaphore_mem>>)
      } else {
      }
      %add3A_184 = arith.constant 4 : i32
      %add3A_185 = arith.addi %add3A_63, %add3A_184 : i32
      %dma_wait3A_186 = arith.constant 0 : i32
      %dma_wait3A_187 = tpu.memref_slice %arg6[%add3A_185, %dma_wait3A_186] : memref<160x128xi32, #tpu.memory_space<vmem>> -> memref<1x128xi32, #tpu.memory_space<vmem>>
      %dma_wait3A_188 = tpu.memref_squeeze %dma_wait3A_187 : memref<1x128xi32, #tpu.memory_space<vmem>> -> memref<128xi32, #tpu.memory_space<vmem>>
      %dma_wait3A_189 = arith.constant 0 : i32
      %dma_wait3A_190 = arith.constant 0 : i32
      %dma_wait3A_191 = tpu.memref_slice %arg2[%arg0, %dma_wait3A_189, %dma_wait3A_190] : memref<2x10240x64xf32, #tpu.memory_space<hbm>> -> memref<1x10240x64xf32, #tpu.memory_space<hbm>>
      %dma_wait3A_192 = tpu.memref_squeeze %dma_wait3A_191 : memref<1x10240x64xf32, #tpu.memory_space<hbm>> -> memref<10240x64xf32, #tpu.memory_space<hbm>>
      %dma_wait3A_193 = arith.constant 0 : i32
      %dma_wait3A_194 = arith.constant 0 : i32
      %dma_wait3A_195 = tpu.memref_slice %dma_wait3A_192[%dma_wait3A_193, %dma_wait3A_194] : memref<10240x64xf32, #tpu.memory_space<hbm>> -> memref<10240x64xf32, #tpu.memory_space<hbm>>
      tpu.wait_indirect_dma semaphore(%arg18 : memref<!tpu.dma_semaphore, #tpu.memory_space<semaphore_mem>>) src(%dma_wait3A_195 : memref<10240x64xf32, #tpu.memory_space<hbm>>) dst(%arg12 : memref<128x64xf32, #tpu.memory_space<vmem>>)
      %dma_start3A_196 = arith.constant 0 : i32
      %dma_start3A_197 = tpu.memref_slice %arg7[%add3A_185, %dma_start3A_196] : memref<160x128xi32, #tpu.memory_space<vmem>> -> memref<1x128xi32, #tpu.memory_space<vmem>>
      %dma_start3A_198 = tpu.memref_squeeze %dma_start3A_197 : memref<1x128xi32, #tpu.memory_space<vmem>> -> memref<128xi32, #tpu.memory_space<vmem>>
      %dma_start3A_199 = arith.constant 0 : i32
      %dma_start3A_200 = arith.constant 0 : i32
      %dma_start3A_201 = tpu.memref_slice %arg13[%dma_start3A_199, %dma_start3A_200] : memref<10240x64xf32, #tpu.memory_space<vmem_shared>> -> memref<10240x64xf32, #tpu.memory_space<vmem_shared>>
      tpu.enqueue_indirect_dma source(%arg12 : memref<128x64xf32, #tpu.memory_space<vmem>>) target(%dma_start3A_201 : memref<10240x64xf32, #tpu.memory_space<vmem_shared>>) offsets(%dma_start3A_198 : memref<128xi32, #tpu.memory_space<vmem>>) semaphore(%arg23 : memref<!tpu.dma_semaphore, #tpu.memory_space<semaphore_mem>>) {add = true}
      %dma_wait3A_202 = arith.constant 0 : i32
      %dma_wait3A_203 = tpu.memref_slice %arg7[%add3A_185, %dma_wait3A_202] : memref<160x128xi32, #tpu.memory_space<vmem>> -> memref<1x128xi32, #tpu.memory_space<vmem>>
      %dma_wait3A_204 = tpu.memref_squeeze %dma_wait3A_203 : memref<1x128xi32, #tpu.memory_space<vmem>> -> memref<128xi32, #tpu.memory_space<vmem>>
      %dma_wait3A_205 = arith.constant 0 : i32
      %dma_wait3A_206 = arith.constant 0 : i32
      %dma_wait3A_207 = tpu.memref_slice %arg13[%dma_wait3A_205, %dma_wait3A_206] : memref<10240x64xf32, #tpu.memory_space<vmem_shared>> -> memref<10240x64xf32, #tpu.memory_space<vmem_shared>>
      tpu.wait_indirect_dma semaphore(%arg23 : memref<!tpu.dma_semaphore, #tpu.memory_space<semaphore_mem>>) src(%arg12 : memref<128x64xf32, #tpu.memory_space<vmem>>) dst(%dma_wait3A_207 : memref<10240x64xf32, #tpu.memory_space<vmem_shared>>)
      %add3A_208 = arith.constant 5 : i32
      %add3A_209 = arith.addi %add3A_185, %add3A_208 : i32
      %lt3A_210 = arith.constant 160 : i32
      %lt3A_211 = arith.cmpi slt, %add3A_209, %lt3A_210 : i32
      %convert_element_type3A_212 = arith.extui %lt3A_211 : i1 to i32
      %cond3A_213 = arith.constant 0 : i32
      %cond3A_214 = arith.cmpi ne, %convert_element_type3A_212, %cond3A_213 : i32
      scf.if %cond3A_214 {
        %add3A_215 = arith.constant 5 : i32
        %add3A_216 = arith.addi %add3A_185, %add3A_215 : i32
        %dma_start3A_217 = arith.constant 0 : i32
        %dma_start3A_218 = tpu.memref_slice %arg6[%add3A_216, %dma_start3A_217] : memref<160x128xi32, #tpu.memory_space<vmem>> -> memref<1x128xi32, #tpu.memory_space<vmem>>
        %dma_start3A_219 = tpu.memref_squeeze %dma_start3A_218 : memref<1x128xi32, #tpu.memory_space<vmem>> -> memref<128xi32, #tpu.memory_space<vmem>>
        %dma_start3A_220 = arith.constant 0 : i32
        %dma_start3A_221 = arith.constant 0 : i32
        %dma_start3A_222 = tpu.memref_slice %arg2[%arg0, %dma_start3A_220, %dma_start3A_221] : memref<2x10240x64xf32, #tpu.memory_space<hbm>> -> memref<1x10240x64xf32, #tpu.memory_space<hbm>>
        %dma_start3A_223 = tpu.memref_squeeze %dma_start3A_222 : memref<1x10240x64xf32, #tpu.memory_space<hbm>> -> memref<10240x64xf32, #tpu.memory_space<hbm>>
        %dma_start3A_224 = arith.constant 0 : i32
        %dma_start3A_225 = arith.constant 0 : i32
        %dma_start3A_226 = tpu.memref_slice %dma_start3A_223[%dma_start3A_224, %dma_start3A_225] : memref<10240x64xf32, #tpu.memory_space<hbm>> -> memref<10240x64xf32, #tpu.memory_space<hbm>>
        tpu.enqueue_indirect_dma source(%dma_start3A_226 : memref<10240x64xf32, #tpu.memory_space<hbm>>) target(%arg12 : memref<128x64xf32, #tpu.memory_space<vmem>>) offsets(%dma_start3A_219 : memref<128xi32, #tpu.memory_space<vmem>>) semaphore(%arg18 : memref<!tpu.dma_semaphore, #tpu.memory_space<semaphore_mem>>)
      } else {
      }
    }
    %scan3A_58 = arith.constant 32 : i32
    %barrier3A_59 = arith.constant 0 : index
    tpu.barrier barrier_id(%barrier3A_59)
    "tpu.region"() ({
      %run_scoped3A = tpu.sem_alloc : memref<!tpu.dma_semaphore, #tpu.memory_space<semaphore_mem>>
      %dma_start3A_60 = arith.constant 0 : i32
      %dma_start3A_61 = tpu.memref_slice %arg5[%arg0, %mul3A_0, %dma_start3A_60] : memref<2x10240x64xf32, #tpu.memory_space<hbm>> -> memref<1x640x64xf32, #tpu.memory_space<hbm>>
      %dma_start3A_62 = tpu.memref_squeeze %dma_start3A_61 : memref<1x640x64xf32, #tpu.memory_space<hbm>> -> memref<640x64xf32, #tpu.memory_space<hbm>>
      %dma_start3A_63 = arith.constant 0 : i32
      %dma_start3A_64 = tpu.memref_slice %arg13[%mul3A_0, %dma_start3A_63] : memref<10240x64xf32, #tpu.memory_space<vmem_shared>> -> memref<640x64xf32, #tpu.memory_space<vmem_shared>>
      tpu.enqueue_dma source(%dma_start3A_64 : memref<640x64xf32, #tpu.memory_space<vmem_shared>>) target(%dma_start3A_62 : memref<640x64xf32, #tpu.memory_space<hbm>>) target_semaphore(%run_scoped3A : memref<!tpu.dma_semaphore, #tpu.memory_space<semaphore_mem>>)
      %dma_wait3A = arith.constant 0 : i32
      %dma_wait3A_65 = tpu.memref_slice %arg5[%arg0, %mul3A_0, %dma_wait3A] : memref<2x10240x64xf32, #tpu.memory_space<hbm>> -> memref<1x640x64xf32, #tpu.memory_space<hbm>>
      %dma_wait3A_66 = tpu.memref_squeeze %dma_wait3A_65 : memref<1x640x64xf32, #tpu.memory_space<hbm>> -> memref<640x64xf32, #tpu.memory_space<hbm>>
      %dma_wait3A_67 = arith.constant 0 : i32
      %dma_wait3A_68 = tpu.memref_slice %arg13[%mul3A_0, %dma_wait3A_67] : memref<10240x64xf32, #tpu.memory_space<vmem_shared>> -> memref<640x64xf32, #tpu.memory_space<vmem_shared>>
      tpu.wait_dma2 semaphore(%run_scoped3A : memref<!tpu.dma_semaphore, #tpu.memory_space<semaphore_mem>>) src(%dma_wait3A_68 : memref<640x64xf32, #tpu.memory_space<vmem_shared>>) dst(%dma_wait3A_66 : memref<640x64xf32, #tpu.memory_space<hbm>>)
      tpu.yield
    }) : () -> ()
    return
  }
}

#map = affine_map<(d0, d1) -> (0, 0, 0)>
module attributes {stable_mosaic.version = 14 : i64} {
  func.func @_sc_aggregate(%arg0: i32, %arg1: i32, %arg2: memref<2x10240x64xf32, #tpu.memory_space<hbm>>, %arg3: memref<16x160x128xi32, #tpu.memory_space<hbm>>, %arg4: memref<16x160x128xi32, #tpu.memory_space<hbm>>, %arg5: memref<2x10240x64xf32, #tpu.memory_space<hbm>>, %arg6: memref<160x128xi32, #tpu.memory_space<vmem>>, %arg7: memref<160x128xi32, #tpu.memory_space<vmem>>, %arg8: memref<128x64xf32, #tpu.memory_space<vmem>>, %arg9: memref<128x64xf32, #tpu.memory_space<vmem>>, %arg10: memref<128x64xf32, #tpu.memory_space<vmem>>, %arg11: memref<128x64xf32, #tpu.memory_space<vmem>>, %arg12: memref<128x64xf32, #tpu.memory_space<vmem>>, %arg13: memref<10240x64xf32, #tpu.memory_space<vmem_shared>>, %arg14: memref<!tpu.dma_semaphore, #tpu.memory_space<semaphore_mem>>, %arg15: memref<!tpu.dma_semaphore, #tpu.memory_space<semaphore_mem>>, %arg16: memref<!tpu.dma_semaphore, #tpu.memory_space<semaphore_mem>>, %arg17: memref<!tpu.dma_semaphore, #tpu.memory_space<semaphore_mem>>, %arg18: memref<!tpu.dma_semaphore, #tpu.memory_space<semaphore_mem>>, %arg19: memref<!tpu.dma_semaphore, #tpu.memory_space<semaphore_mem>>, %arg20: memref<!tpu.dma_semaphore, #tpu.memory_space<semaphore_mem>>, %arg21: memref<!tpu.dma_semaphore, #tpu.memory_space<semaphore_mem>>, %arg22: memref<!tpu.dma_semaphore, #tpu.memory_space<semaphore_mem>>, %arg23: memref<!tpu.dma_semaphore, #tpu.memory_space<semaphore_mem>>) attributes {dimension_semantics = [#tpu.dimension_semantics<core_parallel>, #tpu.dimension_semantics<subcore_parallel>], iteration_bounds = array<i64: 2, 16>, scalar_prefetch = 0 : i64, scratch_operands = 18 : i64, tpu.core_type = #tpu.core_type<sc_vector_subcore>, window_params = [{transform_indices = #map}, {transform_indices = #map}, {transform_indices = #map}, {transform_indices = #map}]} {
    %mul3A = arith.constant 640 : i32
    %mul3A_0 = arith.muli %arg1, %mul3A : i32
    "tpu.region"() ({
      %run_scoped3A = tpu.sem_alloc : memref<!tpu.dma_semaphore, #tpu.memory_space<semaphore_mem>>
      %dma_start3A_60 = arith.constant 0 : i32
      %dma_start3A_61 = arith.constant 0 : i32
      %dma_start3A_62 = tpu.memref_slice %arg3[%arg1, %dma_start3A_60, %dma_start3A_61] : memref<16x160x128xi32, #tpu.memory_space<hbm>> -> memref<1x160x128xi32, #tpu.memory_space<hbm>>
      %dma_start3A_63 = tpu.memref_squeeze %dma_start3A_62 : memref<1x160x128xi32, #tpu.memory_space<hbm>> -> memref<160x128xi32, #tpu.memory_space<hbm>>
      %dma_start3A_64 = arith.constant 0 : i32
      %dma_start3A_65 = arith.constant 0 : i32
      %dma_start3A_66 = tpu.memref_slice %arg3[%arg1, %dma_start3A_64, %dma_start3A_65] : memref<16x160x128xi32, #tpu.memory_space<hbm>> -> memref<1x160x128xi32, #tpu.memory_space<hbm>>
      %dma_start3A_67 = tpu.memref_squeeze %dma_start3A_66 : memref<1x160x128xi32, #tpu.memory_space<hbm>> -> memref<160x128xi32, #tpu.memory_space<hbm>>
      tpu.enqueue_dma source(%dma_start3A_67 : memref<160x128xi32, #tpu.memory_space<hbm>>) target(%arg6 : memref<160x128xi32, #tpu.memory_space<vmem>>) target_semaphore(%run_scoped3A : memref<!tpu.dma_semaphore, #tpu.memory_space<semaphore_mem>>)
      %dma_wait3A = arith.constant 0 : i32
      %dma_wait3A_68 = arith.constant 0 : i32
      %dma_wait3A_69 = tpu.memref_slice %arg3[%arg1, %dma_wait3A, %dma_wait3A_68] : memref<16x160x128xi32, #tpu.memory_space<hbm>> -> memref<1x160x128xi32, #tpu.memory_space<hbm>>
      %dma_wait3A_70 = tpu.memref_squeeze %dma_wait3A_69 : memref<1x160x128xi32, #tpu.memory_space<hbm>> -> memref<160x128xi32, #tpu.memory_space<hbm>>
      %dma_wait3A_71 = arith.constant 0 : i32
      %dma_wait3A_72 = arith.constant 0 : i32
      %dma_wait3A_73 = tpu.memref_slice %arg3[%arg1, %dma_wait3A_71, %dma_wait3A_72] : memref<16x160x128xi32, #tpu.memory_space<hbm>> -> memref<1x160x128xi32, #tpu.memory_space<hbm>>
      %dma_wait3A_74 = tpu.memref_squeeze %dma_wait3A_73 : memref<1x160x128xi32, #tpu.memory_space<hbm>> -> memref<160x128xi32, #tpu.memory_space<hbm>>
      tpu.wait_dma2 semaphore(%run_scoped3A : memref<!tpu.dma_semaphore, #tpu.memory_space<semaphore_mem>>) src(%dma_wait3A_74 : memref<160x128xi32, #tpu.memory_space<hbm>>) dst(%arg6 : memref<160x128xi32, #tpu.memory_space<vmem>>)
      tpu.yield
    }) : () -> ()
    "tpu.region"() ({
      %run_scoped3A = tpu.sem_alloc : memref<!tpu.dma_semaphore, #tpu.memory_space<semaphore_mem>>
      %dma_start3A_60 = arith.constant 0 : i32
      %dma_start3A_61 = arith.constant 0 : i32
      %dma_start3A_62 = tpu.memref_slice %arg4[%arg1, %dma_start3A_60, %dma_start3A_61] : memref<16x160x128xi32, #tpu.memory_space<hbm>> -> memref<1x160x128xi32, #tpu.memory_space<hbm>>
      %dma_start3A_63 = tpu.memref_squeeze %dma_start3A_62 : memref<1x160x128xi32, #tpu.memory_space<hbm>> -> memref<160x128xi32, #tpu.memory_space<hbm>>
      %dma_start3A_64 = arith.constant 0 : i32
      %dma_start3A_65 = arith.constant 0 : i32
      %dma_start3A_66 = tpu.memref_slice %arg4[%arg1, %dma_start3A_64, %dma_start3A_65] : memref<16x160x128xi32, #tpu.memory_space<hbm>> -> memref<1x160x128xi32, #tpu.memory_space<hbm>>
      %dma_start3A_67 = tpu.memref_squeeze %dma_start3A_66 : memref<1x160x128xi32, #tpu.memory_space<hbm>> -> memref<160x128xi32, #tpu.memory_space<hbm>>
      tpu.enqueue_dma source(%dma_start3A_67 : memref<160x128xi32, #tpu.memory_space<hbm>>) target(%arg7 : memref<160x128xi32, #tpu.memory_space<vmem>>) target_semaphore(%run_scoped3A : memref<!tpu.dma_semaphore, #tpu.memory_space<semaphore_mem>>)
      %dma_wait3A = arith.constant 0 : i32
      %dma_wait3A_68 = arith.constant 0 : i32
      %dma_wait3A_69 = tpu.memref_slice %arg4[%arg1, %dma_wait3A, %dma_wait3A_68] : memref<16x160x128xi32, #tpu.memory_space<hbm>> -> memref<1x160x128xi32, #tpu.memory_space<hbm>>
      %dma_wait3A_70 = tpu.memref_squeeze %dma_wait3A_69 : memref<1x160x128xi32, #tpu.memory_space<hbm>> -> memref<160x128xi32, #tpu.memory_space<hbm>>
      %dma_wait3A_71 = arith.constant 0 : i32
      %dma_wait3A_72 = arith.constant 0 : i32
      %dma_wait3A_73 = tpu.memref_slice %arg4[%arg1, %dma_wait3A_71, %dma_wait3A_72] : memref<16x160x128xi32, #tpu.memory_space<hbm>> -> memref<1x160x128xi32, #tpu.memory_space<hbm>>
      %dma_wait3A_74 = tpu.memref_squeeze %dma_wait3A_73 : memref<1x160x128xi32, #tpu.memory_space<hbm>> -> memref<160x128xi32, #tpu.memory_space<hbm>>
      tpu.wait_dma2 semaphore(%run_scoped3A : memref<!tpu.dma_semaphore, #tpu.memory_space<semaphore_mem>>) src(%dma_wait3A_74 : memref<160x128xi32, #tpu.memory_space<hbm>>) dst(%arg7 : memref<160x128xi32, #tpu.memory_space<vmem>>)
      tpu.yield
    }) : () -> ()
    "tpu.region"() ({
      %run_scoped3A = tpu.sem_alloc : memref<!tpu.dma_semaphore, #tpu.memory_space<semaphore_mem>>
      %dma_start3A_60 = arith.constant 0 : i32
      %dma_start3A_61 = tpu.memref_slice %arg13[%mul3A_0, %dma_start3A_60] : memref<10240x64xf32, #tpu.memory_space<vmem_shared>> -> memref<640x64xf32, #tpu.memory_space<vmem_shared>>
      %dma_start3A_62 = arith.constant 0 : i32
      %dma_start3A_63 = arith.constant 0 : i32
      %dma_start3A_64 = tpu.memref_slice %arg2[%arg0, %dma_start3A_62, %dma_start3A_63] : memref<2x10240x64xf32, #tpu.memory_space<hbm>> -> memref<1x10240x64xf32, #tpu.memory_space<hbm>>
      %dma_start3A_65 = tpu.memref_squeeze %dma_start3A_64 : memref<1x10240x64xf32, #tpu.memory_space<hbm>> -> memref<10240x64xf32, #tpu.memory_space<hbm>>
      %dma_start3A_66 = arith.constant 0 : i32
      %dma_start3A_67 = tpu.memref_slice %dma_start3A_65[%mul3A_0, %dma_start3A_66] : memref<10240x64xf32, #tpu.memory_space<hbm>> -> memref<640x64xf32, #tpu.memory_space<hbm>>
      tpu.enqueue_dma source(%dma_start3A_67 : memref<640x64xf32, #tpu.memory_space<hbm>>) target(%dma_start3A_61 : memref<640x64xf32, #tpu.memory_space<vmem_shared>>) target_semaphore(%run_scoped3A : memref<!tpu.dma_semaphore, #tpu.memory_space<semaphore_mem>>)
      %dma_wait3A = arith.constant 0 : i32
      %dma_wait3A_68 = tpu.memref_slice %arg13[%mul3A_0, %dma_wait3A] : memref<10240x64xf32, #tpu.memory_space<vmem_shared>> -> memref<640x64xf32, #tpu.memory_space<vmem_shared>>
      %dma_wait3A_69 = arith.constant 0 : i32
      %dma_wait3A_70 = arith.constant 0 : i32
      %dma_wait3A_71 = tpu.memref_slice %arg2[%arg0, %dma_wait3A_69, %dma_wait3A_70] : memref<2x10240x64xf32, #tpu.memory_space<hbm>> -> memref<1x10240x64xf32, #tpu.memory_space<hbm>>
      %dma_wait3A_72 = tpu.memref_squeeze %dma_wait3A_71 : memref<1x10240x64xf32, #tpu.memory_space<hbm>> -> memref<10240x64xf32, #tpu.memory_space<hbm>>
      %dma_wait3A_73 = arith.constant 0 : i32
      %dma_wait3A_74 = tpu.memref_slice %dma_wait3A_72[%mul3A_0, %dma_wait3A_73] : memref<10240x64xf32, #tpu.memory_space<hbm>> -> memref<640x64xf32, #tpu.memory_space<hbm>>
      tpu.wait_dma2 semaphore(%run_scoped3A : memref<!tpu.dma_semaphore, #tpu.memory_space<semaphore_mem>>) src(%dma_wait3A_74 : memref<640x64xf32, #tpu.memory_space<hbm>>) dst(%dma_wait3A_68 : memref<640x64xf32, #tpu.memory_space<vmem_shared>>)
      tpu.yield
    }) : () -> ()
    %barrier3A = arith.constant 0 : index
    tpu.barrier barrier_id(%barrier3A)
    %dma_start3A = arith.constant 0 : i32
    %dma_start3A_1 = arith.constant 0 : i32
    %dma_start3A_2 = tpu.memref_slice %arg6[%dma_start3A, %dma_start3A_1] : memref<160x128xi32, #tpu.memory_space<vmem>> -> memref<1x128xi32, #tpu.memory_space<vmem>>
    %dma_start3A_3 = tpu.memref_squeeze %dma_start3A_2 : memref<1x128xi32, #tpu.memory_space<vmem>> -> memref<128xi32, #tpu.memory_space<vmem>>
    %dma_start3A_4 = arith.constant 0 : i32
    %dma_start3A_5 = arith.constant 0 : i32
    %dma_start3A_6 = tpu.memref_slice %arg2[%arg0, %dma_start3A_4, %dma_start3A_5] : memref<2x10240x64xf32, #tpu.memory_space<hbm>> -> memref<1x10240x64xf32, #tpu.memory_space<hbm>>
    %dma_start3A_7 = tpu.memref_squeeze %dma_start3A_6 : memref<1x10240x64xf32, #tpu.memory_space<hbm>> -> memref<10240x64xf32, #tpu.memory_space<hbm>>
    %dma_start3A_8 = arith.constant 0 : i32
    %dma_start3A_9 = arith.constant 0 : i32
    %dma_start3A_10 = tpu.memref_slice %dma_start3A_7[%dma_start3A_8, %dma_start3A_9] : memref<10240x64xf32, #tpu.memory_space<hbm>> -> memref<10240x64xf32, #tpu.memory_space<hbm>>
    tpu.enqueue_indirect_dma source(%dma_start3A_10 : memref<10240x64xf32, #tpu.memory_space<hbm>>) target(%arg8 : memref<128x64xf32, #tpu.memory_space<vmem>>) offsets(%dma_start3A_3 : memref<128xi32, #tpu.memory_space<vmem>>) semaphore(%arg14 : memref<!tpu.dma_semaphore, #tpu.memory_space<semaphore_mem>>)
    %dma_start3A_11 = arith.constant 1 : i32
    %dma_start3A_12 = arith.constant 0 : i32
    %dma_start3A_13 = tpu.memref_slice %arg6[%dma_start3A_11, %dma_start3A_12] : memref<160x128xi32, #tpu.memory_space<vmem>> -> memref<1x128xi32, #tpu.memory_space<vmem>>
    %dma_start3A_14 = tpu.memref_squeeze %dma_start3A_13 : memref<1x128xi32, #tpu.memory_space<vmem>> -> memref<128xi32, #tpu.memory_space<vmem>>
    %dma_start3A_15 = arith.constant 0 : i32
    %dma_start3A_16 = arith.constant 0 : i32
    %dma_start3A_17 = tpu.memref_slice %arg2[%arg0, %dma_start3A_15, %dma_start3A_16] : memref<2x10240x64xf32, #tpu.memory_space<hbm>> -> memref<1x10240x64xf32, #tpu.memory_space<hbm>>
    %dma_start3A_18 = tpu.memref_squeeze %dma_start3A_17 : memref<1x10240x64xf32, #tpu.memory_space<hbm>> -> memref<10240x64xf32, #tpu.memory_space<hbm>>
    %dma_start3A_19 = arith.constant 0 : i32
    %dma_start3A_20 = arith.constant 0 : i32
    %dma_start3A_21 = tpu.memref_slice %dma_start3A_18[%dma_start3A_19, %dma_start3A_20] : memref<10240x64xf32, #tpu.memory_space<hbm>> -> memref<10240x64xf32, #tpu.memory_space<hbm>>
    tpu.enqueue_indirect_dma source(%dma_start3A_21 : memref<10240x64xf32, #tpu.memory_space<hbm>>) target(%arg9 : memref<128x64xf32, #tpu.memory_space<vmem>>) offsets(%dma_start3A_14 : memref<128xi32, #tpu.memory_space<vmem>>) semaphore(%arg15 : memref<!tpu.dma_semaphore, #tpu.memory_space<semaphore_mem>>)
    %dma_start3A_22 = arith.constant 2 : i32
    %dma_start3A_23 = arith.constant 0 : i32
    %dma_start3A_24 = tpu.memref_slice %arg6[%dma_start3A_22, %dma_start3A_23] : memref<160x128xi32, #tpu.memory_space<vmem>> -> memref<1x128xi32, #tpu.memory_space<vmem>>
    %dma_start3A_25 = tpu.memref_squeeze %dma_start3A_24 : memref<1x128xi32, #tpu.memory_space<vmem>> -> memref<128xi32, #tpu.memory_space<vmem>>
    %dma_start3A_26 = arith.constant 0 : i32
    %dma_start3A_27 = arith.constant 0 : i32
    %dma_start3A_28 = tpu.memref_slice %arg2[%arg0, %dma_start3A_26, %dma_start3A_27] : memref<2x10240x64xf32, #tpu.memory_space<hbm>> -> memref<1x10240x64xf32, #tpu.memory_space<hbm>>
    %dma_start3A_29 = tpu.memref_squeeze %dma_start3A_28 : memref<1x10240x64xf32, #tpu.memory_space<hbm>> -> memref<10240x64xf32, #tpu.memory_space<hbm>>
    %dma_start3A_30 = arith.constant 0 : i32
    %dma_start3A_31 = arith.constant 0 : i32
    %dma_start3A_32 = tpu.memref_slice %dma_start3A_29[%dma_start3A_30, %dma_start3A_31] : memref<10240x64xf32, #tpu.memory_space<hbm>> -> memref<10240x64xf32, #tpu.memory_space<hbm>>
    tpu.enqueue_indirect_dma source(%dma_start3A_32 : memref<10240x64xf32, #tpu.memory_space<hbm>>) target(%arg10 : memref<128x64xf32, #tpu.memory_space<vmem>>) offsets(%dma_start3A_25 : memref<128xi32, #tpu.memory_space<vmem>>) semaphore(%arg16 : memref<!tpu.dma_semaphore, #tpu.memory_space<semaphore_mem>>)
    %dma_start3A_33 = arith.constant 3 : i32
    %dma_start3A_34 = arith.constant 0 : i32
    %dma_start3A_35 = tpu.memref_slice %arg6[%dma_start3A_33, %dma_start3A_34] : memref<160x128xi32, #tpu.memory_space<vmem>> -> memref<1x128xi32, #tpu.memory_space<vmem>>
    %dma_start3A_36 = tpu.memref_squeeze %dma_start3A_35 : memref<1x128xi32, #tpu.memory_space<vmem>> -> memref<128xi32, #tpu.memory_space<vmem>>
    %dma_start3A_37 = arith.constant 0 : i32
    %dma_start3A_38 = arith.constant 0 : i32
    %dma_start3A_39 = tpu.memref_slice %arg2[%arg0, %dma_start3A_37, %dma_start3A_38] : memref<2x10240x64xf32, #tpu.memory_space<hbm>> -> memref<1x10240x64xf32, #tpu.memory_space<hbm>>
    %dma_start3A_40 = tpu.memref_squeeze %dma_start3A_39 : memref<1x10240x64xf32, #tpu.memory_space<hbm>> -> memref<10240x64xf32, #tpu.memory_space<hbm>>
    %dma_start3A_41 = arith.constant 0 : i32
    %dma_start3A_42 = arith.constant 0 : i32
    %dma_start3A_43 = tpu.memref_slice %dma_start3A_40[%dma_start3A_41, %dma_start3A_42] : memref<10240x64xf32, #tpu.memory_space<hbm>> -> memref<10240x64xf32, #tpu.memory_space<hbm>>
    tpu.enqueue_indirect_dma source(%dma_start3A_43 : memref<10240x64xf32, #tpu.memory_space<hbm>>) target(%arg11 : memref<128x64xf32, #tpu.memory_space<vmem>>) offsets(%dma_start3A_36 : memref<128xi32, #tpu.memory_space<vmem>>) semaphore(%arg17 : memref<!tpu.dma_semaphore, #tpu.memory_space<semaphore_mem>>)
    %dma_start3A_44 = arith.constant 4 : i32
    %dma_start3A_45 = arith.constant 0 : i32
    %dma_start3A_46 = tpu.memref_slice %arg6[%dma_start3A_44, %dma_start3A_45] : memref<160x128xi32, #tpu.memory_space<vmem>> -> memref<1x128xi32, #tpu.memory_space<vmem>>
    %dma_start3A_47 = tpu.memref_squeeze %dma_start3A_46 : memref<1x128xi32, #tpu.memory_space<vmem>> -> memref<128xi32, #tpu.memory_space<vmem>>
    %dma_start3A_48 = arith.constant 0 : i32
    %dma_start3A_49 = arith.constant 0 : i32
    %dma_start3A_50 = tpu.memref_slice %arg2[%arg0, %dma_start3A_48, %dma_start3A_49] : memref<2x10240x64xf32, #tpu.memory_space<hbm>> -> memref<1x10240x64xf32, #tpu.memory_space<hbm>>
    %dma_start3A_51 = tpu.memref_squeeze %dma_start3A_50 : memref<1x10240x64xf32, #tpu.memory_space<hbm>> -> memref<10240x64xf32, #tpu.memory_space<hbm>>
    %dma_start3A_52 = arith.constant 0 : i32
    %dma_start3A_53 = arith.constant 0 : i32
    %dma_start3A_54 = tpu.memref_slice %dma_start3A_51[%dma_start3A_52, %dma_start3A_53] : memref<10240x64xf32, #tpu.memory_space<hbm>> -> memref<10240x64xf32, #tpu.memory_space<hbm>>
    tpu.enqueue_indirect_dma source(%dma_start3A_54 : memref<10240x64xf32, #tpu.memory_space<hbm>>) target(%arg12 : memref<128x64xf32, #tpu.memory_space<vmem>>) offsets(%dma_start3A_47 : memref<128xi32, #tpu.memory_space<vmem>>) semaphore(%arg18 : memref<!tpu.dma_semaphore, #tpu.memory_space<semaphore_mem>>)
    %scan3A = arith.constant 0 : i32
    %scan3A_55 = arith.constant 32 : i32
    %scan3A_56 = arith.addi %scan3A, %scan3A_55 : i32
    %scan3A_57 = arith.constant 1 : i32
    scf.for %scan3A_60 = %scan3A to %scan3A_56 step %scan3A_57  : i32 {
      %mul3A_61 = arith.constant 5 : i32
      %mul3A_62 = arith.muli %scan3A_60, %mul3A_61 : i32
      %add3A = arith.constant 0 : i32
      %add3A_63 = arith.addi %add3A, %mul3A_62 : i32
      %add3A_64 = arith.constant 0 : i32
      %add3A_65 = arith.addi %add3A_63, %add3A_64 : i32
      %dma_wait3A = arith.constant 0 : i32
      %dma_wait3A_66 = tpu.memref_slice %arg6[%add3A_65, %dma_wait3A] : memref<160x128xi32, #tpu.memory_space<vmem>> -> memref<1x128xi32, #tpu.memory_space<vmem>>
      %dma_wait3A_67 = tpu.memref_squeeze %dma_wait3A_66 : memref<1x128xi32, #tpu.memory_space<vmem>> -> memref<128xi32, #tpu.memory_space<vmem>>
      %dma_wait3A_68 = arith.constant 0 : i32
      %dma_wait3A_69 = arith.constant 0 : i32
      %dma_wait3A_70 = tpu.memref_slice %arg2[%arg0, %dma_wait3A_68, %dma_wait3A_69] : memref<2x10240x64xf32, #tpu.memory_space<hbm>> -> memref<1x10240x64xf32, #tpu.memory_space<hbm>>
      %dma_wait3A_71 = tpu.memref_squeeze %dma_wait3A_70 : memref<1x10240x64xf32, #tpu.memory_space<hbm>> -> memref<10240x64xf32, #tpu.memory_space<hbm>>
      %dma_wait3A_72 = arith.constant 0 : i32
      %dma_wait3A_73 = arith.constant 0 : i32
      %dma_wait3A_74 = tpu.memref_slice %dma_wait3A_71[%dma_wait3A_72, %dma_wait3A_73] : memref<10240x64xf32, #tpu.memory_space<hbm>> -> memref<10240x64xf32, #tpu.memory_space<hbm>>
      tpu.wait_indirect_dma semaphore(%arg14 : memref<!tpu.dma_semaphore, #tpu.memory_space<semaphore_mem>>) src(%dma_wait3A_74 : memref<10240x64xf32, #tpu.memory_space<hbm>>) dst(%arg8 : memref<128x64xf32, #tpu.memory_space<vmem>>)
      %dma_start3A_75 = arith.constant 0 : i32
      %dma_start3A_76 = tpu.memref_slice %arg7[%add3A_65, %dma_start3A_75] : memref<160x128xi32, #tpu.memory_space<vmem>> -> memref<1x128xi32, #tpu.memory_space<vmem>>
      %dma_start3A_77 = tpu.memref_squeeze %dma_start3A_76 : memref<1x128xi32, #tpu.memory_space<vmem>> -> memref<128xi32, #tpu.memory_space<vmem>>
      %dma_start3A_78 = arith.constant 0 : i32
      %dma_start3A_79 = arith.constant 0 : i32
      %dma_start3A_80 = tpu.memref_slice %arg13[%dma_start3A_78, %dma_start3A_79] : memref<10240x64xf32, #tpu.memory_space<vmem_shared>> -> memref<10240x64xf32, #tpu.memory_space<vmem_shared>>
      tpu.enqueue_indirect_dma source(%arg8 : memref<128x64xf32, #tpu.memory_space<vmem>>) target(%dma_start3A_80 : memref<10240x64xf32, #tpu.memory_space<vmem_shared>>) offsets(%dma_start3A_77 : memref<128xi32, #tpu.memory_space<vmem>>) semaphore(%arg19 : memref<!tpu.dma_semaphore, #tpu.memory_space<semaphore_mem>>) {add = true}
      %dma_wait3A_81 = arith.constant 0 : i32
      %dma_wait3A_82 = tpu.memref_slice %arg7[%add3A_65, %dma_wait3A_81] : memref<160x128xi32, #tpu.memory_space<vmem>> -> memref<1x128xi32, #tpu.memory_space<vmem>>
      %dma_wait3A_83 = tpu.memref_squeeze %dma_wait3A_82 : memref<1x128xi32, #tpu.memory_space<vmem>> -> memref<128xi32, #tpu.memory_space<vmem>>
      %dma_wait3A_84 = arith.constant 0 : i32
      %dma_wait3A_85 = arith.constant 0 : i32
      %dma_wait3A_86 = tpu.memref_slice %arg13[%dma_wait3A_84, %dma_wait3A_85] : memref<10240x64xf32, #tpu.memory_space<vmem_shared>> -> memref<10240x64xf32, #tpu.memory_space<vmem_shared>>
      tpu.wait_indirect_dma semaphore(%arg19 : memref<!tpu.dma_semaphore, #tpu.memory_space<semaphore_mem>>) src(%arg8 : memref<128x64xf32, #tpu.memory_space<vmem>>) dst(%dma_wait3A_86 : memref<10240x64xf32, #tpu.memory_space<vmem_shared>>)
      %add3A_87 = arith.constant 5 : i32
      %add3A_88 = arith.addi %add3A_65, %add3A_87 : i32
      %lt3A = arith.constant 160 : i32
      %lt3A_89 = arith.cmpi slt, %add3A_88, %lt3A : i32
      %convert_element_type3A = arith.extui %lt3A_89 : i1 to i32
      %cond3A = arith.constant 0 : i32
      %cond3A_90 = arith.cmpi ne, %convert_element_type3A, %cond3A : i32
      scf.if %cond3A_90 {
        %add3A_215 = arith.constant 5 : i32
        %add3A_216 = arith.addi %add3A_65, %add3A_215 : i32
        %dma_start3A_217 = arith.constant 0 : i32
        %dma_start3A_218 = tpu.memref_slice %arg6[%add3A_216, %dma_start3A_217] : memref<160x128xi32, #tpu.memory_space<vmem>> -> memref<1x128xi32, #tpu.memory_space<vmem>>
        %dma_start3A_219 = tpu.memref_squeeze %dma_start3A_218 : memref<1x128xi32, #tpu.memory_space<vmem>> -> memref<128xi32, #tpu.memory_space<vmem>>
        %dma_start3A_220 = arith.constant 0 : i32
        %dma_start3A_221 = arith.constant 0 : i32
        %dma_start3A_222 = tpu.memref_slice %arg2[%arg0, %dma_start3A_220, %dma_start3A_221] : memref<2x10240x64xf32, #tpu.memory_space<hbm>> -> memref<1x10240x64xf32, #tpu.memory_space<hbm>>
        %dma_start3A_223 = tpu.memref_squeeze %dma_start3A_222 : memref<1x10240x64xf32, #tpu.memory_space<hbm>> -> memref<10240x64xf32, #tpu.memory_space<hbm>>
        %dma_start3A_224 = arith.constant 0 : i32
        %dma_start3A_225 = arith.constant 0 : i32
        %dma_start3A_226 = tpu.memref_slice %dma_start3A_223[%dma_start3A_224, %dma_start3A_225] : memref<10240x64xf32, #tpu.memory_space<hbm>> -> memref<10240x64xf32, #tpu.memory_space<hbm>>
        tpu.enqueue_indirect_dma source(%dma_start3A_226 : memref<10240x64xf32, #tpu.memory_space<hbm>>) target(%arg8 : memref<128x64xf32, #tpu.memory_space<vmem>>) offsets(%dma_start3A_219 : memref<128xi32, #tpu.memory_space<vmem>>) semaphore(%arg14 : memref<!tpu.dma_semaphore, #tpu.memory_space<semaphore_mem>>)
      } else {
      }
      %add3A_91 = arith.constant 1 : i32
      %add3A_92 = arith.addi %add3A_63, %add3A_91 : i32
      %dma_wait3A_93 = arith.constant 0 : i32
      %dma_wait3A_94 = tpu.memref_slice %arg6[%add3A_92, %dma_wait3A_93] : memref<160x128xi32, #tpu.memory_space<vmem>> -> memref<1x128xi32, #tpu.memory_space<vmem>>
      %dma_wait3A_95 = tpu.memref_squeeze %dma_wait3A_94 : memref<1x128xi32, #tpu.memory_space<vmem>> -> memref<128xi32, #tpu.memory_space<vmem>>
      %dma_wait3A_96 = arith.constant 0 : i32
      %dma_wait3A_97 = arith.constant 0 : i32
      %dma_wait3A_98 = tpu.memref_slice %arg2[%arg0, %dma_wait3A_96, %dma_wait3A_97] : memref<2x10240x64xf32, #tpu.memory_space<hbm>> -> memref<1x10240x64xf32, #tpu.memory_space<hbm>>
      %dma_wait3A_99 = tpu.memref_squeeze %dma_wait3A_98 : memref<1x10240x64xf32, #tpu.memory_space<hbm>> -> memref<10240x64xf32, #tpu.memory_space<hbm>>
      %dma_wait3A_100 = arith.constant 0 : i32
      %dma_wait3A_101 = arith.constant 0 : i32
      %dma_wait3A_102 = tpu.memref_slice %dma_wait3A_99[%dma_wait3A_100, %dma_wait3A_101] : memref<10240x64xf32, #tpu.memory_space<hbm>> -> memref<10240x64xf32, #tpu.memory_space<hbm>>
      tpu.wait_indirect_dma semaphore(%arg15 : memref<!tpu.dma_semaphore, #tpu.memory_space<semaphore_mem>>) src(%dma_wait3A_102 : memref<10240x64xf32, #tpu.memory_space<hbm>>) dst(%arg9 : memref<128x64xf32, #tpu.memory_space<vmem>>)
      %dma_start3A_103 = arith.constant 0 : i32
      %dma_start3A_104 = tpu.memref_slice %arg7[%add3A_92, %dma_start3A_103] : memref<160x128xi32, #tpu.memory_space<vmem>> -> memref<1x128xi32, #tpu.memory_space<vmem>>
      %dma_start3A_105 = tpu.memref_squeeze %dma_start3A_104 : memref<1x128xi32, #tpu.memory_space<vmem>> -> memref<128xi32, #tpu.memory_space<vmem>>
      %dma_start3A_106 = arith.constant 0 : i32
      %dma_start3A_107 = arith.constant 0 : i32
      %dma_start3A_108 = tpu.memref_slice %arg13[%dma_start3A_106, %dma_start3A_107] : memref<10240x64xf32, #tpu.memory_space<vmem_shared>> -> memref<10240x64xf32, #tpu.memory_space<vmem_shared>>
      tpu.enqueue_indirect_dma source(%arg9 : memref<128x64xf32, #tpu.memory_space<vmem>>) target(%dma_start3A_108 : memref<10240x64xf32, #tpu.memory_space<vmem_shared>>) offsets(%dma_start3A_105 : memref<128xi32, #tpu.memory_space<vmem>>) semaphore(%arg20 : memref<!tpu.dma_semaphore, #tpu.memory_space<semaphore_mem>>) {add = true}
      %dma_wait3A_109 = arith.constant 0 : i32
      %dma_wait3A_110 = tpu.memref_slice %arg7[%add3A_92, %dma_wait3A_109] : memref<160x128xi32, #tpu.memory_space<vmem>> -> memref<1x128xi32, #tpu.memory_space<vmem>>
      %dma_wait3A_111 = tpu.memref_squeeze %dma_wait3A_110 : memref<1x128xi32, #tpu.memory_space<vmem>> -> memref<128xi32, #tpu.memory_space<vmem>>
      %dma_wait3A_112 = arith.constant 0 : i32
      %dma_wait3A_113 = arith.constant 0 : i32
      %dma_wait3A_114 = tpu.memref_slice %arg13[%dma_wait3A_112, %dma_wait3A_113] : memref<10240x64xf32, #tpu.memory_space<vmem_shared>> -> memref<10240x64xf32, #tpu.memory_space<vmem_shared>>
      tpu.wait_indirect_dma semaphore(%arg20 : memref<!tpu.dma_semaphore, #tpu.memory_space<semaphore_mem>>) src(%arg9 : memref<128x64xf32, #tpu.memory_space<vmem>>) dst(%dma_wait3A_114 : memref<10240x64xf32, #tpu.memory_space<vmem_shared>>)
      %add3A_115 = arith.constant 5 : i32
      %add3A_116 = arith.addi %add3A_92, %add3A_115 : i32
      %lt3A_117 = arith.constant 160 : i32
      %lt3A_118 = arith.cmpi slt, %add3A_116, %lt3A_117 : i32
      %convert_element_type3A_119 = arith.extui %lt3A_118 : i1 to i32
      %cond3A_120 = arith.constant 0 : i32
      %cond3A_121 = arith.cmpi ne, %convert_element_type3A_119, %cond3A_120 : i32
      scf.if %cond3A_121 {
        %add3A_215 = arith.constant 5 : i32
        %add3A_216 = arith.addi %add3A_92, %add3A_215 : i32
        %dma_start3A_217 = arith.constant 0 : i32
        %dma_start3A_218 = tpu.memref_slice %arg6[%add3A_216, %dma_start3A_217] : memref<160x128xi32, #tpu.memory_space<vmem>> -> memref<1x128xi32, #tpu.memory_space<vmem>>
        %dma_start3A_219 = tpu.memref_squeeze %dma_start3A_218 : memref<1x128xi32, #tpu.memory_space<vmem>> -> memref<128xi32, #tpu.memory_space<vmem>>
        %dma_start3A_220 = arith.constant 0 : i32
        %dma_start3A_221 = arith.constant 0 : i32
        %dma_start3A_222 = tpu.memref_slice %arg2[%arg0, %dma_start3A_220, %dma_start3A_221] : memref<2x10240x64xf32, #tpu.memory_space<hbm>> -> memref<1x10240x64xf32, #tpu.memory_space<hbm>>
        %dma_start3A_223 = tpu.memref_squeeze %dma_start3A_222 : memref<1x10240x64xf32, #tpu.memory_space<hbm>> -> memref<10240x64xf32, #tpu.memory_space<hbm>>
        %dma_start3A_224 = arith.constant 0 : i32
        %dma_start3A_225 = arith.constant 0 : i32
        %dma_start3A_226 = tpu.memref_slice %dma_start3A_223[%dma_start3A_224, %dma_start3A_225] : memref<10240x64xf32, #tpu.memory_space<hbm>> -> memref<10240x64xf32, #tpu.memory_space<hbm>>
        tpu.enqueue_indirect_dma source(%dma_start3A_226 : memref<10240x64xf32, #tpu.memory_space<hbm>>) target(%arg9 : memref<128x64xf32, #tpu.memory_space<vmem>>) offsets(%dma_start3A_219 : memref<128xi32, #tpu.memory_space<vmem>>) semaphore(%arg15 : memref<!tpu.dma_semaphore, #tpu.memory_space<semaphore_mem>>)
      } else {
      }
      %add3A_122 = arith.constant 2 : i32
      %add3A_123 = arith.addi %add3A_63, %add3A_122 : i32
      %dma_wait3A_124 = arith.constant 0 : i32
      %dma_wait3A_125 = tpu.memref_slice %arg6[%add3A_123, %dma_wait3A_124] : memref<160x128xi32, #tpu.memory_space<vmem>> -> memref<1x128xi32, #tpu.memory_space<vmem>>
      %dma_wait3A_126 = tpu.memref_squeeze %dma_wait3A_125 : memref<1x128xi32, #tpu.memory_space<vmem>> -> memref<128xi32, #tpu.memory_space<vmem>>
      %dma_wait3A_127 = arith.constant 0 : i32
      %dma_wait3A_128 = arith.constant 0 : i32
      %dma_wait3A_129 = tpu.memref_slice %arg2[%arg0, %dma_wait3A_127, %dma_wait3A_128] : memref<2x10240x64xf32, #tpu.memory_space<hbm>> -> memref<1x10240x64xf32, #tpu.memory_space<hbm>>
      %dma_wait3A_130 = tpu.memref_squeeze %dma_wait3A_129 : memref<1x10240x64xf32, #tpu.memory_space<hbm>> -> memref<10240x64xf32, #tpu.memory_space<hbm>>
      %dma_wait3A_131 = arith.constant 0 : i32
      %dma_wait3A_132 = arith.constant 0 : i32
      %dma_wait3A_133 = tpu.memref_slice %dma_wait3A_130[%dma_wait3A_131, %dma_wait3A_132] : memref<10240x64xf32, #tpu.memory_space<hbm>> -> memref<10240x64xf32, #tpu.memory_space<hbm>>
      tpu.wait_indirect_dma semaphore(%arg16 : memref<!tpu.dma_semaphore, #tpu.memory_space<semaphore_mem>>) src(%dma_wait3A_133 : memref<10240x64xf32, #tpu.memory_space<hbm>>) dst(%arg10 : memref<128x64xf32, #tpu.memory_space<vmem>>)
      %dma_start3A_134 = arith.constant 0 : i32
      %dma_start3A_135 = tpu.memref_slice %arg7[%add3A_123, %dma_start3A_134] : memref<160x128xi32, #tpu.memory_space<vmem>> -> memref<1x128xi32, #tpu.memory_space<vmem>>
      %dma_start3A_136 = tpu.memref_squeeze %dma_start3A_135 : memref<1x128xi32, #tpu.memory_space<vmem>> -> memref<128xi32, #tpu.memory_space<vmem>>
      %dma_start3A_137 = arith.constant 0 : i32
      %dma_start3A_138 = arith.constant 0 : i32
      %dma_start3A_139 = tpu.memref_slice %arg13[%dma_start3A_137, %dma_start3A_138] : memref<10240x64xf32, #tpu.memory_space<vmem_shared>> -> memref<10240x64xf32, #tpu.memory_space<vmem_shared>>
      tpu.enqueue_indirect_dma source(%arg10 : memref<128x64xf32, #tpu.memory_space<vmem>>) target(%dma_start3A_139 : memref<10240x64xf32, #tpu.memory_space<vmem_shared>>) offsets(%dma_start3A_136 : memref<128xi32, #tpu.memory_space<vmem>>) semaphore(%arg21 : memref<!tpu.dma_semaphore, #tpu.memory_space<semaphore_mem>>) {add = true}
      %dma_wait3A_140 = arith.constant 0 : i32
      %dma_wait3A_141 = tpu.memref_slice %arg7[%add3A_123, %dma_wait3A_140] : memref<160x128xi32, #tpu.memory_space<vmem>> -> memref<1x128xi32, #tpu.memory_space<vmem>>
      %dma_wait3A_142 = tpu.memref_squeeze %dma_wait3A_141 : memref<1x128xi32, #tpu.memory_space<vmem>> -> memref<128xi32, #tpu.memory_space<vmem>>
      %dma_wait3A_143 = arith.constant 0 : i32
      %dma_wait3A_144 = arith.constant 0 : i32
      %dma_wait3A_145 = tpu.memref_slice %arg13[%dma_wait3A_143, %dma_wait3A_144] : memref<10240x64xf32, #tpu.memory_space<vmem_shared>> -> memref<10240x64xf32, #tpu.memory_space<vmem_shared>>
      tpu.wait_indirect_dma semaphore(%arg21 : memref<!tpu.dma_semaphore, #tpu.memory_space<semaphore_mem>>) src(%arg10 : memref<128x64xf32, #tpu.memory_space<vmem>>) dst(%dma_wait3A_145 : memref<10240x64xf32, #tpu.memory_space<vmem_shared>>)
      %add3A_146 = arith.constant 5 : i32
      %add3A_147 = arith.addi %add3A_123, %add3A_146 : i32
      %lt3A_148 = arith.constant 160 : i32
      %lt3A_149 = arith.cmpi slt, %add3A_147, %lt3A_148 : i32
      %convert_element_type3A_150 = arith.extui %lt3A_149 : i1 to i32
      %cond3A_151 = arith.constant 0 : i32
      %cond3A_152 = arith.cmpi ne, %convert_element_type3A_150, %cond3A_151 : i32
      scf.if %cond3A_152 {
        %add3A_215 = arith.constant 5 : i32
        %add3A_216 = arith.addi %add3A_123, %add3A_215 : i32
        %dma_start3A_217 = arith.constant 0 : i32
        %dma_start3A_218 = tpu.memref_slice %arg6[%add3A_216, %dma_start3A_217] : memref<160x128xi32, #tpu.memory_space<vmem>> -> memref<1x128xi32, #tpu.memory_space<vmem>>
        %dma_start3A_219 = tpu.memref_squeeze %dma_start3A_218 : memref<1x128xi32, #tpu.memory_space<vmem>> -> memref<128xi32, #tpu.memory_space<vmem>>
        %dma_start3A_220 = arith.constant 0 : i32
        %dma_start3A_221 = arith.constant 0 : i32
        %dma_start3A_222 = tpu.memref_slice %arg2[%arg0, %dma_start3A_220, %dma_start3A_221] : memref<2x10240x64xf32, #tpu.memory_space<hbm>> -> memref<1x10240x64xf32, #tpu.memory_space<hbm>>
        %dma_start3A_223 = tpu.memref_squeeze %dma_start3A_222 : memref<1x10240x64xf32, #tpu.memory_space<hbm>> -> memref<10240x64xf32, #tpu.memory_space<hbm>>
        %dma_start3A_224 = arith.constant 0 : i32
        %dma_start3A_225 = arith.constant 0 : i32
        %dma_start3A_226 = tpu.memref_slice %dma_start3A_223[%dma_start3A_224, %dma_start3A_225] : memref<10240x64xf32, #tpu.memory_space<hbm>> -> memref<10240x64xf32, #tpu.memory_space<hbm>>
        tpu.enqueue_indirect_dma source(%dma_start3A_226 : memref<10240x64xf32, #tpu.memory_space<hbm>>) target(%arg10 : memref<128x64xf32, #tpu.memory_space<vmem>>) offsets(%dma_start3A_219 : memref<128xi32, #tpu.memory_space<vmem>>) semaphore(%arg16 : memref<!tpu.dma_semaphore, #tpu.memory_space<semaphore_mem>>)
      } else {
      }
      %add3A_153 = arith.constant 3 : i32
      %add3A_154 = arith.addi %add3A_63, %add3A_153 : i32
      %dma_wait3A_155 = arith.constant 0 : i32
      %dma_wait3A_156 = tpu.memref_slice %arg6[%add3A_154, %dma_wait3A_155] : memref<160x128xi32, #tpu.memory_space<vmem>> -> memref<1x128xi32, #tpu.memory_space<vmem>>
      %dma_wait3A_157 = tpu.memref_squeeze %dma_wait3A_156 : memref<1x128xi32, #tpu.memory_space<vmem>> -> memref<128xi32, #tpu.memory_space<vmem>>
      %dma_wait3A_158 = arith.constant 0 : i32
      %dma_wait3A_159 = arith.constant 0 : i32
      %dma_wait3A_160 = tpu.memref_slice %arg2[%arg0, %dma_wait3A_158, %dma_wait3A_159] : memref<2x10240x64xf32, #tpu.memory_space<hbm>> -> memref<1x10240x64xf32, #tpu.memory_space<hbm>>
      %dma_wait3A_161 = tpu.memref_squeeze %dma_wait3A_160 : memref<1x10240x64xf32, #tpu.memory_space<hbm>> -> memref<10240x64xf32, #tpu.memory_space<hbm>>
      %dma_wait3A_162 = arith.constant 0 : i32
      %dma_wait3A_163 = arith.constant 0 : i32
      %dma_wait3A_164 = tpu.memref_slice %dma_wait3A_161[%dma_wait3A_162, %dma_wait3A_163] : memref<10240x64xf32, #tpu.memory_space<hbm>> -> memref<10240x64xf32, #tpu.memory_space<hbm>>
      tpu.wait_indirect_dma semaphore(%arg17 : memref<!tpu.dma_semaphore, #tpu.memory_space<semaphore_mem>>) src(%dma_wait3A_164 : memref<10240x64xf32, #tpu.memory_space<hbm>>) dst(%arg11 : memref<128x64xf32, #tpu.memory_space<vmem>>)
      %dma_start3A_165 = arith.constant 0 : i32
      %dma_start3A_166 = tpu.memref_slice %arg7[%add3A_154, %dma_start3A_165] : memref<160x128xi32, #tpu.memory_space<vmem>> -> memref<1x128xi32, #tpu.memory_space<vmem>>
      %dma_start3A_167 = tpu.memref_squeeze %dma_start3A_166 : memref<1x128xi32, #tpu.memory_space<vmem>> -> memref<128xi32, #tpu.memory_space<vmem>>
      %dma_start3A_168 = arith.constant 0 : i32
      %dma_start3A_169 = arith.constant 0 : i32
      %dma_start3A_170 = tpu.memref_slice %arg13[%dma_start3A_168, %dma_start3A_169] : memref<10240x64xf32, #tpu.memory_space<vmem_shared>> -> memref<10240x64xf32, #tpu.memory_space<vmem_shared>>
      tpu.enqueue_indirect_dma source(%arg11 : memref<128x64xf32, #tpu.memory_space<vmem>>) target(%dma_start3A_170 : memref<10240x64xf32, #tpu.memory_space<vmem_shared>>) offsets(%dma_start3A_167 : memref<128xi32, #tpu.memory_space<vmem>>) semaphore(%arg22 : memref<!tpu.dma_semaphore, #tpu.memory_space<semaphore_mem>>) {add = true}
      %dma_wait3A_171 = arith.constant 0 : i32
      %dma_wait3A_172 = tpu.memref_slice %arg7[%add3A_154, %dma_wait3A_171] : memref<160x128xi32, #tpu.memory_space<vmem>> -> memref<1x128xi32, #tpu.memory_space<vmem>>
      %dma_wait3A_173 = tpu.memref_squeeze %dma_wait3A_172 : memref<1x128xi32, #tpu.memory_space<vmem>> -> memref<128xi32, #tpu.memory_space<vmem>>
      %dma_wait3A_174 = arith.constant 0 : i32
      %dma_wait3A_175 = arith.constant 0 : i32
      %dma_wait3A_176 = tpu.memref_slice %arg13[%dma_wait3A_174, %dma_wait3A_175] : memref<10240x64xf32, #tpu.memory_space<vmem_shared>> -> memref<10240x64xf32, #tpu.memory_space<vmem_shared>>
      tpu.wait_indirect_dma semaphore(%arg22 : memref<!tpu.dma_semaphore, #tpu.memory_space<semaphore_mem>>) src(%arg11 : memref<128x64xf32, #tpu.memory_space<vmem>>) dst(%dma_wait3A_176 : memref<10240x64xf32, #tpu.memory_space<vmem_shared>>)
      %add3A_177 = arith.constant 5 : i32
      %add3A_178 = arith.addi %add3A_154, %add3A_177 : i32
      %lt3A_179 = arith.constant 160 : i32
      %lt3A_180 = arith.cmpi slt, %add3A_178, %lt3A_179 : i32
      %convert_element_type3A_181 = arith.extui %lt3A_180 : i1 to i32
      %cond3A_182 = arith.constant 0 : i32
      %cond3A_183 = arith.cmpi ne, %convert_element_type3A_181, %cond3A_182 : i32
      scf.if %cond3A_183 {
        %add3A_215 = arith.constant 5 : i32
        %add3A_216 = arith.addi %add3A_154, %add3A_215 : i32
        %dma_start3A_217 = arith.constant 0 : i32
        %dma_start3A_218 = tpu.memref_slice %arg6[%add3A_216, %dma_start3A_217] : memref<160x128xi32, #tpu.memory_space<vmem>> -> memref<1x128xi32, #tpu.memory_space<vmem>>
        %dma_start3A_219 = tpu.memref_squeeze %dma_start3A_218 : memref<1x128xi32, #tpu.memory_space<vmem>> -> memref<128xi32, #tpu.memory_space<vmem>>
        %dma_start3A_220 = arith.constant 0 : i32
        %dma_start3A_221 = arith.constant 0 : i32
        %dma_start3A_222 = tpu.memref_slice %arg2[%arg0, %dma_start3A_220, %dma_start3A_221] : memref<2x10240x64xf32, #tpu.memory_space<hbm>> -> memref<1x10240x64xf32, #tpu.memory_space<hbm>>
        %dma_start3A_223 = tpu.memref_squeeze %dma_start3A_222 : memref<1x10240x64xf32, #tpu.memory_space<hbm>> -> memref<10240x64xf32, #tpu.memory_space<hbm>>
        %dma_start3A_224 = arith.constant 0 : i32
        %dma_start3A_225 = arith.constant 0 : i32
        %dma_start3A_226 = tpu.memref_slice %dma_start3A_223[%dma_start3A_224, %dma_start3A_225] : memref<10240x64xf32, #tpu.memory_space<hbm>> -> memref<10240x64xf32, #tpu.memory_space<hbm>>
        tpu.enqueue_indirect_dma source(%dma_start3A_226 : memref<10240x64xf32, #tpu.memory_space<hbm>>) target(%arg11 : memref<128x64xf32, #tpu.memory_space<vmem>>) offsets(%dma_start3A_219 : memref<128xi32, #tpu.memory_space<vmem>>) semaphore(%arg17 : memref<!tpu.dma_semaphore, #tpu.memory_space<semaphore_mem>>)
      } else {
      }
      %add3A_184 = arith.constant 4 : i32
      %add3A_185 = arith.addi %add3A_63, %add3A_184 : i32
      %dma_wait3A_186 = arith.constant 0 : i32
      %dma_wait3A_187 = tpu.memref_slice %arg6[%add3A_185, %dma_wait3A_186] : memref<160x128xi32, #tpu.memory_space<vmem>> -> memref<1x128xi32, #tpu.memory_space<vmem>>
      %dma_wait3A_188 = tpu.memref_squeeze %dma_wait3A_187 : memref<1x128xi32, #tpu.memory_space<vmem>> -> memref<128xi32, #tpu.memory_space<vmem>>
      %dma_wait3A_189 = arith.constant 0 : i32
      %dma_wait3A_190 = arith.constant 0 : i32
      %dma_wait3A_191 = tpu.memref_slice %arg2[%arg0, %dma_wait3A_189, %dma_wait3A_190] : memref<2x10240x64xf32, #tpu.memory_space<hbm>> -> memref<1x10240x64xf32, #tpu.memory_space<hbm>>
      %dma_wait3A_192 = tpu.memref_squeeze %dma_wait3A_191 : memref<1x10240x64xf32, #tpu.memory_space<hbm>> -> memref<10240x64xf32, #tpu.memory_space<hbm>>
      %dma_wait3A_193 = arith.constant 0 : i32
      %dma_wait3A_194 = arith.constant 0 : i32
      %dma_wait3A_195 = tpu.memref_slice %dma_wait3A_192[%dma_wait3A_193, %dma_wait3A_194] : memref<10240x64xf32, #tpu.memory_space<hbm>> -> memref<10240x64xf32, #tpu.memory_space<hbm>>
      tpu.wait_indirect_dma semaphore(%arg18 : memref<!tpu.dma_semaphore, #tpu.memory_space<semaphore_mem>>) src(%dma_wait3A_195 : memref<10240x64xf32, #tpu.memory_space<hbm>>) dst(%arg12 : memref<128x64xf32, #tpu.memory_space<vmem>>)
      %dma_start3A_196 = arith.constant 0 : i32
      %dma_start3A_197 = tpu.memref_slice %arg7[%add3A_185, %dma_start3A_196] : memref<160x128xi32, #tpu.memory_space<vmem>> -> memref<1x128xi32, #tpu.memory_space<vmem>>
      %dma_start3A_198 = tpu.memref_squeeze %dma_start3A_197 : memref<1x128xi32, #tpu.memory_space<vmem>> -> memref<128xi32, #tpu.memory_space<vmem>>
      %dma_start3A_199 = arith.constant 0 : i32
      %dma_start3A_200 = arith.constant 0 : i32
      %dma_start3A_201 = tpu.memref_slice %arg13[%dma_start3A_199, %dma_start3A_200] : memref<10240x64xf32, #tpu.memory_space<vmem_shared>> -> memref<10240x64xf32, #tpu.memory_space<vmem_shared>>
      tpu.enqueue_indirect_dma source(%arg12 : memref<128x64xf32, #tpu.memory_space<vmem>>) target(%dma_start3A_201 : memref<10240x64xf32, #tpu.memory_space<vmem_shared>>) offsets(%dma_start3A_198 : memref<128xi32, #tpu.memory_space<vmem>>) semaphore(%arg23 : memref<!tpu.dma_semaphore, #tpu.memory_space<semaphore_mem>>) {add = true}
      %dma_wait3A_202 = arith.constant 0 : i32
      %dma_wait3A_203 = tpu.memref_slice %arg7[%add3A_185, %dma_wait3A_202] : memref<160x128xi32, #tpu.memory_space<vmem>> -> memref<1x128xi32, #tpu.memory_space<vmem>>
      %dma_wait3A_204 = tpu.memref_squeeze %dma_wait3A_203 : memref<1x128xi32, #tpu.memory_space<vmem>> -> memref<128xi32, #tpu.memory_space<vmem>>
      %dma_wait3A_205 = arith.constant 0 : i32
      %dma_wait3A_206 = arith.constant 0 : i32
      %dma_wait3A_207 = tpu.memref_slice %arg13[%dma_wait3A_205, %dma_wait3A_206] : memref<10240x64xf32, #tpu.memory_space<vmem_shared>> -> memref<10240x64xf32, #tpu.memory_space<vmem_shared>>
      tpu.wait_indirect_dma semaphore(%arg23 : memref<!tpu.dma_semaphore, #tpu.memory_space<semaphore_mem>>) src(%arg12 : memref<128x64xf32, #tpu.memory_space<vmem>>) dst(%dma_wait3A_207 : memref<10240x64xf32, #tpu.memory_space<vmem_shared>>)
      %add3A_208 = arith.constant 5 : i32
      %add3A_209 = arith.addi %add3A_185, %add3A_208 : i32
      %lt3A_210 = arith.constant 160 : i32
      %lt3A_211 = arith.cmpi slt, %add3A_209, %lt3A_210 : i32
      %convert_element_type3A_212 = arith.extui %lt3A_211 : i1 to i32
      %cond3A_213 = arith.constant 0 : i32
      %cond3A_214 = arith.cmpi ne, %convert_element_type3A_212, %cond3A_213 : i32
      scf.if %cond3A_214 {
        %add3A_215 = arith.constant 5 : i32
        %add3A_216 = arith.addi %add3A_185, %add3A_215 : i32
        %dma_start3A_217 = arith.constant 0 : i32
        %dma_start3A_218 = tpu.memref_slice %arg6[%add3A_216, %dma_start3A_217] : memref<160x128xi32, #tpu.memory_space<vmem>> -> memref<1x128xi32, #tpu.memory_space<vmem>>
        %dma_start3A_219 = tpu.memref_squeeze %dma_start3A_218 : memref<1x128xi32, #tpu.memory_space<vmem>> -> memref<128xi32, #tpu.memory_space<vmem>>
        %dma_start3A_220 = arith.constant 0 : i32
        %dma_start3A_221 = arith.constant 0 : i32
        %dma_start3A_222 = tpu.memref_slice %arg2[%arg0, %dma_start3A_220, %dma_start3A_221] : memref<2x10240x64xf32, #tpu.memory_space<hbm>> -> memref<1x10240x64xf32, #tpu.memory_space<hbm>>
        %dma_start3A_223 = tpu.memref_squeeze %dma_start3A_222 : memref<1x10240x64xf32, #tpu.memory_space<hbm>> -> memref<10240x64xf32, #tpu.memory_space<hbm>>
        %dma_start3A_224 = arith.constant 0 : i32
        %dma_start3A_225 = arith.constant 0 : i32
        %dma_start3A_226 = tpu.memref_slice %dma_start3A_223[%dma_start3A_224, %dma_start3A_225] : memref<10240x64xf32, #tpu.memory_space<hbm>> -> memref<10240x64xf32, #tpu.memory_space<hbm>>
        tpu.enqueue_indirect_dma source(%dma_start3A_226 : memref<10240x64xf32, #tpu.memory_space<hbm>>) target(%arg12 : memref<128x64xf32, #tpu.memory_space<vmem>>) offsets(%dma_start3A_219 : memref<128xi32, #tpu.memory_space<vmem>>) semaphore(%arg18 : memref<!tpu.dma_semaphore, #tpu.memory_space<semaphore_mem>>)
      } else {
      }
    }
    %scan3A_58 = arith.constant 32 : i32
    %barrier3A_59 = arith.constant 0 : index
    tpu.barrier barrier_id(%barrier3A_59)
    "tpu.region"() ({
      %run_scoped3A = tpu.sem_alloc : memref<!tpu.dma_semaphore, #tpu.memory_space<semaphore_mem>>
      %dma_start3A_60 = arith.constant 0 : i32
      %dma_start3A_61 = tpu.memref_slice %arg5[%arg0, %mul3A_0, %dma_start3A_60] : memref<2x10240x64xf32, #tpu.memory_space<hbm>> -> memref<1x640x64xf32, #tpu.memory_space<hbm>>
      %dma_start3A_62 = tpu.memref_squeeze %dma_start3A_61 : memref<1x640x64xf32, #tpu.memory_space<hbm>> -> memref<640x64xf32, #tpu.memory_space<hbm>>
      %dma_start3A_63 = arith.constant 0 : i32
      %dma_start3A_64 = tpu.memref_slice %arg13[%mul3A_0, %dma_start3A_63] : memref<10240x64xf32, #tpu.memory_space<vmem_shared>> -> memref<640x64xf32, #tpu.memory_space<vmem_shared>>
      tpu.enqueue_dma source(%dma_start3A_64 : memref<640x64xf32, #tpu.memory_space<vmem_shared>>) target(%dma_start3A_62 : memref<640x64xf32, #tpu.memory_space<hbm>>) target_semaphore(%run_scoped3A : memref<!tpu.dma_semaphore, #tpu.memory_space<semaphore_mem>>)
      %dma_wait3A = arith.constant 0 : i32
      %dma_wait3A_65 = tpu.memref_slice %arg5[%arg0, %mul3A_0, %dma_wait3A] : memref<2x10240x64xf32, #tpu.memory_space<hbm>> -> memref<1x640x64xf32, #tpu.memory_space<hbm>>
      %dma_wait3A_66 = tpu.memref_squeeze %dma_wait3A_65 : memref<1x640x64xf32, #tpu.memory_space<hbm>> -> memref<640x64xf32, #tpu.memory_space<hbm>>
      %dma_wait3A_67 = arith.constant 0 : i32
      %dma_wait3A_68 = tpu.memref_slice %arg13[%mul3A_0, %dma_wait3A_67] : memref<10240x64xf32, #tpu.memory_space<vmem_shared>> -> memref<640x64xf32, #tpu.memory_space<vmem_shared>>
      tpu.wait_dma2 semaphore(%run_scoped3A : memref<!tpu.dma_semaphore, #tpu.memory_space<semaphore_mem>>) src(%dma_wait3A_68 : memref<640x64xf32, #tpu.memory_space<vmem_shared>>) dst(%dma_wait3A_66 : memref<640x64xf32, #tpu.memory_space<hbm>>)
      tpu.yield
    }) : () -> ()
    return
  }
}

module attributes {stable_mosaic.version = 14 : i64} {
  func.func @body(%arg0: i32, %arg1: memref<256x128xf32, #tpu.memory_space<vmem>>, %arg2: memref<128x128xf32, #tpu.memory_space<vmem>>, %arg3: memref<256x128xf32, #tpu.memory_space<vmem>>) attributes {dimension_semantics = [#tpu.dimension_semantics<arbitrary>], iteration_bounds = array<i64: 40>, scalar_prefetch = 0 : i64, scratch_operands = 0 : i64, tpu.core_type = #tpu.core_type<tc>, window_params = [{transform_indices = @transform_0, window_bounds = array<i64: 256, 128>}, {pipeline_mode = #tpu.pipeline_mode<synchronous>, transform_indices = @transform_1, window_bounds = array<i64: 128, 128>}, {transform_indices = @transform_2, window_bounds = array<i64: 256, 128>}]} {
    %get3A = arith.constant 0 : index
    %get3A_0 = arith.constant 0 : index
    %get3A_1 = vector.load %arg1[%get3A, %get3A_0] : memref<256x128xf32, #tpu.memory_space<vmem>>, vector<256x128xf32>
    %get3A_2 = arith.constant 0 : index
    %get3A_3 = arith.constant 0 : index
    %get3A_4 = vector.load %arg2[%get3A_2, %get3A_3] : memref<128x128xf32, #tpu.memory_space<vmem>>, vector<128x128xf32>
    %dot_general3A = arith.constant dense<0.000000e+00> : vector<256x128xf32>
    %dot_general3A_5 = tpu.matmul %get3A_1, %get3A_4, %dot_general3A {dimension_numbers = #tpu.dot_dimension_numbers<[1], [0], [0], [1], [0, 0, 1, 1], [], []>, precision = #tpu.contract_precision<fp32>, transpose_lhs_hint = false} : vector<256x128xf32>, vector<128x128xf32>, vector<256x128xf32> -> vector<256x128xf32>
    %swap3A = arith.constant 0 : index
    %swap3A_6 = arith.constant 0 : index
    %swap3A_7 = vector.load %arg3[%swap3A, %swap3A_6] : memref<256x128xf32, #tpu.memory_space<vmem>>, vector<256x128xf32>
    tpu.vector_store %arg3[%swap3A, %swap3A_6], %dot_general3A_5 {strides = array<i32>} : memref<256x128xf32, #tpu.memory_space<vmem>>, vector<256x128xf32>,
    return
  }
  func.func @transform_0(%arg0: i32) -> (i32, i32) {
    %c0_i32 = arith.constant 0 : i32
    %c0_i32_0 = arith.constant 0 : i32
    return %arg0, %c0_i32 : i32, i32
  }
  func.func @transform_1(%arg0: i32) -> (i32, i32) {
    %c0_i32 = arith.constant 0 : i32
    %c0_i32_0 = arith.constant 0 : i32
    %c0_i32_1 = arith.constant 0 : i32
    return %c0_i32, %c0_i32_0 : i32, i32
  }
  func.func @transform_2(%arg0: i32) -> (i32, i32) {
    %c0_i32 = arith.constant 0 : i32
    %c0_i32_0 = arith.constant 0 : i32
    return %arg0, %c0_i32 : i32, i32
  }
}

module attributes {stable_mosaic.version = 14 : i64} {
  func.func @body(%arg0: i32, %arg1: memref<256x128xf32, #tpu.memory_space<vmem>>, %arg2: memref<256x32xf32, #tpu.memory_space<vmem>>, %arg3: memref<2x256x64xf32, #tpu.memory_space<vmem>>, %arg4: memref<256x1xf32, #tpu.memory_space<vmem>>) attributes {dimension_semantics = [#tpu.dimension_semantics<arbitrary>], iteration_bounds = array<i64: 40>, scalar_prefetch = 0 : i64, scratch_operands = 0 : i64, tpu.core_type = #tpu.core_type<tc>, window_params = [{transform_indices = @transform_0, window_bounds = array<i64: 256, 128>}, {transform_indices = @transform_1, window_bounds = array<i64: 256, 32>}, {transform_indices = @transform_2, window_bounds = array<i64: 2, 256, 64>}, {transform_indices = @transform_3, window_bounds = array<i64: 256, 1>}]} {
    %get3A = arith.constant 0 : index
    %get3A_0 = arith.constant 0 : index
    %get3A_1 = vector.load %arg2[%get3A, %get3A_0] : memref<256x32xf32, #tpu.memory_space<vmem>>, vector<256x32xf32>
    %reduce_sum3A = arith.constant dense<0.000000e+00> : vector<256xf32>
    %reduce_sum3A_2 = vector.multi_reduction <add>, %get3A_1, %reduce_sum3A [1] : vector<256x32xf32> to vector<256xf32>
    %broadcast_in_dim3A = vector.shape_cast %reduce_sum3A_2 : vector<256xf32> to vector<256x1xf32>
    %add3A = arith.constant 1.000000e+00 : f32
    %add3A_3 = vector.broadcast %add3A : f32 to vector<256x1xf32>
    %add3A_4 = arith.addf %broadcast_in_dim3A, %add3A_3 : vector<256x1xf32>
    %rsqrt3A = math.rsqrt %add3A_4 : vector<256x1xf32>
    %get3A_5 = arith.constant 0 : index
    %get3A_6 = arith.constant 0 : index
    %get3A_7 = vector.load %arg1[%get3A_5, %get3A_6] : memref<256x128xf32, #tpu.memory_space<vmem>>, vector<256x128xf32>
    %mul3A = vector.broadcast %rsqrt3A : vector<256x1xf32> to vector<256x128xf32>
    %mul3A_8 = arith.mulf %get3A_7, %mul3A : vector<256x128xf32>
    %slice3A = vector.extract_strided_slice %mul3A_8 {offsets = [0, 0], sizes = [256, 64], strides = [1, 1]} : vector<256x128xf32> to vector<256x64xf32>
    %swap3A = arith.constant 0 : index
    %swap3A_9 = arith.constant 0 : index
    %swap3A_10 = arith.constant 0 : index
    %swap3A_11 = vector.load %arg3[%swap3A, %swap3A_9, %swap3A_10] : memref<2x256x64xf32, #tpu.memory_space<vmem>>, vector<1x256x64xf32>
    %swap3A_12 = vector.shape_cast %swap3A_11 : vector<1x256x64xf32> to vector<256x64xf32>
    %swap3A_13 = vector.shape_cast %slice3A : vector<256x64xf32> to vector<1x256x64xf32>
    tpu.vector_store %arg3[%swap3A, %swap3A_9, %swap3A_10], %swap3A_13 {strides = array<i32>} : memref<2x256x64xf32, #tpu.memory_space<vmem>>, vector<1x256x64xf32>,
    %slice3A_14 = vector.extract_strided_slice %mul3A_8 {offsets = [0, 64], sizes = [256, 64], strides = [1, 1]} : vector<256x128xf32> to vector<256x64xf32>
    %swap3A_15 = arith.constant 1 : index
    %swap3A_16 = arith.constant 0 : index
    %swap3A_17 = arith.constant 0 : index
    %swap3A_18 = vector.load %arg3[%swap3A_15, %swap3A_16, %swap3A_17] : memref<2x256x64xf32, #tpu.memory_space<vmem>>, vector<1x256x64xf32>
    %swap3A_19 = vector.shape_cast %swap3A_18 : vector<1x256x64xf32> to vector<256x64xf32>
    %swap3A_20 = vector.shape_cast %slice3A_14 : vector<256x64xf32> to vector<1x256x64xf32>
    tpu.vector_store %arg3[%swap3A_15, %swap3A_16, %swap3A_17], %swap3A_20 {strides = array<i32>} : memref<2x256x64xf32, #tpu.memory_space<vmem>>, vector<1x256x64xf32>,
    %swap3A_21 = arith.constant 0 : index
    %swap3A_22 = arith.constant 0 : index
    %swap3A_23 = vector.load %arg4[%swap3A_21, %swap3A_22] : memref<256x1xf32, #tpu.memory_space<vmem>>, vector<256x1xf32>
    tpu.vector_store %arg4[%swap3A_21, %swap3A_22], %rsqrt3A {strides = array<i32>} : memref<256x1xf32, #tpu.memory_space<vmem>>, vector<256x1xf32>,
    return
  }
  func.func @transform_0(%arg0: i32) -> (i32, i32) {
    %c0_i32 = arith.constant 0 : i32
    %c0_i32_0 = arith.constant 0 : i32
    return %arg0, %c0_i32 : i32, i32
  }
  func.func @transform_1(%arg0: i32) -> (i32, i32) {
    %c0_i32 = arith.constant 0 : i32
    %c0_i32_0 = arith.constant 0 : i32
    return %arg0, %c0_i32 : i32, i32
  }
  func.func @transform_2(%arg0: i32) -> (i32, i32, i32) {
    %c0_i32 = arith.constant 0 : i32
    %c0_i32_0 = arith.constant 0 : i32
    %c0_i32_1 = arith.constant 0 : i32
    return %c0_i32, %arg0, %c0_i32_0 : i32, i32, i32
  }
  func.func @transform_3(%arg0: i32) -> (i32, i32) {
    %c0_i32 = arith.constant 0 : i32
    %c0_i32_0 = arith.constant 0 : i32
    return %arg0, %c0_i32 : i32, i32
  }
}

module attributes {stable_mosaic.version = 14 : i64} {
  func.func @body(%arg0: i32, %arg1: memref<2x256x64xf32, #tpu.memory_space<vmem>>, %arg2: memref<256x1xf32, #tpu.memory_space<vmem>>, %arg3: memref<1x128xf32, #tpu.memory_space<vmem>>, %arg4: memref<128x128xf32, #tpu.memory_space<vmem>>, %arg5: memref<2x256x64xf32, #tpu.memory_space<vmem>>) attributes {dimension_semantics = [#tpu.dimension_semantics<arbitrary>], iteration_bounds = array<i64: 40>, scalar_prefetch = 0 : i64, scratch_operands = 0 : i64, tpu.core_type = #tpu.core_type<tc>, window_params = [{transform_indices = @transform_0, window_bounds = array<i64: 2, 256, 64>}, {transform_indices = @transform_1, window_bounds = array<i64: 256, 1>}, {pipeline_mode = #tpu.pipeline_mode<synchronous>, transform_indices = @transform_2, window_bounds = array<i64: 1, 128>}, {pipeline_mode = #tpu.pipeline_mode<synchronous>, transform_indices = @transform_3, window_bounds = array<i64: 128, 128>}, {transform_indices = @transform_4, window_bounds = array<i64: 2, 256, 64>}]} {
    %get3A = arith.constant 0 : index
    %get3A_0 = arith.constant 0 : index
    %get3A_1 = arith.constant 0 : index
    %get3A_2 = vector.load %arg1[%get3A, %get3A_0, %get3A_1] : memref<2x256x64xf32, #tpu.memory_space<vmem>>, vector<1x256x64xf32>
    %get3A_3 = vector.shape_cast %get3A_2 : vector<1x256x64xf32> to vector<256x64xf32>
    %get3A_4 = arith.constant 1 : index
    %get3A_5 = arith.constant 0 : index
    %get3A_6 = arith.constant 0 : index
    %get3A_7 = vector.load %arg1[%get3A_4, %get3A_5, %get3A_6] : memref<2x256x64xf32, #tpu.memory_space<vmem>>, vector<1x256x64xf32>
    %get3A_8 = vector.shape_cast %get3A_7 : vector<1x256x64xf32> to vector<256x64xf32>
    %concatenate3A = tpu.concatenate %get3A_3, %get3A_8 in 1 : vector<256x64xf32>, vector<256x64xf32> -> vector<256x128xf32>
    %get3A_9 = arith.constant 0 : index
    %get3A_10 = arith.constant 0 : index
    %get3A_11 = vector.load %arg2[%get3A_9, %get3A_10] : memref<256x1xf32, #tpu.memory_space<vmem>>, vector<256x1xf32>
    %mul3A = vector.broadcast %get3A_11 : vector<256x1xf32> to vector<256x128xf32>
    %mul3A_12 = arith.mulf %mul3A, %concatenate3A : vector<256x128xf32>
    %get3A_13 = arith.constant 0 : index
    %get3A_14 = arith.constant 0 : index
    %get3A_15 = vector.load %arg3[%get3A_13, %get3A_14] : memref<1x128xf32, #tpu.memory_space<vmem>>, vector<1x128xf32>
    %add3A = vector.broadcast %get3A_15 : vector<1x128xf32> to vector<256x128xf32>
    %add3A_16 = arith.addf %mul3A_12, %add3A : vector<256x128xf32>
    %max3A = arith.constant 0.000000e+00 : f32
    %max3A_17 = vector.broadcast %max3A : f32 to vector<256x128xf32>
    %max3A_18 = arith.maximumf %add3A_16, %max3A_17 : vector<256x128xf32>
    %get3A_19 = arith.constant 0 : index
    %get3A_20 = arith.constant 0 : index
    %get3A_21 = vector.load %arg4[%get3A_19, %get3A_20] : memref<128x128xf32, #tpu.memory_space<vmem>>, vector<128x128xf32>
    %dot_general3A = arith.constant dense<0.000000e+00> : vector<256x128xf32>
    %dot_general3A_22 = tpu.matmul %max3A_18, %get3A_21, %dot_general3A {dimension_numbers = #tpu.dot_dimension_numbers<[1], [0], [0], [1], [0, 0, 1, 1], [], []>, precision = #tpu.contract_precision<fp32>, transpose_lhs_hint = false} : vector<256x128xf32>, vector<128x128xf32>, vector<256x128xf32> -> vector<256x128xf32>
    %get3A_23 = arith.constant 0 : index
    %get3A_24 = arith.constant 0 : index
    %get3A_25 = vector.load %arg2[%get3A_23, %get3A_24] : memref<256x1xf32, #tpu.memory_space<vmem>>, vector<256x1xf32>
    %mul3A_26 = vector.broadcast %get3A_25 : vector<256x1xf32> to vector<256x128xf32>
    %mul3A_27 = arith.mulf %dot_general3A_22, %mul3A_26 : vector<256x128xf32>
    %slice3A = vector.extract_strided_slice %mul3A_27 {offsets = [0, 0], sizes = [256, 64], strides = [1, 1]} : vector<256x128xf32> to vector<256x64xf32>
    %swap3A = arith.constant 0 : index
    %swap3A_28 = arith.constant 0 : index
    %swap3A_29 = arith.constant 0 : index
    %swap3A_30 = vector.load %arg5[%swap3A, %swap3A_28, %swap3A_29] : memref<2x256x64xf32, #tpu.memory_space<vmem>>, vector<1x256x64xf32>
    %swap3A_31 = vector.shape_cast %swap3A_30 : vector<1x256x64xf32> to vector<256x64xf32>
    %swap3A_32 = vector.shape_cast %slice3A : vector<256x64xf32> to vector<1x256x64xf32>
    tpu.vector_store %arg5[%swap3A, %swap3A_28, %swap3A_29], %swap3A_32 {strides = array<i32>} : memref<2x256x64xf32, #tpu.memory_space<vmem>>, vector<1x256x64xf32>,
    %slice3A_33 = vector.extract_strided_slice %mul3A_27 {offsets = [0, 64], sizes = [256, 64], strides = [1, 1]} : vector<256x128xf32> to vector<256x64xf32>
    %swap3A_34 = arith.constant 1 : index
    %swap3A_35 = arith.constant 0 : index
    %swap3A_36 = arith.constant 0 : index
    %swap3A_37 = vector.load %arg5[%swap3A_34, %swap3A_35, %swap3A_36] : memref<2x256x64xf32, #tpu.memory_space<vmem>>, vector<1x256x64xf32>
    %swap3A_38 = vector.shape_cast %swap3A_37 : vector<1x256x64xf32> to vector<256x64xf32>
    %swap3A_39 = vector.shape_cast %slice3A_33 : vector<256x64xf32> to vector<1x256x64xf32>
    tpu.vector_store %arg5[%swap3A_34, %swap3A_35, %swap3A_36], %swap3A_39 {strides = array<i32>} : memref<2x256x64xf32, #tpu.memory_space<vmem>>, vector<1x256x64xf32>,
    return
  }
  func.func @transform_0(%arg0: i32) -> (i32, i32, i32) {
    %c0_i32 = arith.constant 0 : i32
    %c0_i32_0 = arith.constant 0 : i32
    %c0_i32_1 = arith.constant 0 : i32
    return %c0_i32, %arg0, %c0_i32_0 : i32, i32, i32
  }
  func.func @transform_1(%arg0: i32) -> (i32, i32) {
    %c0_i32 = arith.constant 0 : i32
    %c0_i32_0 = arith.constant 0 : i32
    return %arg0, %c0_i32 : i32, i32
  }
  func.func @transform_2(%arg0: i32) -> (i32, i32) {
    %c0_i32 = arith.constant 0 : i32
    %c0_i32_0 = arith.constant 0 : i32
    %c0_i32_1 = arith.constant 0 : i32
    return %c0_i32, %c0_i32_0 : i32, i32
  }
  func.func @transform_3(%arg0: i32) -> (i32, i32) {
    %c0_i32 = arith.constant 0 : i32
    %c0_i32_0 = arith.constant 0 : i32
    %c0_i32_1 = arith.constant 0 : i32
    return %c0_i32, %c0_i32_0 : i32, i32
  }
  func.func @transform_4(%arg0: i32) -> (i32, i32, i32) {
    %c0_i32 = arith.constant 0 : i32
    %c0_i32_0 = arith.constant 0 : i32
    %c0_i32_1 = arith.constant 0 : i32
    return %c0_i32, %arg0, %c0_i32_0 : i32, i32, i32
  }
}

module attributes {stable_mosaic.version = 14 : i64} {
  func.func @body(%arg0: i32, %arg1: memref<2x256x64xf32, #tpu.memory_space<vmem>>, %arg2: memref<256x1xf32, #tpu.memory_space<vmem>>, %arg3: memref<1x128xf32, #tpu.memory_space<vmem>>, %arg4: memref<256x128xf32, #tpu.memory_space<vmem>>) attributes {dimension_semantics = [#tpu.dimension_semantics<arbitrary>], iteration_bounds = array<i64: 40>, scalar_prefetch = 0 : i64, scratch_operands = 0 : i64, tpu.core_type = #tpu.core_type<tc>, window_params = [{transform_indices = @transform_0, window_bounds = array<i64: 2, 256, 64>}, {transform_indices = @transform_1, window_bounds = array<i64: 256, 1>}, {pipeline_mode = #tpu.pipeline_mode<synchronous>, transform_indices = @transform_2, window_bounds = array<i64: 1, 128>}, {transform_indices = @transform_3, window_bounds = array<i64: 256, 128>}]} {
    %get3A = arith.constant 0 : index
    %get3A_0 = arith.constant 0 : index
    %get3A_1 = arith.constant 0 : index
    %get3A_2 = vector.load %arg1[%get3A, %get3A_0, %get3A_1] : memref<2x256x64xf32, #tpu.memory_space<vmem>>, vector<1x256x64xf32>
    %get3A_3 = vector.shape_cast %get3A_2 : vector<1x256x64xf32> to vector<256x64xf32>
    %get3A_4 = arith.constant 1 : index
    %get3A_5 = arith.constant 0 : index
    %get3A_6 = arith.constant 0 : index
    %get3A_7 = vector.load %arg1[%get3A_4, %get3A_5, %get3A_6] : memref<2x256x64xf32, #tpu.memory_space<vmem>>, vector<1x256x64xf32>
    %get3A_8 = vector.shape_cast %get3A_7 : vector<1x256x64xf32> to vector<256x64xf32>
    %concatenate3A = tpu.concatenate %get3A_3, %get3A_8 in 1 : vector<256x64xf32>, vector<256x64xf32> -> vector<256x128xf32>
    %get3A_9 = arith.constant 0 : index
    %get3A_10 = arith.constant 0 : index
    %get3A_11 = vector.load %arg2[%get3A_9, %get3A_10] : memref<256x1xf32, #tpu.memory_space<vmem>>, vector<256x1xf32>
    %mul3A = vector.broadcast %get3A_11 : vector<256x1xf32> to vector<256x128xf32>
    %mul3A_12 = arith.mulf %mul3A, %concatenate3A : vector<256x128xf32>
    %get3A_13 = arith.constant 0 : index
    %get3A_14 = arith.constant 0 : index
    %get3A_15 = vector.load %arg3[%get3A_13, %get3A_14] : memref<1x128xf32, #tpu.memory_space<vmem>>, vector<1x128xf32>
    %add3A = vector.broadcast %get3A_15 : vector<1x128xf32> to vector<256x128xf32>
    %add3A_16 = arith.addf %mul3A_12, %add3A : vector<256x128xf32>
    %swap3A = arith.constant 0 : index
    %swap3A_17 = arith.constant 0 : index
    %swap3A_18 = vector.load %arg4[%swap3A, %swap3A_17] : memref<256x128xf32, #tpu.memory_space<vmem>>, vector<256x128xf32>
    tpu.vector_store %arg4[%swap3A, %swap3A_17], %add3A_16 {strides = array<i32>} : memref<256x128xf32, #tpu.memory_space<vmem>>, vector<256x128xf32>,
    return
  }
  func.func @transform_0(%arg0: i32) -> (i32, i32, i32) {
    %c0_i32 = arith.constant 0 : i32
    %c0_i32_0 = arith.constant 0 : i32
    %c0_i32_1 = arith.constant 0 : i32
    return %c0_i32, %arg0, %c0_i32_0 : i32, i32, i32
  }
  func.func @transform_1(%arg0: i32) -> (i32, i32) {
    %c0_i32 = arith.constant 0 : i32
    %c0_i32_0 = arith.constant 0 : i32
    return %arg0, %c0_i32 : i32, i32
  }
  func.func @transform_2(%arg0: i32) -> (i32, i32) {
    %c0_i32 = arith.constant 0 : i32
    %c0_i32_0 = arith.constant 0 : i32
    %c0_i32_1 = arith.constant 0 : i32
    return %c0_i32, %c0_i32_0 : i32, i32
  }
  func.func @transform_3(%arg0: i32) -> (i32, i32) {
    %c0_i32 = arith.constant 0 : i32
    %c0_i32_0 = arith.constant 0 : i32
    return %arg0, %c0_i32 : i32, i32
  }
}

</mosaic_0001>

<sc_bundles>
// kernel: kernel.11.cloned.1.call-start
scs
__scs_entry_jumppad:
0x0: {  	(pc) =	sbr.rel $0x88, $3  }
0x1: {  	(tag) =	ssettag $0x0;
	lr =	simm.s32 $0x1  }
0x2: {  	[smem:$0x3F99] =	sst lr;
	_ =	strace $0xD0000000  }
0x3: {  	_ = 	snop  }
0x4: {  	_ = 	snop  }
0x5: {  	_ = 	snop  }
0x6: {  	_ = 	snop  }
0x7: {  	_ = 	snop  }
__scs_overlays_trampoline_lowered:
0x8: {  	[smem:$0x3FA8] =	sst s0  }
0x9: {  	[smem:$0x3FA9] =	sst s1  }
0xa: {  	[smem:$0x3FAA] =	sst s2  }
0xb: {  	[smem:$0x3FAB] =	sst s3  }
0xc: {  	[smem:$0x3FAC] =	sst s4  }
0xd: {  	[smem:$0x3FAD] =	sst s5  }
0xe: {  	[smem:$0x3FAE] =	sst s6  }
0xf: {  	[smem:$0x3FAF] =	sst s7  }
0x10: {  	[smem:$0x3FB0] =	sst s8  }
0x11: {  	[smem:$0x3FB1] =	sst s9;
	s0 =	simm.s32 @!p0 $0x0  }
0x12: {  	s1 =	sld [smem:$0x3F97];
	s0 =	simm.s32 @p0 $0x1  }
0x13: {  	[smem:$0x3FB2] =	sst s0;
	s0 =	simm.s32 @!p1 $0x0  }
0x14: {  	s2 =	sld [smem:$0x3F96];
	s0 =	simm.s32 @p1 $0x1  }
0x15: {  	[smem:$0x3FB3] =	sst s0;
	s0 =	simm.s32 @!p2 $0x0  }
0x16: {  	s3 =	sld [smem:$0x3FDB];
	s0 =	simm.s32 @p2 $0x1  }
0x17: {  	s4 =	simm.s32 $0x1BF5;
	[smem:$0x3FB5] =	sst s0  }
0x18: {  	s0 =	sld [smem:$0x3F98];
	_ =	swait.ge [sflag:s4], $0x0  }
0x19: {  	s7 =	sld [smem:$0x3F99]  }
0x1a: {  	s8 =	sadd.s32 $0xFFFFE003, lr  }
0x1b: {  	s9 =	sadd.s32 $0xFFFFFEF7, lr;
	s5 =	simm.s32 $0xFFFFFFFF;
	p2 =	slt.u32 s8, $0xFFFFF086  }
0x1c: {  	p1 =	slt.u32 s9, $0xF7A;
	s5 =	simm.s32 @!p2 $0x0  }
0x1d: {  	s5 =	simm.s32 @p1 $0x1;
	p0 =	seq.s32 s7, s2  }
0x1e: {  	s7 =	smul.u32 @!p0 $0xF7A, s2;
	p2 =	seq.s32 @!p0 s5, $0x0  }
0x1f: {  	s9 =	smul.u32 $0xF7A, s1;
	s8 =	simm.s32 @!p0 $0x1BF5;
	p2 =	por !p2, p0  }
0x20: {  	[sflag:s8] =	ssyncset.s32 @!p0 $0xFFFFF086;
	s6 =	sadd.s32 @!p0 s3, s7;
	s7 =	simm.s32 @!p0 $0x108  }
0x21: {  	s3 =	sadd.s32 s3, s9;
	s6 =	sadd.s32 @!p0 $0x88, s6;
	s7 =	simm.s32 @p2 $0x1082  }
0x22: {  	[simem:s7], [sflag:s8] =	dma.local @!p0 [hbm:s6], $0xF7A  }
0x23: {  	s9 =	sor.u32 $0xD0000000, s2;
	s6 =	simm.s32 $0x108;
	_ =	swait.ge @!p0 [sflag:s8], $0x0  }
0x24: {  	s3 =	sadd.s32 $0x88, s3;
	s6 =	simm.s32 @!p1 $0x1082;
	[sflag:s4] =	ssyncset.s32 $0xFFFFF086  }
0x25: {  	[simem:s6], [sflag:s4] =	dma.local [hbm:s3], $0xF7A  }
0x26: {  	[smem:$0x3F99] =	sst s1;
	(tag) =	ssettag s2;
	_ =	strace s9  }
0x27: {  	s1 =	sld [smem:$0x3FA9]  }
0x28: {  	s2 =	sld [smem:$0x3FAA]  }
0x29: {  	s4 =	sld [smem:$0x3FAC]  }
0x2a: {  	p0 =	seq.s32 s5, $0x0;
	s5 =	sld [smem:$0x3FAD]  }
0x2b: {  	s6 =	sld [smem:$0x3FAE]  }
0x2c: {  	s7 =	sld [smem:$0x3FAF]  }
0x2d: {  	s3 =	simm.s32 $0x108;
	s8 =	sld [smem:$0x3FB0]  }
0x2e: {  	s3 =	simm.s32 @!p0 $0x1082;
	s9 =	sld [smem:$0x3FB1]  }
0x2f: {  	lr =	sadd.s32 s0, s3;
	s0 =	sld [smem:$0x3FA8]  }
0x30: {  	s3 =	sld [smem:$0x3FAB]  }
0x31: {  	[smem:$0x3FB4] =	sst s10  }
0x32: {  	s10 =	sld [smem:$0x3FB2];
	_ =	sdelay $0x3  }
0x33: {  	p0 =	seq.s32 s10, $0x1;
	s10 =	sld [smem:$0x3FB4];
	_ =	sdelay $0x3  }
0x34: {  	[smem:$0x3FB4] =	sst s10  }
0x35: {  	s10 =	sld [smem:$0x3FB3];
	_ =	sdelay $0x3  }
0x36: {  	p1 =	seq.s32 s10, $0x1;
	s10 =	sld [smem:$0x3FB4];
	_ =	sdelay $0x3  }
0x37: {  	[smem:$0x3FB4] =	sst s10  }
0x38: {  	s10 =	sld [smem:$0x3FB5]  }
0x39: {  	_ = 	snop;
	(pc) =	sbr.ind lr, $3  }
0x3a: {  	_ = 	snop  }
0x3b: {  	_ = 	snop  }
0x3c: {  	p2 =	seq.s32 s10, $0x1;
	s10 =	sld [smem:$0x3FB4]  }
0x3d: {  	_ =	shalt  }
0x3e: {  	_ =	shalt  }
0x3f: {  	_ =	shalt  }
0x40: {  	_ =	shalt  }
0x41: {  	_ =	shalt  }
0x42: {  	_ =	shalt  }
0x43: {  	_ =	shalt  }
0x44: {  	_ =	shalt  }
0x45: {  	_ =	shalt  }
0x46: {  	_ =	shalt  }
0x47: {  	_ =	shalt  }
0x48: {  	_ =	shalt  }
0x49: {  	_ =	shalt  }
0x4a: {  	_ =	shalt  }
0x4b: {  	_ =	shalt  }
0x4c: {  	_ =	shalt  }
0x4d: {  	_ =	shalt  }
0x4e: {  	_ =	shalt  }
0x4f: {  	_ =	shalt  }
0x50: {  	_ =	shalt  }
0x51: {  	_ =	shalt  }
0x52: {  	_ =	shalt  }
0x53: {  	_ =	shalt  }
0x54: {  	_ =	shalt  }
0x55: {  	_ =	shalt  }
0x56: {  	_ =	shalt  }
0x57: {  	_ =	shalt  }
0x58: {  	_ =	shalt  }
0x59: {  	_ =	shalt  }
0x5a: {  	_ =	shalt  }
0x5b: {  	_ =	shalt  }
0x5c: {  	_ =	shalt  }
0x5d: {  	_ =	shalt  }
0x5e: {  	_ =	shalt  }
0x5f: {  	_ =	shalt  }
0x60: {  	_ =	shalt  }
0x61: {  	_ =	shalt  }
0x62: {  	_ =	shalt  }
0x63: {  	_ =	shalt  }
0x64: {  	_ =	shalt  }
0x65: {  	_ =	shalt  }
0x66: {  	_ =	shalt  }
0x67: {  	_ =	shalt  }
0x68: {  	_ =	shalt  }
0x69: {  	_ =	shalt  }
0x6a: {  	_ =	shalt  }
0x6b: {  	_ =	shalt  }
0x6c: {  	_ =	shalt  }
0x6d: {  	_ =	shalt  }
0x6e: {  	_ =	shalt  }
0x6f: {  	_ =	shalt  }
0x70: {  	_ =	shalt  }
0x71: {  	_ =	shalt  }
0x72: {  	_ =	shalt  }
0x73: {  	_ =	shalt  }
0x74: {  	_ =	shalt  }
0x75: {  	_ =	shalt  }
0x76: {  	_ =	shalt  }
0x77: {  	_ =	shalt  }
0x78: {  	_ =	shalt  }
0x79: {  	_ =	shalt  }
0x7a: {  	_ =	shalt  }
0x7b: {  	_ =	shalt  }
0x7c: {  	_ =	shalt  }
0x7d: {  	_ =	shalt  }
0x7e: {  	_ =	shalt  }
0x7f: {  	_ =	shalt  }
0x80: {  	_ =	shalt  }
0x81: {  	_ =	shalt  }
0x82: {  	_ =	shalt  }
0x83: {  	_ =	shalt  }
0x84: {  	_ =	shalt  }
0x85: {  	_ =	shalt  }
0x86: {  	_ =	shalt  }
0x87: {  	_ =	shalt  }
.Lfunc_end0:
.L_simem_size_0:
called_computation_lowered:
.L_overlay_start_0:
0x88: {  	s2 =	sld [smem:$0x3FD9]  }
0x89: {  	s3 =	sld [smem:$0x3FFE];
	_ =	sdelay $0x1  }
0x8a: {  	s1 =	srdreg.scid  }
0x8b: {  	s0 =	sand.u32 $0x1, s1  }
0x8c: {  	s17 =	sshll.u32 s0, $0xA;
	s2 =	sadd.s32 s3, s2  }
0x8d: {  	s2 =	sadd.s32 s2, s17  }
0x8e: {  	[smem:$0x3FC0] =	sst s2  }
0x8f: {  	_ = 	snop  }
0x90: {  	s2 =	sld [smem:$0x3FD0];
	(tm) =	ssettm $0x1  }
0x91: {  	s18 =	sld [smem:$0x3FFB];
	_ =	sdelay $0x3  }
0x92: {  	_ =	strace s18  }
0x93: {  	s3 =	sld [smem:$0x3FFC];
	_ =	sdelay $0x3  }
0x94: {  	_ =	strace s3  }
0x95: {  	s3 =	sld [smem:$0x3FFD];
	_ =	sdelay $0x3  }
0x96: {  	_ =	strace s3  }
0x97: {  	_ =	strace $0x8FFFFFFF  }
0x98: {  	s19 =	sld [smem:$0x3FDB];
	_ =	sdelay $0x1  }
0x99: {  	s4 =	simm.s32 $_scs_section_size  }
0x9a: {  	s5 =	simm.s32 $_size__tile_overlayer_lowered;
	s6 =	simm.s32 $_tile_overlayer_lowered  }
0x9b: {  	s22 =	simm.s32 $0x1BFF;
	s21 =	sshll.u32 s6, $0x1;
	s3 =	sadd.s32 s4, s19  }
0x9c: {  	s7 =	simm.s32 $0x0;
	s20 =	sshll.u32 s5, $0x1;
	s5 =	sadd.s32 s21, s3  }
0x9d: {  	[timem:s7], [sflag:s22] =	dma.local [hbm:s5], s20  }
0x9e: {  	_ =	swait.ge [sflag:s22], s20  }
0x9f: {  	s4 =	ssub.s32 $0x0, s20;
	[sflag:s22] =	ssyncset.done $0x0  }
0xa0: {  	[sflag:s22] =	ssyncadd.s32 s4;
	_ =	sdelay $0x1  }
0xa1: {  	s23 =	simm.s32 $0x1B8B  }
0xa2: {  	_ =	swait.ge [sflag:s23], $0x1  }
0xa3: {  	[sflag:s23] =	ssyncset.done $0x0  }
0xa4: {  	s25 =	simm.s32 $0x1B8E;
	s24 =	sld [smem:$0x3FFE];
	[sflag:s23] =	ssyncadd.s32 $0xFFFFFFFF  }
0xa5: {  	s26 =	simm.s32 $execute0_lowered;
	[smem:$0x3FD2] =	sst s25  }
0xa6: {  	s5 =	sshll.u32 s26, $0x1;
	_ =	strace $0x80000046;
	[dreg:$0x1] =	wrdreg $0xFFFFFFFF  }
0xa7: {  	s28 =	simm.s32 $_size_execute0_lowered;
	s3 =	sadd.s32 s3, s5;
	[dreg:$0x0] =	wrdreg $0x0  }
0xa8: {  	s5 =	sshll.u32 s28, $0x1;
	[dreg:$0x2] =	wrdreg s3  }
0xa9: {  	[dreg:$0x3] =	wrdreg s5  }
0xaa: {  	[dreg:$0x4] =	wrdreg $0xC0  }
0xab: {  	_ =	task [dreg:s7], $0x5FFFF  }
0xac: {  	[dreg:$0x1] =	wrdreg $0xFFFFFFFF  }
0xad: {  	[dreg:$0x0] =	wrdreg $0x60  }
0xae: {  	[dreg:$0x2] =	wrdreg s2  }
0xaf: {  	[dreg:$0x3] =	wrdreg s24  }
0xb0: {  	[dreg:$0x4] =	wrdreg $0x9  }
0xb1: {  	_ =	task.clear_ibuf [dreg:s7], $0x5FFFF;
	_ =	strace $0x90000046  }
0xb2: {  	s29 =	simm.s32 $0x9;
	_ =	strace $0x80000048  }
0xb3: {  	_ =	swait.ge [sflag:s29], $0x1  }
0xb4: {  	[sflag:s29] =	ssyncadd.s32 $0xFFFFFFFF  }
0xb5: {  	_ =	strace $0x90000048  }
0xb6: {  	_ =	sfence  }
0xb7: {  	s30 =	sld [smem:$0x0];
	_ =	sdelay $0x2  }
0xb8: {  	s31 =	sshll.u32 s1, $0xD;
	s1 =	sshrl.u32 s1, $0x2  }
0xb9: {  	s3 =	sand.u32 $0x4000, s31;
	s1 =	sadd.s32 s1, s30  }
0xba: {  	s0 =	sor.u32 s3, s0;
	s1 =	sshll.u32 s1, $0x11  }
0xbb: {  	s0 =	sor.u32 s1, s0  }
0xbc: {  	s0 =	sadd.s32 $0x8F2B, s0  }
0xbd: {  	[sflag:s0] =	ssyncadd.remote.s32 $0x1  }
0xbe: {  	_ =	sfence.sel $0xFFFF  }
0xbf: {  	[dreg:$0x0] =	wrdreg $0xFFFFFFFF;
	(pc) =	sbr.abs _section_cstart, $3  }
0xc0: {  	[dreg:$0x1] =	wrdreg $0xFFFFFFFF  }
0xc1: {  	_ =	task.clear_ibuf [dreg:s7], $0x2FFFF;
	_ =	strace $0x9FFFFFFF  }
0xc2: {  	(tm) =	ssettm $0x7FFFFFFF  }
0xc3: {  	_ =	shalt  }
tec
execute0_lowered:
.L_overlay_start_1:
0x0: {  	(tag) =	ssettag $0x1  }
0x1: {  	s0 =	srdreg.scid;
	s5 =	rddreg [dreg:$0x0]  }
0x2: {  	s6 =	rddreg [dreg:$0x1];
	s4 =	sand.u32 $0x1, s0  }
0x3: {  	s11 =	simm.s32 $0x0;
	s0 =	stileid.u32;
	s1 =	sshll.u32 s4, $0x4  }
0x4: {  	s3 =	sshll.u32 s0, $0x7;
	s8 =	smul.u32 $0x5000, s0;
	s1 =	sor.u32 s0, s1  }
0x5: {  	s10 =	smul.u32 $0x2800, s4;
	s4 =	ssub.s32 $0x2, s4;
	s2 =	sshrl.u32 s1, $0x3  }
0x6: {  	s9 =	sand.u32 $0x380, s3;
	s3 =	sadd.s32 $0x1E00, s6;
	s7 =	smul.u32 $0x14000, s2  }
0x7: {  	s31 =	sshrl.u32 s4, $0x1;
	s1 =	rddreg [dreg:$0x2];
	s8 =	sadd.s32 s10, s8  }
0x8: {  	s10 =	simm.s32 $0x400;
	s2 =	simm.s32 $0x0;
	s7 =	sor.u32 s9, s7  }
0x9: {  	s8 =	sshrl.u32 s8, $0x3;
	[smem:$0x7FF] =	sst s2;
	s7 =	sshrl.u32 s7, $0x3  }
0xa: {  	_ =	strace $0x80000047;
	s9 =	simm.s32 $0x80;
	s6 =	sadd.s32 s7, s6  }
0xb: {  	s7 =	ssub.s32 s4, s31;
	s4 =	sadd.s32 s5, s8;
	s8 =	simm.s32 $0x1  }
0xc: {  	v0 =	vimm.f32 $1.000000000e+00;
	s5 =	sadd.s32 $0x2400, s6;
	s6 =	smax.u32 s7, $0x1;
	s7 =	simm.s32 $0x2800  }
.LBB2_1:
0xd: {  	[tilespmem:s7], [sflag:$0x1] =	stream.linear.gather [hbm4b:s3+s2], $0x2800, $0x38;
	[tilespmem:$0x5000] =	vst v63  }
0xe: {  	_ =	swait.ge [sflag:s8], $0x2800  }
0xf: {  	[sflag:s8] =	ssyncset.done $0x0  }
0x10: {  	[sflag:s8] =	ssyncadd.s32 $0xFFFFD800  }
0x11: {  	[tilespmem:s2], [sflag:$0x1] =	stream.linear.gather [hbm4b:s4+s2], $0x2800, $0x38;
	[tilespmem:$0x5000] =	vst v63  }
0x12: {  	_ =	swait.ge [sflag:s8], $0x2800  }
0x13: {  	[sflag:s8] =	ssyncset.done $0x0  }
0x14: {  	s12 =	simm.s32 $0x1C0;
	[sflag:s8] =	ssyncadd.s32 $0xFFFFD800  }
.LBB2_2:
0x15: {  	s13 =	sshra.s32 s12, $0x2  }
0x16: {  	v1 =	vld [tilespmem:s13+$0xFFFFFF90];
	_ =	sdelay $0x7  }
0x17: {  	[tilespmem:v1+s7+$0x0] =	vst.idx.add.f32.msk $0xffff, v0  }
0x18: {  	v1 =	vld [tilespmem:s13+$0xFFFFFFA0];
	_ =	sdelay $0x7  }
0x19: {  	[tilespmem:v1+s7+$0x0] =	vst.idx.add.f32.msk $0xffff, v0  }
0x1a: {  	v1 =	vld [tilespmem:s13+$0xFFFFFFB0];
	_ =	sdelay $0x7  }
0x1b: {  	[tilespmem:v1+s7+$0x0] =	vst.idx.add.f32.msk $0xffff, v0  }
0x1c: {  	v1 =	vld [tilespmem:s13+$0xFFFFFFC0];
	_ =	sdelay $0x7  }
0x1d: {  	[tilespmem:v1+s7+$0x0] =	vst.idx.add.f32.msk $0xffff, v0  }
0x1e: {  	v1 =	vld [tilespmem:s13+$0xFFFFFFD0];
	_ =	sdelay $0x7  }
0x1f: {  	[tilespmem:v1+s7+$0x0] =	vst.idx.add.f32.msk $0xffff, v0  }
0x20: {  	v1 =	vld [tilespmem:s13+$0xFFFFFFE0];
	_ =	sdelay $0x7  }
0x21: {  	[tilespmem:v1+s7+$0x0] =	vst.idx.add.f32.msk $0xffff, v0  }
0x22: {  	v1 =	vld [tilespmem:s13+$0xFFFFFFF0];
	_ =	sdelay $0x7  }
0x23: {  	[tilespmem:v1+s7+$0x0] =	vst.idx.add.f32.msk $0xffff, v0  }
0x24: {  	v1 =	vld [tilespmem:s13+$0x0];
	_ =	sdelay $0x2  }
0x25: {  	p0 =	sne.s32 s12, $0x9FC0  }
.Ltmp0:
0x26: {  	_ = 	snop;
	(pc) =	sbr.rel @p0 .LBB2_2-.Ltmp0, $2  }
0x27: {  	_ =	sdelay $0x2  }
0x28: {  	s12 =	sadd.s32 $0x200, s12;
	[tilespmem:v1+s7+$0x0] =	vst.idx.add.f32.msk $0xffff, v0  }
0x29: {  	s11 =	sadd.s32 $0x1, s11  }
0x2a: {  	p0 =	sne.s32 s11, s6  }
.Ltmp1:
0x2b: {  	_ = 	snop;
	(pc) =	sbr.rel @p0 .LBB2_1-.Ltmp1, $4  }
0x2c: {  	[hbm4b:s5+s9] =	stream.strided.scatter [tilespmem:s7], [sflag:$0x1], $0x2800, s10, s9, $0x38;
	[tilespmem:$0x5000] =	vst v63  }
0x2d: {  	_ =	swait.ge [sflag:s8], $0x2800  }
0x2e: {  	[sflag:s8] =	ssyncset.done $0x0  }
0x2f: {  	[sflag:s8] =	ssyncadd.s32 $0xFFFFD800  }
0x30: {  	_ =	sfence.sel $0x180000  }
0x31: {  	[bflag:$0x0] =	sbarrier.arrive $0xFFFF  }
0x32: {  	p0 =	sne.s32 s0, $0x0;
	_ =	strace $0x90000047  }
0x33: {  	s0 =	sadd.s32 @!p0 $0x100000, s1;
	[bflag:$0x2] =	sbarrier.arrive $0xFFFF  }
0x34: {  	[sflag:s0] =	ssyncadd.tile.s32 @!p0 $0x1;
	_ =	shalt  }
.Lfunc_end2:
_tile_overlayer_lowered:
.L_overlay_start_2:
0x35: {  	(tag) =	ssettag $0x2  }
0x36: {  	s0 =	rddreg [dreg:$0x0];
	s2 =	stileid.u32  }
0x37: {  	s1 =	rddreg [dreg:$0x1];
	p0 =	sne.s32 s2, $0x0  }
0x38: {  	s3 =	rddreg [dreg:$0x2];
	[bflag:$0x3] =	sbarrier.arrive $0xFFFF;
	s2 =	simm.s32 @!p0 $0x1C01  }
0x39: {  	[timem:s3], [sflag:s2] =	dma.local @!p0 [hbm:s0], s1  }
0x3a: {  	s0 =	simm.s32 @!p0 $0x1  }
0x3b: {  	_ =	swait.ge @!p0 [sflag:s0], s1  }
0x3c: {  	s1 =	ssub.s32 @!p0 $0x0, s1;
	[sflag:s0] =	ssyncset.done @!p0 $0x0  }
0x3d: {  	[sflag:s0] =	ssyncadd.s32 @!p0 s1  }
0x3e: {  	[bflag:$0x3] =	sbarrier.arrive $0xFFFF  }
0x3f: {  	_ =	shalt  }

// kernel: kernel.14.cloned.1.call-start
scs
__scs_entry_jumppad:
0x0: {  	(pc) =	sbr.rel $0x88, $3  }
0x1: {  	(tag) =	ssettag $0x0;
	lr =	simm.s32 $0x1  }
0x2: {  	[smem:$0x3F99] =	sst lr;
	_ =	strace $0xD0000000  }
0x3: {  	_ = 	snop  }
0x4: {  	_ = 	snop  }
0x5: {  	_ = 	snop  }
0x6: {  	_ = 	snop  }
0x7: {  	_ = 	snop  }
__scs_overlays_trampoline_lowered:
0x8: {  	[smem:$0x3FA8] =	sst s0  }
0x9: {  	[smem:$0x3FA9] =	sst s1  }
0xa: {  	[smem:$0x3FAA] =	sst s2  }
0xb: {  	[smem:$0x3FAB] =	sst s3  }
0xc: {  	[smem:$0x3FAC] =	sst s4  }
0xd: {  	[smem:$0x3FAD] =	sst s5  }
0xe: {  	[smem:$0x3FAE] =	sst s6  }
0xf: {  	[smem:$0x3FAF] =	sst s7  }
0x10: {  	[smem:$0x3FB0] =	sst s8  }
0x11: {  	[smem:$0x3FB1] =	sst s9;
	s0 =	simm.s32 @!p0 $0x0  }
0x12: {  	s1 =	sld [smem:$0x3F97];
	s0 =	simm.s32 @p0 $0x1  }
0x13: {  	[smem:$0x3FB2] =	sst s0;
	s0 =	simm.s32 @!p1 $0x0  }
0x14: {  	s2 =	sld [smem:$0x3F96];
	s0 =	simm.s32 @p1 $0x1  }
0x15: {  	[smem:$0x3FB3] =	sst s0;
	s0 =	simm.s32 @!p2 $0x0  }
0x16: {  	s3 =	sld [smem:$0x3FDB];
	s0 =	simm.s32 @p2 $0x1  }
0x17: {  	s4 =	simm.s32 $0x1BF5;
	[smem:$0x3FB5] =	sst s0  }
0x18: {  	s0 =	sld [smem:$0x3F98];
	_ =	swait.ge [sflag:s4], $0x0  }
0x19: {  	s7 =	sld [smem:$0x3F99]  }
0x1a: {  	s8 =	sadd.s32 $0xFFFFE003, lr  }
0x1b: {  	s9 =	sadd.s32 $0xFFFFFEF7, lr;
	s5 =	simm.s32 $0xFFFFFFFF;
	p2 =	slt.u32 s8, $0xFFFFF086  }
0x1c: {  	p1 =	slt.u32 s9, $0xF7A;
	s5 =	simm.s32 @!p2 $0x0  }
0x1d: {  	s5 =	simm.s32 @p1 $0x1;
	p0 =	seq.s32 s7, s2  }
0x1e: {  	s7 =	smul.u32 @!p0 $0xF7A, s2;
	p2 =	seq.s32 @!p0 s5, $0x0  }
0x1f: {  	s9 =	smul.u32 $0xF7A, s1;
	s8 =	simm.s32 @!p0 $0x1BF5;
	p2 =	por !p2, p0  }
0x20: {  	[sflag:s8] =	ssyncset.s32 @!p0 $0xFFFFF086;
	s6 =	sadd.s32 @!p0 s3, s7;
	s7 =	simm.s32 @!p0 $0x108  }
0x21: {  	s3 =	sadd.s32 s3, s9;
	s6 =	sadd.s32 @!p0 $0x88, s6;
	s7 =	simm.s32 @p2 $0x1082  }
0x22: {  	[simem:s7], [sflag:s8] =	dma.local @!p0 [hbm:s6], $0xF7A  }
0x23: {  	s9 =	sor.u32 $0xD0000000, s2;
	s6 =	simm.s32 $0x108;
	_ =	swait.ge @!p0 [sflag:s8], $0x0  }
0x24: {  	s3 =	sadd.s32 $0x88, s3;
	s6 =	simm.s32 @!p1 $0x1082;
	[sflag:s4] =	ssyncset.s32 $0xFFFFF086  }
0x25: {  	[simem:s6], [sflag:s4] =	dma.local [hbm:s3], $0xF7A  }
0x26: {  	[smem:$0x3F99] =	sst s1;
	(tag) =	ssettag s2;
	_ =	strace s9  }
0x27: {  	s1 =	sld [smem:$0x3FA9]  }
0x28: {  	s2 =	sld [smem:$0x3FAA]  }
0x29: {  	s4 =	sld [smem:$0x3FAC]  }
0x2a: {  	p0 =	seq.s32 s5, $0x0;
	s5 =	sld [smem:$0x3FAD]  }
0x2b: {  	s6 =	sld [smem:$0x3FAE]  }
0x2c: {  	s7 =	sld [smem:$0x3FAF]  }
0x2d: {  	s3 =	simm.s32 $0x108;
	s8 =	sld [smem:$0x3FB0]  }
0x2e: {  	s3 =	simm.s32 @!p0 $0x1082;
	s9 =	sld [smem:$0x3FB1]  }
0x2f: {  	lr =	sadd.s32 s0, s3;
	s0 =	sld [smem:$0x3FA8]  }
0x30: {  	s3 =	sld [smem:$0x3FAB]  }
0x31: {  	[smem:$0x3FB4] =	sst s10  }
0x32: {  	s10 =	sld [smem:$0x3FB2];
	_ =	sdelay $0x3  }
0x33: {  	p0 =	seq.s32 s10, $0x1;
	s10 =	sld [smem:$0x3FB4];
	_ =	sdelay $0x3  }
0x34: {  	[smem:$0x3FB4] =	sst s10  }
0x35: {  	s10 =	sld [smem:$0x3FB3];
	_ =	sdelay $0x3  }
0x36: {  	p1 =	seq.s32 s10, $0x1;
	s10 =	sld [smem:$0x3FB4];
	_ =	sdelay $0x3  }
0x37: {  	[smem:$0x3FB4] =	sst s10  }
0x38: {  	s10 =	sld [smem:$0x3FB5]  }
0x39: {  	_ = 	snop;
	(pc) =	sbr.ind lr, $3  }
0x3a: {  	_ = 	snop  }
0x3b: {  	_ = 	snop  }
0x3c: {  	p2 =	seq.s32 s10, $0x1;
	s10 =	sld [smem:$0x3FB4]  }
0x3d: {  	_ =	shalt  }
0x3e: {  	_ =	shalt  }
0x3f: {  	_ =	shalt  }
0x40: {  	_ =	shalt  }
0x41: {  	_ =	shalt  }
0x42: {  	_ =	shalt  }
0x43: {  	_ =	shalt  }
0x44: {  	_ =	shalt  }
0x45: {  	_ =	shalt  }
0x46: {  	_ =	shalt  }
0x47: {  	_ =	shalt  }
0x48: {  	_ =	shalt  }
0x49: {  	_ =	shalt  }
0x4a: {  	_ =	shalt  }
0x4b: {  	_ =	shalt  }
0x4c: {  	_ =	shalt  }
0x4d: {  	_ =	shalt  }
0x4e: {  	_ =	shalt  }
0x4f: {  	_ =	shalt  }
0x50: {  	_ =	shalt  }
0x51: {  	_ =	shalt  }
0x52: {  	_ =	shalt  }
0x53: {  	_ =	shalt  }
0x54: {  	_ =	shalt  }
0x55: {  	_ =	shalt  }
0x56: {  	_ =	shalt  }
0x57: {  	_ =	shalt  }
0x58: {  	_ =	shalt  }
0x59: {  	_ =	shalt  }
0x5a: {  	_ =	shalt  }
0x5b: {  	_ =	shalt  }
0x5c: {  	_ =	shalt  }
0x5d: {  	_ =	shalt  }
0x5e: {  	_ =	shalt  }
0x5f: {  	_ =	shalt  }
0x60: {  	_ =	shalt  }
0x61: {  	_ =	shalt  }
0x62: {  	_ =	shalt  }
0x63: {  	_ =	shalt  }
0x64: {  	_ =	shalt  }
0x65: {  	_ =	shalt  }
0x66: {  	_ =	shalt  }
0x67: {  	_ =	shalt  }
0x68: {  	_ =	shalt  }
0x69: {  	_ =	shalt  }
0x6a: {  	_ =	shalt  }
0x6b: {  	_ =	shalt  }
0x6c: {  	_ =	shalt  }
0x6d: {  	_ =	shalt  }
0x6e: {  	_ =	shalt  }
0x6f: {  	_ =	shalt  }
0x70: {  	_ =	shalt  }
0x71: {  	_ =	shalt  }
0x72: {  	_ =	shalt  }
0x73: {  	_ =	shalt  }
0x74: {  	_ =	shalt  }
0x75: {  	_ =	shalt  }
0x76: {  	_ =	shalt  }
0x77: {  	_ =	shalt  }
0x78: {  	_ =	shalt  }
0x79: {  	_ =	shalt  }
0x7a: {  	_ =	shalt  }
0x7b: {  	_ =	shalt  }
0x7c: {  	_ =	shalt  }
0x7d: {  	_ =	shalt  }
0x7e: {  	_ =	shalt  }
0x7f: {  	_ =	shalt  }
0x80: {  	_ =	shalt  }
0x81: {  	_ =	shalt  }
0x82: {  	_ =	shalt  }
0x83: {  	_ =	shalt  }
0x84: {  	_ =	shalt  }
0x85: {  	_ =	shalt  }
0x86: {  	_ =	shalt  }
0x87: {  	_ =	shalt  }
.Lfunc_end0:
.L_simem_size_0:
called_computation.1_lowered:
.L_overlay_start_0:
0x88: {  	s2 =	sld [smem:$0x3FD9]  }
0x89: {  	s3 =	sld [smem:$0x3FFE];
	_ =	sdelay $0x1  }
0x8a: {  	s1 =	srdreg.scid  }
0x8b: {  	s0 =	sand.u32 $0x1, s1  }
0x8c: {  	s17 =	sshll.u32 s0, $0xA;
	s2 =	sadd.s32 s3, s2  }
0x8d: {  	s2 =	sadd.s32 s2, s17  }
0x8e: {  	[smem:$0x3FC0] =	sst s2  }
0x8f: {  	_ = 	snop  }
0x90: {  	s2 =	sld [smem:$0x3FD0];
	(tm) =	ssettm $0x1  }
0x91: {  	s18 =	sld [smem:$0x3FFB];
	_ =	sdelay $0x3  }
0x92: {  	_ =	strace s18  }
0x93: {  	s3 =	sld [smem:$0x3FFC];
	_ =	sdelay $0x3  }
0x94: {  	_ =	strace s3  }
0x95: {  	s3 =	sld [smem:$0x3FFD];
	_ =	sdelay $0x3  }
0x96: {  	_ =	strace s3  }
0x97: {  	_ =	strace $0x8FFFFFFF  }
0x98: {  	s19 =	sld [smem:$0x3FDB];
	_ =	sdelay $0x1  }
0x99: {  	s4 =	simm.s32 $_scs_section_size  }
0x9a: {  	s5 =	simm.s32 $_size__tile_overlayer_lowered;
	s6 =	simm.s32 $_tile_overlayer_lowered  }
0x9b: {  	s22 =	simm.s32 $0x1BFF;
	s21 =	sshll.u32 s6, $0x1;
	s3 =	sadd.s32 s4, s19  }
0x9c: {  	s7 =	simm.s32 $0x0;
	s20 =	sshll.u32 s5, $0x1;
	s5 =	sadd.s32 s21, s3  }
0x9d: {  	[timem:s7], [sflag:s22] =	dma.local [hbm:s5], s20  }
0x9e: {  	_ =	swait.ge [sflag:s22], s20  }
0x9f: {  	s4 =	ssub.s32 $0x0, s20;
	[sflag:s22] =	ssyncset.done $0x0  }
0xa0: {  	[sflag:s22] =	ssyncadd.s32 s4;
	_ =	sdelay $0x1  }
0xa1: {  	s23 =	simm.s32 $0x1B8B  }
0xa2: {  	_ =	swait.ge [sflag:s23], $0x1  }
0xa3: {  	[sflag:s23] =	ssyncset.done $0x0  }
0xa4: {  	s25 =	simm.s32 $0x1B8E;
	s24 =	sld [smem:$0x3FFE];
	[sflag:s23] =	ssyncadd.s32 $0xFFFFFFFF  }
0xa5: {  	s26 =	simm.s32 $execute0_lowered;
	[smem:$0x3FD2] =	sst s25  }
0xa6: {  	s5 =	sshll.u32 s26, $0x1;
	_ =	strace $0x80000049;
	[dreg:$0x1] =	wrdreg $0xFFFFFFFF  }
0xa7: {  	s28 =	simm.s32 $_size_execute0_lowered;
	s3 =	sadd.s32 s3, s5;
	[dreg:$0x0] =	wrdreg $0x0  }
0xa8: {  	s5 =	sshll.u32 s28, $0x1;
	[dreg:$0x2] =	wrdreg s3  }
0xa9: {  	[dreg:$0x3] =	wrdreg s5  }
0xaa: {  	[dreg:$0x4] =	wrdreg $0xC0  }
0xab: {  	_ =	task [dreg:s7], $0x5FFFF  }
0xac: {  	[dreg:$0x1] =	wrdreg $0xFFFFFFFF  }
0xad: {  	[dreg:$0x0] =	wrdreg $0x60  }
0xae: {  	[dreg:$0x2] =	wrdreg s24  }
0xaf: {  	[dreg:$0x3] =	wrdreg s2  }
0xb0: {  	[dreg:$0x4] =	wrdreg $0x140000  }
0xb1: {  	[dreg:$0x5] =	wrdreg $0x9  }
0xb2: {  	_ =	task.clear_ibuf [dreg:s7], $0x6FFFF;
	_ =	strace $0x90000049  }
0xb3: {  	s29 =	simm.s32 $0x9;
	_ =	strace $0x8000004B  }
0xb4: {  	_ =	swait.ge [sflag:s29], $0x1  }
0xb5: {  	[sflag:s29] =	ssyncadd.s32 $0xFFFFFFFF  }
0xb6: {  	_ =	strace $0x9000004B  }
0xb7: {  	_ =	sfence  }
0xb8: {  	s30 =	sld [smem:$0x0];
	_ =	sdelay $0x2  }
0xb9: {  	s31 =	sshll.u32 s1, $0xD;
	s1 =	sshrl.u32 s1, $0x2  }
0xba: {  	s3 =	sand.u32 $0x4000, s31;
	s1 =	sadd.s32 s1, s30  }
0xbb: {  	s0 =	sor.u32 s3, s0;
	s1 =	sshll.u32 s1, $0x11  }
0xbc: {  	s0 =	sor.u32 s1, s0  }
0xbd: {  	s0 =	sadd.s32 $0x8F2B, s0  }
0xbe: {  	[sflag:s0] =	ssyncadd.remote.s32 $0x1  }
0xbf: {  	_ =	sfence.sel $0xFFFF  }
0xc0: {  	[dreg:$0x0] =	wrdreg $0xFFFFFFFF;
	(pc) =	sbr.abs _section_cstart, $3  }
0xc1: {  	[dreg:$0x1] =	wrdreg $0xFFFFFFFF  }
0xc2: {  	_ =	task.clear_ibuf [dreg:s7], $0x2FFFF;
	_ =	strace $0x9FFFFFFF  }
0xc3: {  	(tm) =	ssettm $0x7FFFFFFF  }
tec
execute0_lowered:
.L_overlay_start_1:
0x0: {  	(tag) =	ssettag $0x1  }
0x1: {  	s0 =	rddreg [dreg:$0x0]  }
0x2: {  	s2 =	rddreg [dreg:$0x1]  }
0x3: {  	s1 =	rddreg [dreg:$0x2]  }
0x4: {  	s3 =	srdreg.scid;
	s12 =	stileid.u32  }
0x5: {  	s14 =	simm.s32 $0x80;
	s15 =	simm.s32 $0xA000;
	s16 =	simm.s32 $0xC000  }
0x6: {  	s18 =	simm.s32 $0xE000;
	s20 =	simm.s32 $0x10000;
	s22 =	simm.s32 $0x12000  }
0x7: {  	s23 =	simm.s32 $0x1;
	s28 =	simm.s32 $0x3;
	s29 =	simm.s32 $0x8  }
0x8: {  	s30 =	simm.s32 $0x4;
	s31 =	simm.s32 $0x9;
	s7 =	smul.u32 $0xA000, s12  }
0x9: {  	s17 =	simm.s32 $0x0;
	s4 =	sand.u32 $0x1, s3;
	s8 =	smul.u32 $0xA00, s12  }
0xa: {  	s3 =	simm.s32 $0x0;
	s26 =	sshll.u32 s12, $0x6;
	s5 =	smul.u32 $0xA0000, s4  }
0xb: {  	[smem:$0x7FF] =	sst s3;
	s4 =	ssub.s32 $0x2, s4;
	s12 =	sor.u32 $0x1C0B, s26  }
0xc: {  	s26 =	simm.s32 $0x7;
	_ =	strace $0x8000004A;
	s9 =	sadd.s32 s8, s0  }
0xd: {  	s24 =	sshrl.u32 s4, $0x1;
	s25 =	sadd.s32 s7, s1;
	s11 =	sshrl.u32 s7, $0x3  }
0xe: {  	s6 =	sshrl.u32 s5, $0x3;
	s5 =	sadd.s32 s7, s5;
	s10 =	ssub.s32 s4, s24  }
0xf: {  	s4 =	sadd.s32 $0xC400, s9;
	s9 =	simm.s32 $0xB;
	s13 =	sshrl.u32 s25, $0x3  }
0x10: {  	s24 =	simm.s32 $0x6;
	s25 =	simm.s32 $0x2;
	s5 =	sshrl.u32 s5, $0x3  }
0x11: {  	s6 =	sadd.s32 s6, s0;
	s0 =	sadd.s32 s5, s0;
	s5 =	sadd.s32 s2, s8  }
0x12: {  	s6 =	sadd.s32 $0x66400, s6;
	s8 =	smax.u32 s10, $0x1;
	s2 =	simm.s32 $0xA  }
0x13: {  	s7 =	sadd.s32 $0x16400, s0;
	s11 =	sadd.s32 s11, s6;
	s0 =	simm.s32 $0x5  }
.LBB2_1:
0x14: {  	[tilespmem:s3], [sflag:$0xB] =	stream.linear.gather [hbm4b:s4+s3], $0x5000, $0x38;
	[tilespmem:$0x1E000] =	vst v63  }
0x15: {  	_ =	swait.ge [sflag:s9], $0x5000  }
0x16: {  	[sflag:s9] =	ssyncset.done $0x0  }
0x17: {  	s10 =	simm.s32 $0x5000;
	[sflag:s9] =	ssyncadd.s32 $0xFFFFB000  }
0x18: {  	[tilespmem:s10], [sflag:$0xB] =	stream.linear.gather [hbm4b:s5+s3], $0x5000, $0x38;
	[tilespmem:$0x1E000] =	vst v63  }
0x19: {  	_ =	swait.ge [sflag:s9], $0x5000  }
0x1a: {  	[sflag:s9] =	ssyncset.done $0x0  }
0x1b: {  	[sflag:s9] =	ssyncadd.s32 $0xFFFFB000  }
0x1c: {  	[spmem:s13], [sflag:s12] =	dma.local [hbm:s11], $0x1400  }
0x1d: {  	_ =	swait.ge [sflag:s9], $0x1400  }
0x1e: {  	[sflag:s9] =	ssyncset.done $0x0  }
0x1f: {  	[sflag:s9] =	ssyncadd.s32 $0xFFFFEC00  }
0x20: {  	[bflag:$0x0] =	sbarrier.arrive $0xFFFF  }
0x21: {  	[tilespmem:s15], [sflag:$0x1] =	stream.indirect.gather [hbm4b:s6+s14], $0x40, s3, s14, $0xb8;
	[tilespmem:$0x1E000] =	vst v63  }
0x22: {  	_ = 	snop  }
0x23: {  	[tilespmem:s16], [sflag:$0x2] =	stream.indirect.gather [hbm4b:s6+s14], $0x40, s14, s14, $0xb8;
	[tilespmem:$0x1E000] =	vst v63  }
0x24: {  	s21 =	simm.s32 $0x100  }
0x25: {  	[tilespmem:s18], [sflag:$0x3] =	stream.indirect.gather [hbm4b:s6+s14], $0x40, s21, s14, $0xb8;
	[tilespmem:$0x1E000] =	vst v63  }
0x26: {  	s19 =	simm.s32 $0x180  }
0x27: {  	[tilespmem:s20], [sflag:$0x4] =	stream.indirect.gather [hbm4b:s6+s14], $0x40, s19, s14, $0xb8;
	[tilespmem:$0x1E000] =	vst v63  }
0x28: {  	s21 =	simm.s32 $0x200  }
0x29: {  	[tilespmem:s22], [sflag:$0x5] =	stream.indirect.gather [hbm4b:s6+s14], $0x40, s21, s14, $0xb8;
	[tilespmem:$0x1E000] =	vst v63  }
0x2a: {  	_ =	swait.ge [sflag:s23], $0x2000  }
0x2b: {  	[sflag:s23] =	ssyncset.done $0x0  }
0x2c: {  	s19 =	simm.s32 $0x5000;
	[sflag:s23] =	ssyncadd.s32 $0xFFFFE000  }
0x2d: {  	[spmem:s1] =	stream.indirect.scatter.add.f32 [tilespmem:s15], [sflag:$0x6], $0x40, s19, s14, $0xb8;
	[tilespmem:$0x1E000] =	vst v63  }
0x2e: {  	_ =	swait.ge [sflag:s24], $0x2000  }
0x2f: {  	[sflag:s24] =	ssyncset.done $0x0  }
0x30: {  	s10 =	simm.s32 $0x280;
	[sflag:s24] =	ssyncadd.s32 $0xFFFFE000  }
0x31: {  	[tilespmem:s15], [sflag:$0x1] =	stream.indirect.gather [hbm4b:s6+s14], $0x40, s10, s14, $0xb8;
	[tilespmem:$0x1E000] =	vst v63  }
0x32: {  	_ =	swait.ge [sflag:s25], $0x2000  }
0x33: {  	[sflag:s25] =	ssyncset.done $0x0  }
0x34: {  	s21 =	simm.s32 $0x5080;
	[sflag:s25] =	ssyncadd.s32 $0xFFFFE000  }
0x35: {  	[spmem:s1] =	stream.indirect.scatter.add.f32 [tilespmem:s16], [sflag:$0x7], $0x40, s21, s14, $0xb8;
	[tilespmem:$0x1E000] =	vst v63  }
0x36: {  	_ =	swait.ge [sflag:s26], $0x2000  }
0x37: {  	[sflag:s26] =	ssyncset.done $0x0  }
0x38: {  	s10 =	simm.s32 $0x300;
	[sflag:s26] =	ssyncadd.s32 $0xFFFFE000  }
0x39: {  	[tilespmem:s16], [sflag:$0x2] =	stream.indirect.gather [hbm4b:s6+s14], $0x40, s10, s14, $0xb8;
	[tilespmem:$0x1E000] =	vst v63  }
0x3a: {  	_ =	swait.ge [sflag:s28], $0x2000  }
0x3b: {  	[sflag:s28] =	ssyncset.done $0x0  }
0x3c: {  	s21 =	simm.s32 $0x5100;
	[sflag:s28] =	ssyncadd.s32 $0xFFFFE000  }
0x3d: {  	[spmem:s1] =	stream.indirect.scatter.add.f32 [tilespmem:s18], [sflag:$0x8], $0x40, s21, s14, $0xb8;
	[tilespmem:$0x1E000] =	vst v63  }
0x3e: {  	_ =	swait.ge [sflag:s29], $0x2000  }
0x3f: {  	[sflag:s29] =	ssyncset.done $0x0  }
0x40: {  	s10 =	simm.s32 $0x380;
	[sflag:s29] =	ssyncadd.s32 $0xFFFFE000  }
0x41: {  	[tilespmem:s18], [sflag:$0x3] =	stream.indirect.gather [hbm4b:s6+s14], $0x40, s10, s14, $0xb8;
	[tilespmem:$0x1E000] =	vst v63  }
0x42: {  	_ =	swait.ge [sflag:s30], $0x2000  }
0x43: {  	[sflag:s30] =	ssyncset.done $0x0  }
0x44: {  	s21 =	simm.s32 $0x5180;
	[sflag:s30] =	ssyncadd.s32 $0xFFFFE000  }
0x45: {  	[spmem:s1] =	stream.indirect.scatter.add.f32 [tilespmem:s20], [sflag:$0x9], $0x40, s21, s14, $0xb8;
	[tilespmem:$0x1E000] =	vst v63  }
0x46: {  	_ =	swait.ge [sflag:s31], $0x2000  }
0x47: {  	[sflag:s31] =	ssyncset.done $0x0  }
0x48: {  	s10 =	simm.s32 $0x400;
	[sflag:s31] =	ssyncadd.s32 $0xFFFFE000  }
0x49: {  	[tilespmem:s20], [sflag:$0x4] =	stream.indirect.gather [hbm4b:s6+s14], $0x40, s10, s14, $0xb8;
	[tilespmem:$0x1E000] =	vst v63  }
0x4a: {  	_ =	swait.ge [sflag:s0], $0x2000  }
0x4b: {  	[sflag:s0] =	ssyncset.done $0x0  }
0x4c: {  	s21 =	simm.s32 $0x5200;
	[sflag:s0] =	ssyncadd.s32 $0xFFFFE000  }
0x4d: {  	[spmem:s1] =	stream.indirect.scatter.add.f32 [tilespmem:s22], [sflag:$0xA], $0x40, s21, s14, $0xb8;
	[tilespmem:$0x1E000] =	vst v63  }
0x4e: {  	_ =	swait.ge [sflag:s2], $0x2000  }
0x4f: {  	[sflag:s2] =	ssyncset.done $0x0  }
0x50: {  	s19 =	simm.s32 $0xA00;
	s21 =	simm.s32 $0x480;
	[sflag:s2] =	ssyncadd.s32 $0xFFFFE000  }
.LBB2_2:
0x51: {  	[tilespmem:s22], [sflag:$0x5] =	stream.indirect.gather [hbm4b:s6+s14], $0x40, s21, s14, $0xb8;
	[tilespmem:$0x1E000] =	vst v63  }
0x52: {  	s21 =	smov.u32 s19  }
0x53: {  	p0 =	sne.s32 s19, $0x12C00;
	s19 =	sadd.s32 $0xA00, s19;
	_ =	swait.ge [sflag:s23], $0x2000  }
0x54: {  	s21 =	sshra.s32 s21, $0x2;
	[sflag:s23] =	ssyncset.done $0x0  }
0x55: {  	s10 =	sadd.s32 $0x5000, s21;
	[sflag:s23] =	ssyncadd.s32 $0xFFFFE000  }
0x56: {  	[spmem:s1] =	stream.indirect.scatter.add.f32 [tilespmem:s15], [sflag:$0x6], $0x40, s10, s14, $0xb8;
	[tilespmem:$0x1E000] =	vst v63  }
0x57: {  	_ =	swait.ge [sflag:s24], $0x2000  }
0x58: {  	[sflag:s24] =	ssyncset.done $0x0  }
0x59: {  	s10 =	sadd.s32 $0x280, s21;
	[sflag:s24] =	ssyncadd.s32 $0xFFFFE000  }
0x5a: {  	[tilespmem:s15], [sflag:$0x1] =	stream.indirect.gather [hbm4b:s6+s14], $0x40, s10, s14, $0xb8;
	[tilespmem:$0x1E000] =	vst v63  }
0x5b: {  	_ =	swait.ge [sflag:s25], $0x2000  }
0x5c: {  	[sflag:s25] =	ssyncset.done $0x0  }
0x5d: {  	s10 =	sadd.s32 $0x5080, s21;
	[sflag:s25] =	ssyncadd.s32 $0xFFFFE000  }
0x5e: {  	[spmem:s1] =	stream.indirect.scatter.add.f32 [tilespmem:s16], [sflag:$0x7], $0x40, s10, s14, $0xb8;
	[tilespmem:$0x1E000] =	vst v63  }
0x5f: {  	_ =	swait.ge [sflag:s26], $0x2000  }
0x60: {  	[sflag:s26] =	ssyncset.done $0x0  }
0x61: {  	s10 =	sadd.s32 $0x300, s21;
	[sflag:s26] =	ssyncadd.s32 $0xFFFFE000  }
0x62: {  	[tilespmem:s16], [sflag:$0x2] =	stream.indirect.gather [hbm4b:s6+s14], $0x40, s10, s14, $0xb8;
	[tilespmem:$0x1E000] =	vst v63  }
0x63: {  	_ =	swait.ge [sflag:s28], $0x2000  }
0x64: {  	[sflag:s28] =	ssyncset.done $0x0  }
0x65: {  	s10 =	sadd.s32 $0x5100, s21;
	[sflag:s28] =	ssyncadd.s32 $0xFFFFE000  }
0x66: {  	[spmem:s1] =	stream.indirect.scatter.add.f32 [tilespmem:s18], [sflag:$0x8], $0x40, s10, s14, $0xb8;
	[tilespmem:$0x1E000] =	vst v63  }
0x67: {  	_ =	swait.ge [sflag:s29], $0x2000  }
0x68: {  	[sflag:s29] =	ssyncset.done $0x0  }
0x69: {  	s10 =	sadd.s32 $0x380, s21;
	[sflag:s29] =	ssyncadd.s32 $0xFFFFE000  }
0x6a: {  	[tilespmem:s18], [sflag:$0x3] =	stream.indirect.gather [hbm4b:s6+s14], $0x40, s10, s14, $0xb8;
	[tilespmem:$0x1E000] =	vst v63  }
0x6b: {  	_ =	swait.ge [sflag:s30], $0x2000  }
0x6c: {  	[sflag:s30] =	ssyncset.done $0x0  }
0x6d: {  	s10 =	sadd.s32 $0x5180, s21;
	[sflag:s30] =	ssyncadd.s32 $0xFFFFE000  }
0x6e: {  	[spmem:s1] =	stream.indirect.scatter.add.f32 [tilespmem:s20], [sflag:$0x9], $0x40, s10, s14, $0xb8;
	[tilespmem:$0x1E000] =	vst v63  }
0x6f: {  	_ =	swait.ge [sflag:s31], $0x2000  }
0x70: {  	[sflag:s31] =	ssyncset.done $0x0  }
0x71: {  	s10 =	sadd.s32 $0x400, s21;
	[sflag:s31] =	ssyncadd.s32 $0xFFFFE000  }
0x72: {  	[tilespmem:s20], [sflag:$0x4] =	stream.indirect.gather [hbm4b:s6+s14], $0x40, s10, s14, $0xb8;
	[tilespmem:$0x1E000] =	vst v63  }
0x73: {  	_ =	swait.ge [sflag:s0], $0x2000  }
0x74: {  	[sflag:s0] =	ssyncset.done $0x0  }
.Ltmp0:
0x75: {  	s10 =	sadd.s32 $0x5200, s21;
	[sflag:s0] =	ssyncadd.s32 $0xFFFFE000;
	(pc) =	sbr.rel @p0 .LBB2_2-.Ltmp0, $4  }
0x76: {  	[spmem:s1] =	stream.indirect.scatter.add.f32 [tilespmem:s22], [sflag:$0xA], $0x40, s10, s14, $0xb8;
	[tilespmem:$0x1E000] =	vst v63  }
0x77: {  	_ =	swait.ge [sflag:s2], $0x2000  }
0x78: {  	[sflag:s2] =	ssyncset.done $0x0  }
0x79: {  	s21 =	sadd.s32 $0x480, s21;
	[sflag:s2] =	ssyncadd.s32 $0xFFFFE000  }
0x7a: {  	[tilespmem:s22], [sflag:$0x5] =	stream.indirect.gather [hbm4b:s6+s14], $0x40, s21, s14, $0xb8;
	[tilespmem:$0x1E000] =	vst v63  }
0x7b: {  	_ =	swait.ge [sflag:s23], $0x2000  }
0x7c: {  	[sflag:s23] =	ssyncset.done $0x0  }
0x7d: {  	s10 =	simm.s32 $0x9D80;
	[sflag:s23] =	ssyncadd.s32 $0xFFFFE000  }
0x7e: {  	[spmem:s1] =	stream.indirect.scatter.add.f32 [tilespmem:s15], [sflag:$0x6], $0x40, s10, s14, $0xb8;
	[tilespmem:$0x1E000] =	vst v63  }
0x7f: {  	_ =	swait.ge [sflag:s24], $0x2000  }
0x80: {  	[sflag:s24] =	ssyncset.done $0x0  }
0x81: {  	[sflag:s24] =	ssyncadd.s32 $0xFFFFE000  }
0x82: {  	_ =	swait.ge [sflag:s25], $0x2000  }
0x83: {  	[sflag:s25] =	ssyncset.done $0x0  }
0x84: {  	s19 =	simm.s32 $0x9E00;
	[sflag:s25] =	ssyncadd.s32 $0xFFFFE000  }
0x85: {  	[spmem:s1] =	stream.indirect.scatter.add.f32 [tilespmem:s16], [sflag:$0x7], $0x40, s19, s14, $0xb8;
	[tilespmem:$0x1E000] =	vst v63  }
0x86: {  	_ =	swait.ge [sflag:s26], $0x2000  }
0x87: {  	[sflag:s26] =	ssyncset.done $0x0  }
0x88: {  	[sflag:s26] =	ssyncadd.s32 $0xFFFFE000  }
0x89: {  	_ =	swait.ge [sflag:s28], $0x2000  }
0x8a: {  	[sflag:s28] =	ssyncset.done $0x0  }
0x8b: {  	s21 =	simm.s32 $0x9E80;
	[sflag:s28] =	ssyncadd.s32 $0xFFFFE000  }
0x8c: {  	[spmem:s1] =	stream.indirect.scatter.add.f32 [tilespmem:s18], [sflag:$0x8], $0x40, s21, s14, $0xb8;
	[tilespmem:$0x1E000] =	vst v63  }
0x8d: {  	_ =	swait.ge [sflag:s29], $0x2000  }
0x8e: {  	[sflag:s29] =	ssyncset.done $0x0  }
0x8f: {  	[sflag:s29] =	ssyncadd.s32 $0xFFFFE000  }
0x90: {  	_ =	swait.ge [sflag:s30], $0x2000  }
0x91: {  	[sflag:s30] =	ssyncset.done $0x0  }
0x92: {  	s19 =	simm.s32 $0x9F00;
	[sflag:s30] =	ssyncadd.s32 $0xFFFFE000  }
0x93: {  	[spmem:s1] =	stream.indirect.scatter.add.f32 [tilespmem:s20], [sflag:$0x9], $0x40, s19, s14, $0xb8;
	[tilespmem:$0x1E000] =	vst v63  }
0x94: {  	_ =	swait.ge [sflag:s31], $0x2000  }
0x95: {  	[sflag:s31] =	ssyncset.done $0x0  }
0x96: {  	[sflag:s31] =	ssyncadd.s32 $0xFFFFE000  }
0x97: {  	_ =	swait.ge [sflag:s0], $0x2000  }
0x98: {  	[sflag:s0] =	ssyncset.done $0x0  }
0x99: {  	s21 =	simm.s32 $0x9F80;
	[sflag:s0] =	ssyncadd.s32 $0xFFFFE000  }
0x9a: {  	[spmem:s1] =	stream.indirect.scatter.add.f32 [tilespmem:s22], [sflag:$0xA], $0x40, s21, s14, $0xb8;
	[tilespmem:$0x1E000] =	vst v63  }
0x9b: {  	_ =	swait.ge [sflag:s2], $0x2000  }
0x9c: {  	s17 =	sadd.s32 $0x1, s17;
	[sflag:s2] =	ssyncset.done $0x0  }
0x9d: {  	p0 =	sne.s32 s17, s8;
	[sflag:s2] =	ssyncadd.s32 $0xFFFFE000  }
.Ltmp1:
0x9e: {  	[bflag:$0x0] =	sbarrier.arrive $0xFFFF;
	(pc) =	sbr.rel @p0 .LBB2_1-.Ltmp1, $4  }
0x9f: {  	[hbm:s7], [sflag:s12] =	dma.local [spmem:s13], $0x1400  }
0xa0: {  	_ =	swait.ge [sflag:s9], $0x1400  }
0xa1: {  	[sflag:s9] =	ssyncset.done $0x0  }
0xa2: {  	[sflag:s9] =	ssyncadd.s32 $0xFFFFEC00  }
0xa3: {  	_ =	sfence.sel $0x180000  }
0xa4: {  	[bflag:$0x0] =	sbarrier.arrive $0xFFFF  }
0xa5: {  	_ =	strace $0x9000004A  }
0xa6: {  	s0 =	stileid.u32;
	[bflag:$0x2] =	sbarrier.arrive $0xFFFF  }
0xa7: {  	p0 =	sne.s32 s0, $0x0;
	s0 =	rddreg [dreg:$0x3]  }
0xa8: {  	s0 =	sadd.s32 @!p0 $0x100000, s0  }
0xa9: {  	[sflag:s0] =	ssyncadd.tile.s32 @!p0 $0x1;
	_ =	shalt  }
.Lfunc_end2:
_tile_overlayer_lowered:
.L_overlay_start_2:
0xaa: {  	(tag) =	ssettag $0x2  }
0xab: {  	s0 =	rddreg [dreg:$0x0];
	s2 =	stileid.u32  }
0xac: {  	s1 =	rddreg [dreg:$0x1];
	p0 =	sne.s32 s2, $0x0  }
0xad: {  	s3 =	rddreg [dreg:$0x2];
	[bflag:$0x3] =	sbarrier.arrive $0xFFFF;
	s2 =	simm.s32 @!p0 $0x1C0B  }
0xae: {  	[timem:s3], [sflag:s2] =	dma.local @!p0 [hbm:s0], s1  }
0xaf: {  	s0 =	simm.s32 @!p0 $0xB  }
0xb0: {  	_ =	swait.ge @!p0 [sflag:s0], s1  }
0xb1: {  	s1 =	ssub.s32 @!p0 $0x0, s1;
	[sflag:s0] =	ssyncset.done @!p0 $0x0  }
0xb2: {  	[sflag:s0] =	ssyncadd.s32 @!p0 s1  }
0xb3: {  	[bflag:$0x3] =	sbarrier.arrive $0xFFFF  }
0xb4: {  	_ =	shalt  }

// kernel: kernel.17.cloned.1.call-start
scs
__scs_entry_jumppad:
0x0: {  	(pc) =	sbr.rel $0x88, $3  }
0x1: {  	(tag) =	ssettag $0x0;
	lr =	simm.s32 $0x1  }
0x2: {  	[smem:$0x3F99] =	sst lr;
	_ =	strace $0xD0000000  }
0x3: {  	_ = 	snop  }
0x4: {  	_ = 	snop  }
0x5: {  	_ = 	snop  }
0x6: {  	_ = 	snop  }
0x7: {  	_ = 	snop  }
__scs_overlays_trampoline_lowered:
0x8: {  	[smem:$0x3FA8] =	sst s0  }
0x9: {  	[smem:$0x3FA9] =	sst s1  }
0xa: {  	[smem:$0x3FAA] =	sst s2  }
0xb: {  	[smem:$0x3FAB] =	sst s3  }
0xc: {  	[smem:$0x3FAC] =	sst s4  }
0xd: {  	[smem:$0x3FAD] =	sst s5  }
0xe: {  	[smem:$0x3FAE] =	sst s6  }
0xf: {  	[smem:$0x3FAF] =	sst s7  }
0x10: {  	[smem:$0x3FB0] =	sst s8  }
0x11: {  	[smem:$0x3FB1] =	sst s9;
	s0 =	simm.s32 @!p0 $0x0  }
0x12: {  	s1 =	sld [smem:$0x3F97];
	s0 =	simm.s32 @p0 $0x1  }
0x13: {  	[smem:$0x3FB2] =	sst s0;
	s0 =	simm.s32 @!p1 $0x0  }
0x14: {  	s2 =	sld [smem:$0x3F96];
	s0 =	simm.s32 @p1 $0x1  }
0x15: {  	[smem:$0x3FB3] =	sst s0;
	s0 =	simm.s32 @!p2 $0x0  }
0x16: {  	s3 =	sld [smem:$0x3FDB];
	s0 =	simm.s32 @p2 $0x1  }
0x17: {  	s4 =	simm.s32 $0x1BF5;
	[smem:$0x3FB5] =	sst s0  }
0x18: {  	s0 =	sld [smem:$0x3F98];
	_ =	swait.ge [sflag:s4], $0x0  }
0x19: {  	s7 =	sld [smem:$0x3F99]  }
0x1a: {  	s8 =	sadd.s32 $0xFFFFE003, lr  }
0x1b: {  	s9 =	sadd.s32 $0xFFFFFEF7, lr;
	s5 =	simm.s32 $0xFFFFFFFF;
	p2 =	slt.u32 s8, $0xFFFFF086  }
0x1c: {  	p1 =	slt.u32 s9, $0xF7A;
	s5 =	simm.s32 @!p2 $0x0  }
0x1d: {  	s5 =	simm.s32 @p1 $0x1;
	p0 =	seq.s32 s7, s2  }
0x1e: {  	s7 =	smul.u32 @!p0 $0xF7A, s2;
	p2 =	seq.s32 @!p0 s5, $0x0  }
0x1f: {  	s9 =	smul.u32 $0xF7A, s1;
	s8 =	simm.s32 @!p0 $0x1BF5;
	p2 =	por !p2, p0  }
0x20: {  	[sflag:s8] =	ssyncset.s32 @!p0 $0xFFFFF086;
	s6 =	sadd.s32 @!p0 s3, s7;
	s7 =	simm.s32 @!p0 $0x108  }
0x21: {  	s3 =	sadd.s32 s3, s9;
	s6 =	sadd.s32 @!p0 $0x88, s6;
	s7 =	simm.s32 @p2 $0x1082  }
0x22: {  	[simem:s7], [sflag:s8] =	dma.local @!p0 [hbm:s6], $0xF7A  }
0x23: {  	s9 =	sor.u32 $0xD0000000, s2;
	s6 =	simm.s32 $0x108;
	_ =	swait.ge @!p0 [sflag:s8], $0x0  }
0x24: {  	s3 =	sadd.s32 $0x88, s3;
	s6 =	simm.s32 @!p1 $0x1082;
	[sflag:s4] =	ssyncset.s32 $0xFFFFF086  }
0x25: {  	[simem:s6], [sflag:s4] =	dma.local [hbm:s3], $0xF7A  }
0x26: {  	[smem:$0x3F99] =	sst s1;
	(tag) =	ssettag s2;
	_ =	strace s9  }
0x27: {  	s1 =	sld [smem:$0x3FA9]  }
0x28: {  	s2 =	sld [smem:$0x3FAA]  }
0x29: {  	s4 =	sld [smem:$0x3FAC]  }
0x2a: {  	p0 =	seq.s32 s5, $0x0;
	s5 =	sld [smem:$0x3FAD]  }
0x2b: {  	s6 =	sld [smem:$0x3FAE]  }
0x2c: {  	s7 =	sld [smem:$0x3FAF]  }
0x2d: {  	s3 =	simm.s32 $0x108;
	s8 =	sld [smem:$0x3FB0]  }
0x2e: {  	s3 =	simm.s32 @!p0 $0x1082;
	s9 =	sld [smem:$0x3FB1]  }
0x2f: {  	lr =	sadd.s32 s0, s3;
	s0 =	sld [smem:$0x3FA8]  }
0x30: {  	s3 =	sld [smem:$0x3FAB]  }
0x31: {  	[smem:$0x3FB4] =	sst s10  }
0x32: {  	s10 =	sld [smem:$0x3FB2];
	_ =	sdelay $0x3  }
0x33: {  	p0 =	seq.s32 s10, $0x1;
	s10 =	sld [smem:$0x3FB4];
	_ =	sdelay $0x3  }
0x34: {  	[smem:$0x3FB4] =	sst s10  }
0x35: {  	s10 =	sld [smem:$0x3FB3];
	_ =	sdelay $0x3  }
0x36: {  	p1 =	seq.s32 s10, $0x1;
	s10 =	sld [smem:$0x3FB4];
	_ =	sdelay $0x3  }
0x37: {  	[smem:$0x3FB4] =	sst s10  }
0x38: {  	s10 =	sld [smem:$0x3FB5]  }
0x39: {  	_ = 	snop;
	(pc) =	sbr.ind lr, $3  }
0x3a: {  	_ = 	snop  }
0x3b: {  	_ = 	snop  }
0x3c: {  	p2 =	seq.s32 s10, $0x1;
	s10 =	sld [smem:$0x3FB4]  }
0x3d: {  	_ =	shalt  }
0x3e: {  	_ =	shalt  }
0x3f: {  	_ =	shalt  }
0x40: {  	_ =	shalt  }
0x41: {  	_ =	shalt  }
0x42: {  	_ =	shalt  }
0x43: {  	_ =	shalt  }
0x44: {  	_ =	shalt  }
0x45: {  	_ =	shalt  }
0x46: {  	_ =	shalt  }
0x47: {  	_ =	shalt  }
0x48: {  	_ =	shalt  }
0x49: {  	_ =	shalt  }
0x4a: {  	_ =	shalt  }
0x4b: {  	_ =	shalt  }
0x4c: {  	_ =	shalt  }
0x4d: {  	_ =	shalt  }
0x4e: {  	_ =	shalt  }
0x4f: {  	_ =	shalt  }
0x50: {  	_ =	shalt  }
0x51: {  	_ =	shalt  }
0x52: {  	_ =	shalt  }
0x53: {  	_ =	shalt  }
0x54: {  	_ =	shalt  }
0x55: {  	_ =	shalt  }
0x56: {  	_ =	shalt  }
0x57: {  	_ =	shalt  }
0x58: {  	_ =	shalt  }
0x59: {  	_ =	shalt  }
0x5a: {  	_ =	shalt  }
0x5b: {  	_ =	shalt  }
0x5c: {  	_ =	shalt  }
0x5d: {  	_ =	shalt  }
0x5e: {  	_ =	shalt  }
0x5f: {  	_ =	shalt  }
0x60: {  	_ =	shalt  }
0x61: {  	_ =	shalt  }
0x62: {  	_ =	shalt  }
0x63: {  	_ =	shalt  }
0x64: {  	_ =	shalt  }
0x65: {  	_ =	shalt  }
0x66: {  	_ =	shalt  }
0x67: {  	_ =	shalt  }
0x68: {  	_ =	shalt  }
0x69: {  	_ =	shalt  }
0x6a: {  	_ =	shalt  }
0x6b: {  	_ =	shalt  }
0x6c: {  	_ =	shalt  }
0x6d: {  	_ =	shalt  }
0x6e: {  	_ =	shalt  }
0x6f: {  	_ =	shalt  }
0x70: {  	_ =	shalt  }
0x71: {  	_ =	shalt  }
0x72: {  	_ =	shalt  }
0x73: {  	_ =	shalt  }
0x74: {  	_ =	shalt  }
0x75: {  	_ =	shalt  }
0x76: {  	_ =	shalt  }
0x77: {  	_ =	shalt  }
0x78: {  	_ =	shalt  }
0x79: {  	_ =	shalt  }
0x7a: {  	_ =	shalt  }
0x7b: {  	_ =	shalt  }
0x7c: {  	_ =	shalt  }
0x7d: {  	_ =	shalt  }
0x7e: {  	_ =	shalt  }
0x7f: {  	_ =	shalt  }
0x80: {  	_ =	shalt  }
0x81: {  	_ =	shalt  }
0x82: {  	_ =	shalt  }
0x83: {  	_ =	shalt  }
0x84: {  	_ =	shalt  }
0x85: {  	_ =	shalt  }
0x86: {  	_ =	shalt  }
0x87: {  	_ =	shalt  }
.Lfunc_end0:
.L_simem_size_0:
called_computation.2_lowered:
.L_overlay_start_0:
0x88: {  	s2 =	sld [smem:$0x3FD9]  }
0x89: {  	s3 =	sld [smem:$0x3FFE];
	_ =	sdelay $0x1  }
0x8a: {  	s1 =	srdreg.scid  }
0x8b: {  	s0 =	sand.u32 $0x1, s1  }
0x8c: {  	s17 =	sshll.u32 s0, $0xA;
	s2 =	sadd.s32 s3, s2  }
0x8d: {  	s2 =	sadd.s32 s2, s17  }
0x8e: {  	[smem:$0x3FC0] =	sst s2  }
0x8f: {  	_ = 	snop  }
0x90: {  	s2 =	sld [smem:$0x3FD0];
	(tm) =	ssettm $0x1  }
0x91: {  	s18 =	sld [smem:$0x3FFB];
	_ =	sdelay $0x3  }
0x92: {  	_ =	strace s18  }
0x93: {  	s3 =	sld [smem:$0x3FFC];
	_ =	sdelay $0x3  }
0x94: {  	_ =	strace s3  }
0x95: {  	s3 =	sld [smem:$0x3FFD];
	_ =	sdelay $0x3  }
0x96: {  	_ =	strace s3  }
0x97: {  	_ =	strace $0x8FFFFFFF  }
0x98: {  	s19 =	sld [smem:$0x3FDB];
	_ =	sdelay $0x1  }
0x99: {  	s4 =	simm.s32 $_scs_section_size  }
0x9a: {  	s5 =	simm.s32 $_size__tile_overlayer_lowered;
	s6 =	simm.s32 $_tile_overlayer_lowered  }
0x9b: {  	s22 =	simm.s32 $0x1BFF;
	s21 =	sshll.u32 s6, $0x1;
	s3 =	sadd.s32 s4, s19  }
0x9c: {  	s7 =	simm.s32 $0x0;
	s20 =	sshll.u32 s5, $0x1;
	s5 =	sadd.s32 s21, s3  }
0x9d: {  	[timem:s7], [sflag:s22] =	dma.local [hbm:s5], s20  }
0x9e: {  	_ =	swait.ge [sflag:s22], s20  }
0x9f: {  	s4 =	ssub.s32 $0x0, s20;
	[sflag:s22] =	ssyncset.done $0x0  }
0xa0: {  	[sflag:s22] =	ssyncadd.s32 s4;
	_ =	sdelay $0x1  }
0xa1: {  	s23 =	simm.s32 $0x1B8B  }
0xa2: {  	_ =	swait.ge [sflag:s23], $0x1  }
0xa3: {  	[sflag:s23] =	ssyncset.done $0x0  }
0xa4: {  	s25 =	simm.s32 $0x1B8E;
	s24 =	sld [smem:$0x3FFE];
	[sflag:s23] =	ssyncadd.s32 $0xFFFFFFFF  }
0xa5: {  	s26 =	simm.s32 $execute0_lowered;
	[smem:$0x3FD2] =	sst s25  }
0xa6: {  	s5 =	sshll.u32 s26, $0x1;
	_ =	strace $0x8000004C;
	[dreg:$0x1] =	wrdreg $0xFFFFFFFF  }
0xa7: {  	s28 =	simm.s32 $_size_execute0_lowered;
	s3 =	sadd.s32 s3, s5;
	[dreg:$0x0] =	wrdreg $0x0  }
0xa8: {  	s5 =	sshll.u32 s28, $0x1;
	[dreg:$0x2] =	wrdreg s3  }
0xa9: {  	[dreg:$0x3] =	wrdreg s5  }
0xaa: {  	[dreg:$0x4] =	wrdreg $0xC0  }
0xab: {  	_ =	task [dreg:s7], $0x5FFFF  }
0xac: {  	[dreg:$0x1] =	wrdreg $0xFFFFFFFF  }
0xad: {  	[dreg:$0x0] =	wrdreg $0x60  }
0xae: {  	[dreg:$0x2] =	wrdreg s24  }
0xaf: {  	[dreg:$0x3] =	wrdreg s2  }
0xb0: {  	[dreg:$0x4] =	wrdreg $0x140000  }
0xb1: {  	[dreg:$0x5] =	wrdreg $0x9  }
0xb2: {  	_ =	task.clear_ibuf [dreg:s7], $0x6FFFF;
	_ =	strace $0x9000004C  }
0xb3: {  	s29 =	simm.s32 $0x9;
	_ =	strace $0x8000004E  }
0xb4: {  	_ =	swait.ge [sflag:s29], $0x1  }
0xb5: {  	[sflag:s29] =	ssyncadd.s32 $0xFFFFFFFF  }
0xb6: {  	_ =	strace $0x9000004E  }
0xb7: {  	_ =	sfence  }
0xb8: {  	s30 =	sld [smem:$0x0];
	_ =	sdelay $0x2  }
0xb9: {  	s31 =	sshll.u32 s1, $0xD;
	s1 =	sshrl.u32 s1, $0x2  }
0xba: {  	s3 =	sand.u32 $0x4000, s31;
	s1 =	sadd.s32 s1, s30  }
0xbb: {  	s0 =	sor.u32 s3, s0;
	s1 =	sshll.u32 s1, $0x11  }
0xbc: {  	s0 =	sor.u32 s1, s0  }
0xbd: {  	s0 =	sadd.s32 $0x8F2B, s0  }
0xbe: {  	[sflag:s0] =	ssyncadd.remote.s32 $0x1  }
0xbf: {  	_ =	sfence.sel $0xFFFF  }
0xc0: {  	[dreg:$0x0] =	wrdreg $0xFFFFFFFF;
	(pc) =	sbr.abs _section_cstart, $3  }
0xc1: {  	[dreg:$0x1] =	wrdreg $0xFFFFFFFF  }
0xc2: {  	_ =	task.clear_ibuf [dreg:s7], $0x2FFFF;
	_ =	strace $0x9FFFFFFF  }
0xc3: {  	(tm) =	ssettm $0x7FFFFFFF  }
tec
execute0_lowered:
.L_overlay_start_1:
0x0: {  	(tag) =	ssettag $0x1  }
0x1: {  	s0 =	rddreg [dreg:$0x0]  }
0x2: {  	s2 =	rddreg [dreg:$0x1]  }
0x3: {  	s1 =	rddreg [dreg:$0x2]  }
0x4: {  	s3 =	srdreg.scid;
	s12 =	stileid.u32  }
0x5: {  	s14 =	simm.s32 $0x80;
	s15 =	simm.s32 $0xA000;
	s16 =	simm.s32 $0xC000  }
0x6: {  	s18 =	simm.s32 $0xE000;
	s20 =	simm.s32 $0x10000;
	s22 =	simm.s32 $0x12000  }
0x7: {  	s23 =	simm.s32 $0x1;
	s28 =	simm.s32 $0x3;
	s29 =	simm.s32 $0x8  }
0x8: {  	s30 =	simm.s32 $0x4;
	s31 =	simm.s32 $0x9;
	s7 =	smul.u32 $0xA000, s12  }
0x9: {  	s17 =	simm.s32 $0x0;
	s4 =	sand.u32 $0x1, s3;
	s8 =	smul.u32 $0xA00, s12  }
0xa: {  	s3 =	simm.s32 $0x0;
	s26 =	sshll.u32 s12, $0x6;
	s5 =	smul.u32 $0xA0000, s4  }
0xb: {  	[smem:$0x7FF] =	sst s3;
	s4 =	ssub.s32 $0x2, s4;
	s12 =	sor.u32 $0x1C0B, s26  }
0xc: {  	s26 =	simm.s32 $0x7;
	_ =	strace $0x8000004D;
	s9 =	sadd.s32 s8, s0  }
0xd: {  	s24 =	sshrl.u32 s4, $0x1;
	s25 =	sadd.s32 s7, s1;
	s11 =	sshrl.u32 s7, $0x3  }
0xe: {  	s6 =	sshrl.u32 s5, $0x3;
	s5 =	sadd.s32 s7, s5;
	s10 =	ssub.s32 s4, s24  }
0xf: {  	s4 =	sadd.s32 $0xC400, s9;
	s9 =	simm.s32 $0xB;
	s13 =	sshrl.u32 s25, $0x3  }
0x10: {  	s24 =	simm.s32 $0x6;
	s25 =	simm.s32 $0x2;
	s5 =	sshrl.u32 s5, $0x3  }
0x11: {  	s6 =	sadd.s32 s6, s0;
	s0 =	sadd.s32 s5, s0;
	s5 =	sadd.s32 s2, s8  }
0x12: {  	s6 =	sadd.s32 $0x16400, s6;
	s8 =	smax.u32 s10, $0x1;
	s2 =	simm.s32 $0xA  }
0x13: {  	s7 =	sadd.s32 $0x3E400, s0;
	s11 =	sadd.s32 s11, s6;
	s0 =	simm.s32 $0x5  }
.LBB2_1:
0x14: {  	[tilespmem:s3], [sflag:$0xB] =	stream.linear.gather [hbm4b:s4+s3], $0x5000, $0x38;
	[tilespmem:$0x1E000] =	vst v63  }
0x15: {  	_ =	swait.ge [sflag:s9], $0x5000  }
0x16: {  	[sflag:s9] =	ssyncset.done $0x0  }
0x17: {  	s10 =	simm.s32 $0x5000;
	[sflag:s9] =	ssyncadd.s32 $0xFFFFB000  }
0x18: {  	[tilespmem:s10], [sflag:$0xB] =	stream.linear.gather [hbm4b:s5+s3], $0x5000, $0x38;
	[tilespmem:$0x1E000] =	vst v63  }
0x19: {  	_ =	swait.ge [sflag:s9], $0x5000  }
0x1a: {  	[sflag:s9] =	ssyncset.done $0x0  }
0x1b: {  	[sflag:s9] =	ssyncadd.s32 $0xFFFFB000  }
0x1c: {  	[spmem:s13], [sflag:s12] =	dma.local [hbm:s11], $0x1400  }
0x1d: {  	_ =	swait.ge [sflag:s9], $0x1400  }
0x1e: {  	[sflag:s9] =	ssyncset.done $0x0  }
0x1f: {  	[sflag:s9] =	ssyncadd.s32 $0xFFFFEC00  }
0x20: {  	[bflag:$0x0] =	sbarrier.arrive $0xFFFF  }
0x21: {  	[tilespmem:s15], [sflag:$0x1] =	stream.indirect.gather [hbm4b:s6+s14], $0x40, s3, s14, $0xb8;
	[tilespmem:$0x1E000] =	vst v63  }
0x22: {  	_ = 	snop  }
0x23: {  	[tilespmem:s16], [sflag:$0x2] =	stream.indirect.gather [hbm4b:s6+s14], $0x40, s14, s14, $0xb8;
	[tilespmem:$0x1E000] =	vst v63  }
0x24: {  	s21 =	simm.s32 $0x100  }
0x25: {  	[tilespmem:s18], [sflag:$0x3] =	stream.indirect.gather [hbm4b:s6+s14], $0x40, s21, s14, $0xb8;
	[tilespmem:$0x1E000] =	vst v63  }
0x26: {  	s19 =	simm.s32 $0x180  }
0x27: {  	[tilespmem:s20], [sflag:$0x4] =	stream.indirect.gather [hbm4b:s6+s14], $0x40, s19, s14, $0xb8;
	[tilespmem:$0x1E000] =	vst v63  }
0x28: {  	s21 =	simm.s32 $0x200  }
0x29: {  	[tilespmem:s22], [sflag:$0x5] =	stream.indirect.gather [hbm4b:s6+s14], $0x40, s21, s14, $0xb8;
	[tilespmem:$0x1E000] =	vst v63  }
0x2a: {  	_ =	swait.ge [sflag:s23], $0x2000  }
0x2b: {  	[sflag:s23] =	ssyncset.done $0x0  }
0x2c: {  	s19 =	simm.s32 $0x5000;
	[sflag:s23] =	ssyncadd.s32 $0xFFFFE000  }
0x2d: {  	[spmem:s1] =	stream.indirect.scatter.add.f32 [tilespmem:s15], [sflag:$0x6], $0x40, s19, s14, $0xb8;
	[tilespmem:$0x1E000] =	vst v63  }
0x2e: {  	_ =	swait.ge [sflag:s24], $0x2000  }
0x2f: {  	[sflag:s24] =	ssyncset.done $0x0  }
0x30: {  	s10 =	simm.s32 $0x280;
	[sflag:s24] =	ssyncadd.s32 $0xFFFFE000  }
0x31: {  	[tilespmem:s15], [sflag:$0x1] =	stream.indirect.gather [hbm4b:s6+s14], $0x40, s10, s14, $0xb8;
	[tilespmem:$0x1E000] =	vst v63  }
0x32: {  	_ =	swait.ge [sflag:s25], $0x2000  }
0x33: {  	[sflag:s25] =	ssyncset.done $0x0  }
0x34: {  	s21 =	simm.s32 $0x5080;
	[sflag:s25] =	ssyncadd.s32 $0xFFFFE000  }
0x35: {  	[spmem:s1] =	stream.indirect.scatter.add.f32 [tilespmem:s16], [sflag:$0x7], $0x40, s21, s14, $0xb8;
	[tilespmem:$0x1E000] =	vst v63  }
0x36: {  	_ =	swait.ge [sflag:s26], $0x2000  }
0x37: {  	[sflag:s26] =	ssyncset.done $0x0  }
0x38: {  	s10 =	simm.s32 $0x300;
	[sflag:s26] =	ssyncadd.s32 $0xFFFFE000  }
0x39: {  	[tilespmem:s16], [sflag:$0x2] =	stream.indirect.gather [hbm4b:s6+s14], $0x40, s10, s14, $0xb8;
	[tilespmem:$0x1E000] =	vst v63  }
0x3a: {  	_ =	swait.ge [sflag:s28], $0x2000  }
0x3b: {  	[sflag:s28] =	ssyncset.done $0x0  }
0x3c: {  	s21 =	simm.s32 $0x5100;
	[sflag:s28] =	ssyncadd.s32 $0xFFFFE000  }
0x3d: {  	[spmem:s1] =	stream.indirect.scatter.add.f32 [tilespmem:s18], [sflag:$0x8], $0x40, s21, s14, $0xb8;
	[tilespmem:$0x1E000] =	vst v63  }
0x3e: {  	_ =	swait.ge [sflag:s29], $0x2000  }
0x3f: {  	[sflag:s29] =	ssyncset.done $0x0  }
0x40: {  	s10 =	simm.s32 $0x380;
	[sflag:s29] =	ssyncadd.s32 $0xFFFFE000  }
0x41: {  	[tilespmem:s18], [sflag:$0x3] =	stream.indirect.gather [hbm4b:s6+s14], $0x40, s10, s14, $0xb8;
	[tilespmem:$0x1E000] =	vst v63  }
0x42: {  	_ =	swait.ge [sflag:s30], $0x2000  }
0x43: {  	[sflag:s30] =	ssyncset.done $0x0  }
0x44: {  	s21 =	simm.s32 $0x5180;
	[sflag:s30] =	ssyncadd.s32 $0xFFFFE000  }
0x45: {  	[spmem:s1] =	stream.indirect.scatter.add.f32 [tilespmem:s20], [sflag:$0x9], $0x40, s21, s14, $0xb8;
	[tilespmem:$0x1E000] =	vst v63  }
0x46: {  	_ =	swait.ge [sflag:s31], $0x2000  }
0x47: {  	[sflag:s31] =	ssyncset.done $0x0  }
0x48: {  	s10 =	simm.s32 $0x400;
	[sflag:s31] =	ssyncadd.s32 $0xFFFFE000  }
0x49: {  	[tilespmem:s20], [sflag:$0x4] =	stream.indirect.gather [hbm4b:s6+s14], $0x40, s10, s14, $0xb8;
	[tilespmem:$0x1E000] =	vst v63  }
0x4a: {  	_ =	swait.ge [sflag:s0], $0x2000  }
0x4b: {  	[sflag:s0] =	ssyncset.done $0x0  }
0x4c: {  	s21 =	simm.s32 $0x5200;
	[sflag:s0] =	ssyncadd.s32 $0xFFFFE000  }
0x4d: {  	[spmem:s1] =	stream.indirect.scatter.add.f32 [tilespmem:s22], [sflag:$0xA], $0x40, s21, s14, $0xb8;
	[tilespmem:$0x1E000] =	vst v63  }
0x4e: {  	_ =	swait.ge [sflag:s2], $0x2000  }
0x4f: {  	[sflag:s2] =	ssyncset.done $0x0  }
0x50: {  	s19 =	simm.s32 $0xA00;
	s21 =	simm.s32 $0x480;
	[sflag:s2] =	ssyncadd.s32 $0xFFFFE000  }
.LBB2_2:
0x51: {  	[tilespmem:s22], [sflag:$0x5] =	stream.indirect.gather [hbm4b:s6+s14], $0x40, s21, s14, $0xb8;
	[tilespmem:$0x1E000] =	vst v63  }
0x52: {  	s21 =	smov.u32 s19  }
0x53: {  	p0 =	sne.s32 s19, $0x12C00;
	s19 =	sadd.s32 $0xA00, s19;
	_ =	swait.ge [sflag:s23], $0x2000  }
0x54: {  	s21 =	sshra.s32 s21, $0x2;
	[sflag:s23] =	ssyncset.done $0x0  }
0x55: {  	s10 =	sadd.s32 $0x5000, s21;
	[sflag:s23] =	ssyncadd.s32 $0xFFFFE000  }
0x56: {  	[spmem:s1] =	stream.indirect.scatter.add.f32 [tilespmem:s15], [sflag:$0x6], $0x40, s10, s14, $0xb8;
	[tilespmem:$0x1E000] =	vst v63  }
0x57: {  	_ =	swait.ge [sflag:s24], $0x2000  }
0x58: {  	[sflag:s24] =	ssyncset.done $0x0  }
0x59: {  	s10 =	sadd.s32 $0x280, s21;
	[sflag:s24] =	ssyncadd.s32 $0xFFFFE000  }
0x5a: {  	[tilespmem:s15], [sflag:$0x1] =	stream.indirect.gather [hbm4b:s6+s14], $0x40, s10, s14, $0xb8;
	[tilespmem:$0x1E000] =	vst v63  }
0x5b: {  	_ =	swait.ge [sflag:s25], $0x2000  }
0x5c: {  	[sflag:s25] =	ssyncset.done $0x0  }
0x5d: {  	s10 =	sadd.s32 $0x5080, s21;
	[sflag:s25] =	ssyncadd.s32 $0xFFFFE000  }
0x5e: {  	[spmem:s1] =	stream.indirect.scatter.add.f32 [tilespmem:s16], [sflag:$0x7], $0x40, s10, s14, $0xb8;
	[tilespmem:$0x1E000] =	vst v63  }
0x5f: {  	_ =	swait.ge [sflag:s26], $0x2000  }
0x60: {  	[sflag:s26] =	ssyncset.done $0x0  }
0x61: {  	s10 =	sadd.s32 $0x300, s21;
	[sflag:s26] =	ssyncadd.s32 $0xFFFFE000  }
0x62: {  	[tilespmem:s16], [sflag:$0x2] =	stream.indirect.gather [hbm4b:s6+s14], $0x40, s10, s14, $0xb8;
	[tilespmem:$0x1E000] =	vst v63  }
0x63: {  	_ =	swait.ge [sflag:s28], $0x2000  }
0x64: {  	[sflag:s28] =	ssyncset.done $0x0  }
0x65: {  	s10 =	sadd.s32 $0x5100, s21;
	[sflag:s28] =	ssyncadd.s32 $0xFFFFE000  }
0x66: {  	[spmem:s1] =	stream.indirect.scatter.add.f32 [tilespmem:s18], [sflag:$0x8], $0x40, s10, s14, $0xb8;
	[tilespmem:$0x1E000] =	vst v63  }
0x67: {  	_ =	swait.ge [sflag:s29], $0x2000  }
0x68: {  	[sflag:s29] =	ssyncset.done $0x0  }
0x69: {  	s10 =	sadd.s32 $0x380, s21;
	[sflag:s29] =	ssyncadd.s32 $0xFFFFE000  }
0x6a: {  	[tilespmem:s18], [sflag:$0x3] =	stream.indirect.gather [hbm4b:s6+s14], $0x40, s10, s14, $0xb8;
	[tilespmem:$0x1E000] =	vst v63  }
0x6b: {  	_ =	swait.ge [sflag:s30], $0x2000  }
0x6c: {  	[sflag:s30] =	ssyncset.done $0x0  }
0x6d: {  	s10 =	sadd.s32 $0x5180, s21;
	[sflag:s30] =	ssyncadd.s32 $0xFFFFE000  }
0x6e: {  	[spmem:s1] =	stream.indirect.scatter.add.f32 [tilespmem:s20], [sflag:$0x9], $0x40, s10, s14, $0xb8;
	[tilespmem:$0x1E000] =	vst v63  }
0x6f: {  	_ =	swait.ge [sflag:s31], $0x2000  }
0x70: {  	[sflag:s31] =	ssyncset.done $0x0  }
0x71: {  	s10 =	sadd.s32 $0x400, s21;
	[sflag:s31] =	ssyncadd.s32 $0xFFFFE000  }
0x72: {  	[tilespmem:s20], [sflag:$0x4] =	stream.indirect.gather [hbm4b:s6+s14], $0x40, s10, s14, $0xb8;
	[tilespmem:$0x1E000] =	vst v63  }
0x73: {  	_ =	swait.ge [sflag:s0], $0x2000  }
0x74: {  	[sflag:s0] =	ssyncset.done $0x0  }
.Ltmp0:
0x75: {  	s10 =	sadd.s32 $0x5200, s21;
	[sflag:s0] =	ssyncadd.s32 $0xFFFFE000;
	(pc) =	sbr.rel @p0 .LBB2_2-.Ltmp0, $4  }
0x76: {  	[spmem:s1] =	stream.indirect.scatter.add.f32 [tilespmem:s22], [sflag:$0xA], $0x40, s10, s14, $0xb8;
	[tilespmem:$0x1E000] =	vst v63  }
0x77: {  	_ =	swait.ge [sflag:s2], $0x2000  }
0x78: {  	[sflag:s2] =	ssyncset.done $0x0  }
0x79: {  	s21 =	sadd.s32 $0x480, s21;
	[sflag:s2] =	ssyncadd.s32 $0xFFFFE000  }
0x7a: {  	[tilespmem:s22], [sflag:$0x5] =	stream.indirect.gather [hbm4b:s6+s14], $0x40, s21, s14, $0xb8;
	[tilespmem:$0x1E000] =	vst v63  }
0x7b: {  	_ =	swait.ge [sflag:s23], $0x2000  }
0x7c: {  	[sflag:s23] =	ssyncset.done $0x0  }
0x7d: {  	s10 =	simm.s32 $0x9D80;
	[sflag:s23] =	ssyncadd.s32 $0xFFFFE000  }
0x7e: {  	[spmem:s1] =	stream.indirect.scatter.add.f32 [tilespmem:s15], [sflag:$0x6], $0x40, s10, s14, $0xb8;
	[tilespmem:$0x1E000] =	vst v63  }
0x7f: {  	_ =	swait.ge [sflag:s24], $0x2000  }
0x80: {  	[sflag:s24] =	ssyncset.done $0x0  }
0x81: {  	[sflag:s24] =	ssyncadd.s32 $0xFFFFE000  }
0x82: {  	_ =	swait.ge [sflag:s25], $0x2000  }
0x83: {  	[sflag:s25] =	ssyncset.done $0x0  }
0x84: {  	s19 =	simm.s32 $0x9E00;
	[sflag:s25] =	ssyncadd.s32 $0xFFFFE000  }
0x85: {  	[spmem:s1] =	stream.indirect.scatter.add.f32 [tilespmem:s16], [sflag:$0x7], $0x40, s19, s14, $0xb8;
	[tilespmem:$0x1E000] =	vst v63  }
0x86: {  	_ =	swait.ge [sflag:s26], $0x2000  }
0x87: {  	[sflag:s26] =	ssyncset.done $0x0  }
0x88: {  	[sflag:s26] =	ssyncadd.s32 $0xFFFFE000  }
0x89: {  	_ =	swait.ge [sflag:s28], $0x2000  }
0x8a: {  	[sflag:s28] =	ssyncset.done $0x0  }
0x8b: {  	s21 =	simm.s32 $0x9E80;
	[sflag:s28] =	ssyncadd.s32 $0xFFFFE000  }
0x8c: {  	[spmem:s1] =	stream.indirect.scatter.add.f32 [tilespmem:s18], [sflag:$0x8], $0x40, s21, s14, $0xb8;
	[tilespmem:$0x1E000] =	vst v63  }
0x8d: {  	_ =	swait.ge [sflag:s29], $0x2000  }
0x8e: {  	[sflag:s29] =	ssyncset.done $0x0  }
0x8f: {  	[sflag:s29] =	ssyncadd.s32 $0xFFFFE000  }
0x90: {  	_ =	swait.ge [sflag:s30], $0x2000  }
0x91: {  	[sflag:s30] =	ssyncset.done $0x0  }
0x92: {  	s19 =	simm.s32 $0x9F00;
	[sflag:s30] =	ssyncadd.s32 $0xFFFFE000  }
0x93: {  	[spmem:s1] =	stream.indirect.scatter.add.f32 [tilespmem:s20], [sflag:$0x9], $0x40, s19, s14, $0xb8;
	[tilespmem:$0x1E000] =	vst v63  }
0x94: {  	_ =	swait.ge [sflag:s31], $0x2000  }
0x95: {  	[sflag:s31] =	ssyncset.done $0x0  }
0x96: {  	[sflag:s31] =	ssyncadd.s32 $0xFFFFE000  }
0x97: {  	_ =	swait.ge [sflag:s0], $0x2000  }
0x98: {  	[sflag:s0] =	ssyncset.done $0x0  }
0x99: {  	s21 =	simm.s32 $0x9F80;
	[sflag:s0] =	ssyncadd.s32 $0xFFFFE000  }
0x9a: {  	[spmem:s1] =	stream.indirect.scatter.add.f32 [tilespmem:s22], [sflag:$0xA], $0x40, s21, s14, $0xb8;
	[tilespmem:$0x1E000] =	vst v63  }
0x9b: {  	_ =	swait.ge [sflag:s2], $0x2000  }
0x9c: {  	s17 =	sadd.s32 $0x1, s17;
	[sflag:s2] =	ssyncset.done $0x0  }
0x9d: {  	p0 =	sne.s32 s17, s8;
	[sflag:s2] =	ssyncadd.s32 $0xFFFFE000  }
.Ltmp1:
0x9e: {  	[bflag:$0x0] =	sbarrier.arrive $0xFFFF;
	(pc) =	sbr.rel @p0 .LBB2_1-.Ltmp1, $4  }
0x9f: {  	[hbm:s7], [sflag:s12] =	dma.local [spmem:s13], $0x1400  }
0xa0: {  	_ =	swait.ge [sflag:s9], $0x1400  }
0xa1: {  	[sflag:s9] =	ssyncset.done $0x0  }
0xa2: {  	[sflag:s9] =	ssyncadd.s32 $0xFFFFEC00  }
0xa3: {  	_ =	sfence.sel $0x180000  }
0xa4: {  	[bflag:$0x0] =	sbarrier.arrive $0xFFFF  }
0xa5: {  	_ =	strace $0x9000004D  }
0xa6: {  	s0 =	stileid.u32;
	[bflag:$0x2] =	sbarrier.arrive $0xFFFF  }
0xa7: {  	p0 =	sne.s32 s0, $0x0;
	s0 =	rddreg [dreg:$0x3]  }
0xa8: {  	s0 =	sadd.s32 @!p0 $0x100000, s0  }
0xa9: {  	[sflag:s0] =	ssyncadd.tile.s32 @!p0 $0x1;
	_ =	shalt  }
.Lfunc_end2:
_tile_overlayer_lowered:
.L_overlay_start_2:
0xaa: {  	(tag) =	ssettag $0x2  }
0xab: {  	s0 =	rddreg [dreg:$0x0];
	s2 =	stileid.u32  }
0xac: {  	s1 =	rddreg [dreg:$0x1];
	p0 =	sne.s32 s2, $0x0  }
0xad: {  	s3 =	rddreg [dreg:$0x2];
	[bflag:$0x3] =	sbarrier.arrive $0xFFFF;
	s2 =	simm.s32 @!p0 $0x1C0B  }
0xae: {  	[timem:s3], [sflag:s2] =	dma.local @!p0 [hbm:s0], s1  }
0xaf: {  	s0 =	simm.s32 @!p0 $0xB  }
0xb0: {  	_ =	swait.ge @!p0 [sflag:s0], s1  }
0xb1: {  	s1 =	ssub.s32 @!p0 $0x0, s1;
	[sflag:s0] =	ssyncset.done @!p0 $0x0  }
0xb2: {  	[sflag:s0] =	ssyncadd.s32 @!p0 s1  }
0xb3: {  	[bflag:$0x3] =	sbarrier.arrive $0xFFFF  }
0xb4: {  	_ =	shalt  }

// kernel: kernel.20.cloned.1.call-start
scs
__scs_entry_jumppad:
0x0: {  	(pc) =	sbr.rel $0x88, $3  }
0x1: {  	(tag) =	ssettag $0x0;
	lr =	simm.s32 $0x1  }
0x2: {  	[smem:$0x3F99] =	sst lr;
	_ =	strace $0xD0000000  }
0x3: {  	_ = 	snop  }
0x4: {  	_ = 	snop  }
0x5: {  	_ = 	snop  }
0x6: {  	_ = 	snop  }
0x7: {  	_ = 	snop  }
__scs_overlays_trampoline_lowered:
0x8: {  	[smem:$0x3FA8] =	sst s0  }
0x9: {  	[smem:$0x3FA9] =	sst s1  }
0xa: {  	[smem:$0x3FAA] =	sst s2  }
0xb: {  	[smem:$0x3FAB] =	sst s3  }
0xc: {  	[smem:$0x3FAC] =	sst s4  }
0xd: {  	[smem:$0x3FAD] =	sst s5  }
0xe: {  	[smem:$0x3FAE] =	sst s6  }
0xf: {  	[smem:$0x3FAF] =	sst s7  }
0x10: {  	[smem:$0x3FB0] =	sst s8  }
0x11: {  	[smem:$0x3FB1] =	sst s9;
	s0 =	simm.s32 @!p0 $0x0  }
0x12: {  	s1 =	sld [smem:$0x3F97];
	s0 =	simm.s32 @p0 $0x1  }
0x13: {  	[smem:$0x3FB2] =	sst s0;
	s0 =	simm.s32 @!p1 $0x0  }
0x14: {  	s2 =	sld [smem:$0x3F96];
	s0 =	simm.s32 @p1 $0x1  }
0x15: {  	[smem:$0x3FB3] =	sst s0;
	s0 =	simm.s32 @!p2 $0x0  }
0x16: {  	s3 =	sld [smem:$0x3FDB];
	s0 =	simm.s32 @p2 $0x1  }
0x17: {  	s4 =	simm.s32 $0x1BF5;
	[smem:$0x3FB5] =	sst s0  }
0x18: {  	s0 =	sld [smem:$0x3F98];
	_ =	swait.ge [sflag:s4], $0x0  }
0x19: {  	s7 =	sld [smem:$0x3F99]  }
0x1a: {  	s8 =	sadd.s32 $0xFFFFE003, lr  }
0x1b: {  	s9 =	sadd.s32 $0xFFFFFEF7, lr;
	s5 =	simm.s32 $0xFFFFFFFF;
	p2 =	slt.u32 s8, $0xFFFFF086  }
0x1c: {  	p1 =	slt.u32 s9, $0xF7A;
	s5 =	simm.s32 @!p2 $0x0  }
0x1d: {  	s5 =	simm.s32 @p1 $0x1;
	p0 =	seq.s32 s7, s2  }
0x1e: {  	s7 =	smul.u32 @!p0 $0xF7A, s2;
	p2 =	seq.s32 @!p0 s5, $0x0  }
0x1f: {  	s9 =	smul.u32 $0xF7A, s1;
	s8 =	simm.s32 @!p0 $0x1BF5;
	p2 =	por !p2, p0  }
0x20: {  	[sflag:s8] =	ssyncset.s32 @!p0 $0xFFFFF086;
	s6 =	sadd.s32 @!p0 s3, s7;
	s7 =	simm.s32 @!p0 $0x108  }
0x21: {  	s3 =	sadd.s32 s3, s9;
	s6 =	sadd.s32 @!p0 $0x88, s6;
	s7 =	simm.s32 @p2 $0x1082  }
0x22: {  	[simem:s7], [sflag:s8] =	dma.local @!p0 [hbm:s6], $0xF7A  }
0x23: {  	s9 =	sor.u32 $0xD0000000, s2;
	s6 =	simm.s32 $0x108;
	_ =	swait.ge @!p0 [sflag:s8], $0x0  }
0x24: {  	s3 =	sadd.s32 $0x88, s3;
	s6 =	simm.s32 @!p1 $0x1082;
	[sflag:s4] =	ssyncset.s32 $0xFFFFF086  }
0x25: {  	[simem:s6], [sflag:s4] =	dma.local [hbm:s3], $0xF7A  }
0x26: {  	[smem:$0x3F99] =	sst s1;
	(tag) =	ssettag s2;
	_ =	strace s9  }
0x27: {  	s1 =	sld [smem:$0x3FA9]  }
0x28: {  	s2 =	sld [smem:$0x3FAA]  }
0x29: {  	s4 =	sld [smem:$0x3FAC]  }
0x2a: {  	p0 =	seq.s32 s5, $0x0;
	s5 =	sld [smem:$0x3FAD]  }
0x2b: {  	s6 =	sld [smem:$0x3FAE]  }
0x2c: {  	s7 =	sld [smem:$0x3FAF]  }
0x2d: {  	s3 =	simm.s32 $0x108;
	s8 =	sld [smem:$0x3FB0]  }
0x2e: {  	s3 =	simm.s32 @!p0 $0x1082;
	s9 =	sld [smem:$0x3FB1]  }
0x2f: {  	lr =	sadd.s32 s0, s3;
	s0 =	sld [smem:$0x3FA8]  }
0x30: {  	s3 =	sld [smem:$0x3FAB]  }
0x31: {  	[smem:$0x3FB4] =	sst s10  }
0x32: {  	s10 =	sld [smem:$0x3FB2];
	_ =	sdelay $0x3  }
0x33: {  	p0 =	seq.s32 s10, $0x1;
	s10 =	sld [smem:$0x3FB4];
	_ =	sdelay $0x3  }
0x34: {  	[smem:$0x3FB4] =	sst s10  }
0x35: {  	s10 =	sld [smem:$0x3FB3];
	_ =	sdelay $0x3  }
0x36: {  	p1 =	seq.s32 s10, $0x1;
	s10 =	sld [smem:$0x3FB4];
	_ =	sdelay $0x3  }
0x37: {  	[smem:$0x3FB4] =	sst s10  }
0x38: {  	s10 =	sld [smem:$0x3FB5]  }
0x39: {  	_ = 	snop;
	(pc) =	sbr.ind lr, $3  }
0x3a: {  	_ = 	snop  }
0x3b: {  	_ = 	snop  }
0x3c: {  	p2 =	seq.s32 s10, $0x1;
	s10 =	sld [smem:$0x3FB4]  }
0x3d: {  	_ =	shalt  }
0x3e: {  	_ =	shalt  }
0x3f: {  	_ =	shalt  }
0x40: {  	_ =	shalt  }
0x41: {  	_ =	shalt  }
0x42: {  	_ =	shalt  }
0x43: {  	_ =	shalt  }
0x44: {  	_ =	shalt  }
0x45: {  	_ =	shalt  }
0x46: {  	_ =	shalt  }
0x47: {  	_ =	shalt  }
0x48: {  	_ =	shalt  }
0x49: {  	_ =	shalt  }
0x4a: {  	_ =	shalt  }
0x4b: {  	_ =	shalt  }
0x4c: {  	_ =	shalt  }
0x4d: {  	_ =	shalt  }
0x4e: {  	_ =	shalt  }
0x4f: {  	_ =	shalt  }
0x50: {  	_ =	shalt  }
0x51: {  	_ =	shalt  }
0x52: {  	_ =	shalt  }
0x53: {  	_ =	shalt  }
0x54: {  	_ =	shalt  }
0x55: {  	_ =	shalt  }
0x56: {  	_ =	shalt  }
0x57: {  	_ =	shalt  }
0x58: {  	_ =	shalt  }
0x59: {  	_ =	shalt  }
0x5a: {  	_ =	shalt  }
0x5b: {  	_ =	shalt  }
0x5c: {  	_ =	shalt  }
0x5d: {  	_ =	shalt  }
0x5e: {  	_ =	shalt  }
0x5f: {  	_ =	shalt  }
0x60: {  	_ =	shalt  }
0x61: {  	_ =	shalt  }
0x62: {  	_ =	shalt  }
0x63: {  	_ =	shalt  }
0x64: {  	_ =	shalt  }
0x65: {  	_ =	shalt  }
0x66: {  	_ =	shalt  }
0x67: {  	_ =	shalt  }
0x68: {  	_ =	shalt  }
0x69: {  	_ =	shalt  }
0x6a: {  	_ =	shalt  }
0x6b: {  	_ =	shalt  }
0x6c: {  	_ =	shalt  }
0x6d: {  	_ =	shalt  }
0x6e: {  	_ =	shalt  }
0x6f: {  	_ =	shalt  }
0x70: {  	_ =	shalt  }
0x71: {  	_ =	shalt  }
0x72: {  	_ =	shalt  }
0x73: {  	_ =	shalt  }
0x74: {  	_ =	shalt  }
0x75: {  	_ =	shalt  }
0x76: {  	_ =	shalt  }
0x77: {  	_ =	shalt  }
0x78: {  	_ =	shalt  }
0x79: {  	_ =	shalt  }
0x7a: {  	_ =	shalt  }
0x7b: {  	_ =	shalt  }
0x7c: {  	_ =	shalt  }
0x7d: {  	_ =	shalt  }
0x7e: {  	_ =	shalt  }
0x7f: {  	_ =	shalt  }
0x80: {  	_ =	shalt  }
0x81: {  	_ =	shalt  }
0x82: {  	_ =	shalt  }
0x83: {  	_ =	shalt  }
0x84: {  	_ =	shalt  }
0x85: {  	_ =	shalt  }
0x86: {  	_ =	shalt  }
0x87: {  	_ =	shalt  }
.Lfunc_end0:
.L_simem_size_0:
called_computation.3_lowered:
.L_overlay_start_0:
0x88: {  	s2 =	sld [smem:$0x3FD9]  }
0x89: {  	s3 =	sld [smem:$0x3FFE];
	_ =	sdelay $0x1  }
0x8a: {  	s1 =	srdreg.scid  }
0x8b: {  	s0 =	sand.u32 $0x1, s1  }
0x8c: {  	s17 =	sshll.u32 s0, $0xA;
	s2 =	sadd.s32 s3, s2  }
0x8d: {  	s2 =	sadd.s32 s2, s17  }
0x8e: {  	[smem:$0x3FC0] =	sst s2  }
0x8f: {  	_ = 	snop  }
0x90: {  	s2 =	sld [smem:$0x3FD0];
	(tm) =	ssettm $0x1  }
0x91: {  	s18 =	sld [smem:$0x3FFB];
	_ =	sdelay $0x3  }
0x92: {  	_ =	strace s18  }
0x93: {  	s3 =	sld [smem:$0x3FFC];
	_ =	sdelay $0x3  }
0x94: {  	_ =	strace s3  }
0x95: {  	s3 =	sld [smem:$0x3FFD];
	_ =	sdelay $0x3  }
0x96: {  	_ =	strace s3  }
0x97: {  	_ =	strace $0x8FFFFFFF  }
0x98: {  	s19 =	sld [smem:$0x3FDB];
	_ =	sdelay $0x1  }
0x99: {  	s4 =	simm.s32 $_scs_section_size  }
0x9a: {  	s5 =	simm.s32 $_size__tile_overlayer_lowered;
	s6 =	simm.s32 $_tile_overlayer_lowered  }
0x9b: {  	s22 =	simm.s32 $0x1BFF;
	s21 =	sshll.u32 s6, $0x1;
	s3 =	sadd.s32 s4, s19  }
0x9c: {  	s7 =	simm.s32 $0x0;
	s20 =	sshll.u32 s5, $0x1;
	s5 =	sadd.s32 s21, s3  }
0x9d: {  	[timem:s7], [sflag:s22] =	dma.local [hbm:s5], s20  }
0x9e: {  	_ =	swait.ge [sflag:s22], s20  }
0x9f: {  	s4 =	ssub.s32 $0x0, s20;
	[sflag:s22] =	ssyncset.done $0x0  }
0xa0: {  	[sflag:s22] =	ssyncadd.s32 s4;
	_ =	sdelay $0x1  }
0xa1: {  	s23 =	simm.s32 $0x1B8B  }
0xa2: {  	_ =	swait.ge [sflag:s23], $0x1  }
0xa3: {  	[sflag:s23] =	ssyncset.done $0x0  }
0xa4: {  	s25 =	simm.s32 $0x1B8E;
	s24 =	sld [smem:$0x3FFE];
	[sflag:s23] =	ssyncadd.s32 $0xFFFFFFFF  }
0xa5: {  	s26 =	simm.s32 $execute0_lowered;
	[smem:$0x3FD2] =	sst s25  }
0xa6: {  	s5 =	sshll.u32 s26, $0x1;
	_ =	strace $0x8000004F;
	[dreg:$0x1] =	wrdreg $0xFFFFFFFF  }
0xa7: {  	s28 =	simm.s32 $_size_execute0_lowered;
	s3 =	sadd.s32 s3, s5;
	[dreg:$0x0] =	wrdreg $0x0  }
0xa8: {  	s5 =	sshll.u32 s28, $0x1;
	[dreg:$0x2] =	wrdreg s3  }
0xa9: {  	[dreg:$0x3] =	wrdreg s5  }
0xaa: {  	[dreg:$0x4] =	wrdreg $0xC0  }
0xab: {  	_ =	task [dreg:s7], $0x5FFFF  }
0xac: {  	[dreg:$0x1] =	wrdreg $0xFFFFFFFF  }
0xad: {  	[dreg:$0x0] =	wrdreg $0x60  }
0xae: {  	[dreg:$0x2] =	wrdreg s24  }
0xaf: {  	[dreg:$0x3] =	wrdreg s2  }
0xb0: {  	[dreg:$0x4] =	wrdreg $0x140000  }
0xb1: {  	[dreg:$0x5] =	wrdreg $0x9  }
0xb2: {  	_ =	task.clear_ibuf [dreg:s7], $0x6FFFF;
	_ =	strace $0x9000004F  }
0xb3: {  	s29 =	simm.s32 $0x9;
	_ =	strace $0x80000051  }
0xb4: {  	_ =	swait.ge [sflag:s29], $0x1  }
0xb5: {  	[sflag:s29] =	ssyncadd.s32 $0xFFFFFFFF  }
0xb6: {  	_ =	strace $0x90000051  }
0xb7: {  	_ =	sfence  }
0xb8: {  	s30 =	sld [smem:$0x0];
	_ =	sdelay $0x2  }
0xb9: {  	s31 =	sshll.u32 s1, $0xD;
	s1 =	sshrl.u32 s1, $0x2  }
0xba: {  	s3 =	sand.u32 $0x4000, s31;
	s1 =	sadd.s32 s1, s30  }
0xbb: {  	s0 =	sor.u32 s3, s0;
	s1 =	sshll.u32 s1, $0x11  }
0xbc: {  	s0 =	sor.u32 s1, s0  }
0xbd: {  	s0 =	sadd.s32 $0x8F2B, s0  }
0xbe: {  	[sflag:s0] =	ssyncadd.remote.s32 $0x1  }
0xbf: {  	_ =	sfence.sel $0xFFFF  }
0xc0: {  	[dreg:$0x0] =	wrdreg $0xFFFFFFFF;
	(pc) =	sbr.abs _section_cstart, $3  }
0xc1: {  	[dreg:$0x1] =	wrdreg $0xFFFFFFFF  }
0xc2: {  	_ =	task.clear_ibuf [dreg:s7], $0x2FFFF;
	_ =	strace $0x9FFFFFFF  }
0xc3: {  	(tm) =	ssettm $0x7FFFFFFF  }
tec
execute0_lowered:
.L_overlay_start_1:
0x0: {  	(tag) =	ssettag $0x1  }
0x1: {  	s0 =	rddreg [dreg:$0x0]  }
0x2: {  	s2 =	rddreg [dreg:$0x1]  }
0x3: {  	s1 =	rddreg [dreg:$0x2]  }
0x4: {  	s3 =	srdreg.scid;
	s12 =	stileid.u32  }
0x5: {  	s14 =	simm.s32 $0x80;
	s15 =	simm.s32 $0xA000;
	s16 =	simm.s32 $0xC000  }
0x6: {  	s18 =	simm.s32 $0xE000;
	s20 =	simm.s32 $0x10000;
	s22 =	simm.s32 $0x12000  }
0x7: {  	s23 =	simm.s32 $0x1;
	s28 =	simm.s32 $0x3;
	s29 =	simm.s32 $0x8  }
0x8: {  	s30 =	simm.s32 $0x4;
	s31 =	simm.s32 $0x9;
	s7 =	smul.u32 $0xA000, s12  }
0x9: {  	s17 =	simm.s32 $0x0;
	s4 =	sand.u32 $0x1, s3;
	s8 =	smul.u32 $0xA00, s12  }
0xa: {  	s3 =	simm.s32 $0x0;
	s26 =	sshll.u32 s12, $0x6;
	s5 =	smul.u32 $0xA0000, s4  }
0xb: {  	[smem:$0x7FF] =	sst s3;
	s4 =	ssub.s32 $0x2, s4;
	s12 =	sor.u32 $0x1C0B, s26  }
0xc: {  	s26 =	simm.s32 $0x7;
	_ =	strace $0x80000050;
	s9 =	sadd.s32 s8, s0  }
0xd: {  	s24 =	sshrl.u32 s4, $0x1;
	s25 =	sadd.s32 s7, s1;
	s11 =	sshrl.u32 s7, $0x3  }
0xe: {  	s6 =	sshrl.u32 s5, $0x3;
	s5 =	sadd.s32 s7, s5;
	s10 =	ssub.s32 s4, s24  }
0xf: {  	s4 =	sadd.s32 $0xC400, s9;
	s9 =	simm.s32 $0xB;
	s13 =	sshrl.u32 s25, $0x3  }
0x10: {  	s24 =	simm.s32 $0x6;
	s25 =	simm.s32 $0x2;
	s5 =	sshrl.u32 s5, $0x3  }
0x11: {  	s6 =	sadd.s32 s6, s0;
	s0 =	sadd.s32 s5, s0;
	s5 =	sadd.s32 s2, s8  }
0x12: {  	s6 =	sadd.s32 $0x16400, s6;
	s8 =	smax.u32 s10, $0x1;
	s2 =	simm.s32 $0xA  }
0x13: {  	s7 =	sadd.s32 $0x3E400, s0;
	s11 =	sadd.s32 s11, s6;
	s0 =	simm.s32 $0x5  }
.LBB2_1:
0x14: {  	[tilespmem:s3], [sflag:$0xB] =	stream.linear.gather [hbm4b:s4+s3], $0x5000, $0x38;
	[tilespmem:$0x1E000] =	vst v63  }
0x15: {  	_ =	swait.ge [sflag:s9], $0x5000  }
0x16: {  	[sflag:s9] =	ssyncset.done $0x0  }
0x17: {  	s10 =	simm.s32 $0x5000;
	[sflag:s9] =	ssyncadd.s32 $0xFFFFB000  }
0x18: {  	[tilespmem:s10], [sflag:$0xB] =	stream.linear.gather [hbm4b:s5+s3], $0x5000, $0x38;
	[tilespmem:$0x1E000] =	vst v63  }
0x19: {  	_ =	swait.ge [sflag:s9], $0x5000  }
0x1a: {  	[sflag:s9] =	ssyncset.done $0x0  }
0x1b: {  	[sflag:s9] =	ssyncadd.s32 $0xFFFFB000  }
0x1c: {  	[spmem:s13], [sflag:s12] =	dma.local [hbm:s11], $0x1400  }
0x1d: {  	_ =	swait.ge [sflag:s9], $0x1400  }
0x1e: {  	[sflag:s9] =	ssyncset.done $0x0  }
0x1f: {  	[sflag:s9] =	ssyncadd.s32 $0xFFFFEC00  }
0x20: {  	[bflag:$0x0] =	sbarrier.arrive $0xFFFF  }
0x21: {  	[tilespmem:s15], [sflag:$0x1] =	stream.indirect.gather [hbm4b:s6+s14], $0x40, s3, s14, $0xb8;
	[tilespmem:$0x1E000] =	vst v63  }
0x22: {  	_ = 	snop  }
0x23: {  	[tilespmem:s16], [sflag:$0x2] =	stream.indirect.gather [hbm4b:s6+s14], $0x40, s14, s14, $0xb8;
	[tilespmem:$0x1E000] =	vst v63  }
0x24: {  	s21 =	simm.s32 $0x100  }
0x25: {  	[tilespmem:s18], [sflag:$0x3] =	stream.indirect.gather [hbm4b:s6+s14], $0x40, s21, s14, $0xb8;
	[tilespmem:$0x1E000] =	vst v63  }
0x26: {  	s19 =	simm.s32 $0x180  }
0x27: {  	[tilespmem:s20], [sflag:$0x4] =	stream.indirect.gather [hbm4b:s6+s14], $0x40, s19, s14, $0xb8;
	[tilespmem:$0x1E000] =	vst v63  }
0x28: {  	s21 =	simm.s32 $0x200  }
0x29: {  	[tilespmem:s22], [sflag:$0x5] =	stream.indirect.gather [hbm4b:s6+s14], $0x40, s21, s14, $0xb8;
	[tilespmem:$0x1E000] =	vst v63  }
0x2a: {  	_ =	swait.ge [sflag:s23], $0x2000  }
0x2b: {  	[sflag:s23] =	ssyncset.done $0x0  }
0x2c: {  	s19 =	simm.s32 $0x5000;
	[sflag:s23] =	ssyncadd.s32 $0xFFFFE000  }
0x2d: {  	[spmem:s1] =	stream.indirect.scatter.add.f32 [tilespmem:s15], [sflag:$0x6], $0x40, s19, s14, $0xb8;
	[tilespmem:$0x1E000] =	vst v63  }
0x2e: {  	_ =	swait.ge [sflag:s24], $0x2000  }
0x2f: {  	[sflag:s24] =	ssyncset.done $0x0  }
0x30: {  	s10 =	simm.s32 $0x280;
	[sflag:s24] =	ssyncadd.s32 $0xFFFFE000  }
0x31: {  	[tilespmem:s15], [sflag:$0x1] =	stream.indirect.gather [hbm4b:s6+s14], $0x40, s10, s14, $0xb8;
	[tilespmem:$0x1E000] =	vst v63  }
0x32: {  	_ =	swait.ge [sflag:s25], $0x2000  }
0x33: {  	[sflag:s25] =	ssyncset.done $0x0  }
0x34: {  	s21 =	simm.s32 $0x5080;
	[sflag:s25] =	ssyncadd.s32 $0xFFFFE000  }
0x35: {  	[spmem:s1] =	stream.indirect.scatter.add.f32 [tilespmem:s16], [sflag:$0x7], $0x40, s21, s14, $0xb8;
	[tilespmem:$0x1E000] =	vst v63  }
0x36: {  	_ =	swait.ge [sflag:s26], $0x2000  }
0x37: {  	[sflag:s26] =	ssyncset.done $0x0  }
0x38: {  	s10 =	simm.s32 $0x300;
	[sflag:s26] =	ssyncadd.s32 $0xFFFFE000  }
0x39: {  	[tilespmem:s16], [sflag:$0x2] =	stream.indirect.gather [hbm4b:s6+s14], $0x40, s10, s14, $0xb8;
	[tilespmem:$0x1E000] =	vst v63  }
0x3a: {  	_ =	swait.ge [sflag:s28], $0x2000  }
0x3b: {  	[sflag:s28] =	ssyncset.done $0x0  }
0x3c: {  	s21 =	simm.s32 $0x5100;
	[sflag:s28] =	ssyncadd.s32 $0xFFFFE000  }
0x3d: {  	[spmem:s1] =	stream.indirect.scatter.add.f32 [tilespmem:s18], [sflag:$0x8], $0x40, s21, s14, $0xb8;
	[tilespmem:$0x1E000] =	vst v63  }
0x3e: {  	_ =	swait.ge [sflag:s29], $0x2000  }
0x3f: {  	[sflag:s29] =	ssyncset.done $0x0  }
0x40: {  	s10 =	simm.s32 $0x380;
	[sflag:s29] =	ssyncadd.s32 $0xFFFFE000  }
0x41: {  	[tilespmem:s18], [sflag:$0x3] =	stream.indirect.gather [hbm4b:s6+s14], $0x40, s10, s14, $0xb8;
	[tilespmem:$0x1E000] =	vst v63  }
0x42: {  	_ =	swait.ge [sflag:s30], $0x2000  }
0x43: {  	[sflag:s30] =	ssyncset.done $0x0  }
0x44: {  	s21 =	simm.s32 $0x5180;
	[sflag:s30] =	ssyncadd.s32 $0xFFFFE000  }
0x45: {  	[spmem:s1] =	stream.indirect.scatter.add.f32 [tilespmem:s20], [sflag:$0x9], $0x40, s21, s14, $0xb8;
	[tilespmem:$0x1E000] =	vst v63  }
0x46: {  	_ =	swait.ge [sflag:s31], $0x2000  }
0x47: {  	[sflag:s31] =	ssyncset.done $0x0  }
0x48: {  	s10 =	simm.s32 $0x400;
	[sflag:s31] =	ssyncadd.s32 $0xFFFFE000  }
0x49: {  	[tilespmem:s20], [sflag:$0x4] =	stream.indirect.gather [hbm4b:s6+s14], $0x40, s10, s14, $0xb8;
	[tilespmem:$0x1E000] =	vst v63  }
0x4a: {  	_ =	swait.ge [sflag:s0], $0x2000  }
0x4b: {  	[sflag:s0] =	ssyncset.done $0x0  }
0x4c: {  	s21 =	simm.s32 $0x5200;
	[sflag:s0] =	ssyncadd.s32 $0xFFFFE000  }
0x4d: {  	[spmem:s1] =	stream.indirect.scatter.add.f32 [tilespmem:s22], [sflag:$0xA], $0x40, s21, s14, $0xb8;
	[tilespmem:$0x1E000] =	vst v63  }
0x4e: {  	_ =	swait.ge [sflag:s2], $0x2000  }
0x4f: {  	[sflag:s2] =	ssyncset.done $0x0  }
0x50: {  	s19 =	simm.s32 $0xA00;
	s21 =	simm.s32 $0x480;
	[sflag:s2] =	ssyncadd.s32 $0xFFFFE000  }
.LBB2_2:
0x51: {  	[tilespmem:s22], [sflag:$0x5] =	stream.indirect.gather [hbm4b:s6+s14], $0x40, s21, s14, $0xb8;
	[tilespmem:$0x1E000] =	vst v63  }
0x52: {  	s21 =	smov.u32 s19  }
0x53: {  	p0 =	sne.s32 s19, $0x12C00;
	s19 =	sadd.s32 $0xA00, s19;
	_ =	swait.ge [sflag:s23], $0x2000  }
0x54: {  	s21 =	sshra.s32 s21, $0x2;
	[sflag:s23] =	ssyncset.done $0x0  }
0x55: {  	s10 =	sadd.s32 $0x5000, s21;
	[sflag:s23] =	ssyncadd.s32 $0xFFFFE000  }
0x56: {  	[spmem:s1] =	stream.indirect.scatter.add.f32 [tilespmem:s15], [sflag:$0x6], $0x40, s10, s14, $0xb8;
	[tilespmem:$0x1E000] =	vst v63  }
0x57: {  	_ =	swait.ge [sflag:s24], $0x2000  }
0x58: {  	[sflag:s24] =	ssyncset.done $0x0  }
0x59: {  	s10 =	sadd.s32 $0x280, s21;
	[sflag:s24] =	ssyncadd.s32 $0xFFFFE000  }
0x5a: {  	[tilespmem:s15], [sflag:$0x1] =	stream.indirect.gather [hbm4b:s6+s14], $0x40, s10, s14, $0xb8;
	[tilespmem:$0x1E000] =	vst v63  }
0x5b: {  	_ =	swait.ge [sflag:s25], $0x2000  }
0x5c: {  	[sflag:s25] =	ssyncset.done $0x0  }
0x5d: {  	s10 =	sadd.s32 $0x5080, s21;
	[sflag:s25] =	ssyncadd.s32 $0xFFFFE000  }
0x5e: {  	[spmem:s1] =	stream.indirect.scatter.add.f32 [tilespmem:s16], [sflag:$0x7], $0x40, s10, s14, $0xb8;
	[tilespmem:$0x1E000] =	vst v63  }
0x5f: {  	_ =	swait.ge [sflag:s26], $0x2000  }
0x60: {  	[sflag:s26] =	ssyncset.done $0x0  }
0x61: {  	s10 =	sadd.s32 $0x300, s21;
	[sflag:s26] =	ssyncadd.s32 $0xFFFFE000  }
0x62: {  	[tilespmem:s16], [sflag:$0x2] =	stream.indirect.gather [hbm4b:s6+s14], $0x40, s10, s14, $0xb8;
	[tilespmem:$0x1E000] =	vst v63  }
0x63: {  	_ =	swait.ge [sflag:s28], $0x2000  }
0x64: {  	[sflag:s28] =	ssyncset.done $0x0  }
0x65: {  	s10 =	sadd.s32 $0x5100, s21;
	[sflag:s28] =	ssyncadd.s32 $0xFFFFE000  }
0x66: {  	[spmem:s1] =	stream.indirect.scatter.add.f32 [tilespmem:s18], [sflag:$0x8], $0x40, s10, s14, $0xb8;
	[tilespmem:$0x1E000] =	vst v63  }
0x67: {  	_ =	swait.ge [sflag:s29], $0x2000  }
0x68: {  	[sflag:s29] =	ssyncset.done $0x0  }
0x69: {  	s10 =	sadd.s32 $0x380, s21;
	[sflag:s29] =	ssyncadd.s32 $0xFFFFE000  }
0x6a: {  	[tilespmem:s18], [sflag:$0x3] =	stream.indirect.gather [hbm4b:s6+s14], $0x40, s10, s14, $0xb8;
	[tilespmem:$0x1E000] =	vst v63  }
0x6b: {  	_ =	swait.ge [sflag:s30], $0x2000  }
0x6c: {  	[sflag:s30] =	ssyncset.done $0x0  }
0x6d: {  	s10 =	sadd.s32 $0x5180, s21;
	[sflag:s30] =	ssyncadd.s32 $0xFFFFE000  }
0x6e: {  	[spmem:s1] =	stream.indirect.scatter.add.f32 [tilespmem:s20], [sflag:$0x9], $0x40, s10, s14, $0xb8;
	[tilespmem:$0x1E000] =	vst v63  }
0x6f: {  	_ =	swait.ge [sflag:s31], $0x2000  }
0x70: {  	[sflag:s31] =	ssyncset.done $0x0  }
0x71: {  	s10 =	sadd.s32 $0x400, s21;
	[sflag:s31] =	ssyncadd.s32 $0xFFFFE000  }
0x72: {  	[tilespmem:s20], [sflag:$0x4] =	stream.indirect.gather [hbm4b:s6+s14], $0x40, s10, s14, $0xb8;
	[tilespmem:$0x1E000] =	vst v63  }
0x73: {  	_ =	swait.ge [sflag:s0], $0x2000  }
0x74: {  	[sflag:s0] =	ssyncset.done $0x0  }
.Ltmp0:
0x75: {  	s10 =	sadd.s32 $0x5200, s21;
	[sflag:s0] =	ssyncadd.s32 $0xFFFFE000;
	(pc) =	sbr.rel @p0 .LBB2_2-.Ltmp0, $4  }
0x76: {  	[spmem:s1] =	stream.indirect.scatter.add.f32 [tilespmem:s22], [sflag:$0xA], $0x40, s10, s14, $0xb8;
	[tilespmem:$0x1E000] =	vst v63  }
0x77: {  	_ =	swait.ge [sflag:s2], $0x2000  }
0x78: {  	[sflag:s2] =	ssyncset.done $0x0  }
0x79: {  	s21 =	sadd.s32 $0x480, s21;
	[sflag:s2] =	ssyncadd.s32 $0xFFFFE000  }
0x7a: {  	[tilespmem:s22], [sflag:$0x5] =	stream.indirect.gather [hbm4b:s6+s14], $0x40, s21, s14, $0xb8;
	[tilespmem:$0x1E000] =	vst v63  }
0x7b: {  	_ =	swait.ge [sflag:s23], $0x2000  }
0x7c: {  	[sflag:s23] =	ssyncset.done $0x0  }
0x7d: {  	s10 =	simm.s32 $0x9D80;
	[sflag:s23] =	ssyncadd.s32 $0xFFFFE000  }
0x7e: {  	[spmem:s1] =	stream.indirect.scatter.add.f32 [tilespmem:s15], [sflag:$0x6], $0x40, s10, s14, $0xb8;
	[tilespmem:$0x1E000] =	vst v63  }
0x7f: {  	_ =	swait.ge [sflag:s24], $0x2000  }
0x80: {  	[sflag:s24] =	ssyncset.done $0x0  }
0x81: {  	[sflag:s24] =	ssyncadd.s32 $0xFFFFE000  }
0x82: {  	_ =	swait.ge [sflag:s25], $0x2000  }
0x83: {  	[sflag:s25] =	ssyncset.done $0x0  }
0x84: {  	s19 =	simm.s32 $0x9E00;
	[sflag:s25] =	ssyncadd.s32 $0xFFFFE000  }
0x85: {  	[spmem:s1] =	stream.indirect.scatter.add.f32 [tilespmem:s16], [sflag:$0x7], $0x40, s19, s14, $0xb8;
	[tilespmem:$0x1E000] =	vst v63  }
0x86: {  	_ =	swait.ge [sflag:s26], $0x2000  }
0x87: {  	[sflag:s26] =	ssyncset.done $0x0  }
0x88: {  	[sflag:s26] =	ssyncadd.s32 $0xFFFFE000  }
0x89: {  	_ =	swait.ge [sflag:s28], $0x2000  }
0x8a: {  	[sflag:s28] =	ssyncset.done $0x0  }
0x8b: {  	s21 =	simm.s32 $0x9E80;
	[sflag:s28] =	ssyncadd.s32 $0xFFFFE000  }
0x8c: {  	[spmem:s1] =	stream.indirect.scatter.add.f32 [tilespmem:s18], [sflag:$0x8], $0x40, s21, s14, $0xb8;
	[tilespmem:$0x1E000] =	vst v63  }
0x8d: {  	_ =	swait.ge [sflag:s29], $0x2000  }
0x8e: {  	[sflag:s29] =	ssyncset.done $0x0  }
0x8f: {  	[sflag:s29] =	ssyncadd.s32 $0xFFFFE000  }
0x90: {  	_ =	swait.ge [sflag:s30], $0x2000  }
0x91: {  	[sflag:s30] =	ssyncset.done $0x0  }
0x92: {  	s19 =	simm.s32 $0x9F00;
	[sflag:s30] =	ssyncadd.s32 $0xFFFFE000  }
0x93: {  	[spmem:s1] =	stream.indirect.scatter.add.f32 [tilespmem:s20], [sflag:$0x9], $0x40, s19, s14, $0xb8;
	[tilespmem:$0x1E000] =	vst v63  }
0x94: {  	_ =	swait.ge [sflag:s31], $0x2000  }
0x95: {  	[sflag:s31] =	ssyncset.done $0x0  }
0x96: {  	[sflag:s31] =	ssyncadd.s32 $0xFFFFE000  }
0x97: {  	_ =	swait.ge [sflag:s0], $0x2000  }
0x98: {  	[sflag:s0] =	ssyncset.done $0x0  }
0x99: {  	s21 =	simm.s32 $0x9F80;
	[sflag:s0] =	ssyncadd.s32 $0xFFFFE000  }
0x9a: {  	[spmem:s1] =	stream.indirect.scatter.add.f32 [tilespmem:s22], [sflag:$0xA], $0x40, s21, s14, $0xb8;
	[tilespmem:$0x1E000] =	vst v63  }
0x9b: {  	_ =	swait.ge [sflag:s2], $0x2000  }
0x9c: {  	s17 =	sadd.s32 $0x1, s17;
	[sflag:s2] =	ssyncset.done $0x0  }
0x9d: {  	p0 =	sne.s32 s17, s8;
	[sflag:s2] =	ssyncadd.s32 $0xFFFFE000  }
.Ltmp1:
0x9e: {  	[bflag:$0x0] =	sbarrier.arrive $0xFFFF;
	(pc) =	sbr.rel @p0 .LBB2_1-.Ltmp1, $4  }
0x9f: {  	[hbm:s7], [sflag:s12] =	dma.local [spmem:s13], $0x1400  }
0xa0: {  	_ =	swait.ge [sflag:s9], $0x1400  }
0xa1: {  	[sflag:s9] =	ssyncset.done $0x0  }
0xa2: {  	[sflag:s9] =	ssyncadd.s32 $0xFFFFEC00  }
0xa3: {  	_ =	sfence.sel $0x180000  }
0xa4: {  	[bflag:$0x0] =	sbarrier.arrive $0xFFFF  }
0xa5: {  	_ =	strace $0x90000050  }
0xa6: {  	s0 =	stileid.u32;
	[bflag:$0x2] =	sbarrier.arrive $0xFFFF  }
0xa7: {  	p0 =	sne.s32 s0, $0x0;
	s0 =	rddreg [dreg:$0x3]  }
0xa8: {  	s0 =	sadd.s32 @!p0 $0x100000, s0  }
0xa9: {  	[sflag:s0] =	ssyncadd.tile.s32 @!p0 $0x1;
	_ =	shalt  }
.Lfunc_end2:
_tile_overlayer_lowered:
.L_overlay_start_2:
0xaa: {  	(tag) =	ssettag $0x2  }
0xab: {  	s0 =	rddreg [dreg:$0x0];
	s2 =	stileid.u32  }
0xac: {  	s1 =	rddreg [dreg:$0x1];
	p0 =	sne.s32 s2, $0x0  }
0xad: {  	s3 =	rddreg [dreg:$0x2];
	[bflag:$0x3] =	sbarrier.arrive $0xFFFF;
	s2 =	simm.s32 @!p0 $0x1C0B  }
0xae: {  	[timem:s3], [sflag:s2] =	dma.local @!p0 [hbm:s0], s1  }
0xaf: {  	s0 =	simm.s32 @!p0 $0xB  }
0xb0: {  	_ =	swait.ge @!p0 [sflag:s0], s1  }
0xb1: {  	s1 =	ssub.s32 @!p0 $0x0, s1;
	[sflag:s0] =	ssyncset.done @!p0 $0x0  }
0xb2: {  	[sflag:s0] =	ssyncadd.s32 @!p0 s1  }
0xb3: {  	[bflag:$0x3] =	sbarrier.arrive $0xFFFF  }
0xb4: {  	_ =	shalt  }

</sc_bundles>
